<compile_context>
chip_gen: v7x
topology: tpu7x:2x2x1
jax: 0.10.2.dev20260603
libtpu: 0.0.44.dev20260713+nightly
codegen_flags: <defaults>
</compile_context>

<pallas_src>
import jax
import jax.numpy as jnp
from jax import lax
from jax.experimental import pallas as pl
from jax.experimental.pallas import tpu as pltpu
from jax.experimental.pallas import tpu_sc as plsc

NUM_CLASSES = 100000
FEAT = 64
BATCH = 16384
NC = 2
NS = 16
L = 16
NW = NC * NS
DIMS_PER_W = FEAT // NW
FCHUNK = 4096
NFC = BATCH // FCHUNK
UNROLL = 8
FRING = 3
NCHUNKS = DIMS_PER_W * NFC


def _body(featT_hbm, lab_hbm, centT_hbm, out_hbm,
          lab_v, tab_v, feat_v, shared, flat_v, pvec_v, out_v,
          sem_f0, sem_f1, sem_f2, sem_t, sem_l):
    c = lax.axis_index("c")
    s = lax.axis_index("s")
    wid = c * NS + s
    sem_f = (sem_f0, sem_f1, sem_f2)

    def fire_feat(g):
        d = wid * DIMS_PER_W + g // NFC
        return pltpu.async_copy(
            featT_hbm.at[d, pl.ds((g % NFC) * FCHUNK, FCHUNK)],
            feat_v.at[pl.ds((g % FRING) * FCHUNK, FCHUNK)],
            sem_f[g % FRING])

    tab_cp = pltpu.async_copy(centT_hbm.at[wid * DIMS_PER_W], tab_v, sem_t)
    feat_cps = {g: fire_feat(g) for g in range(FRING)}
    pltpu.async_copy(lab_hbm, lab_v, sem_l).wait()

    acc = jnp.zeros((L,), jnp.float32)
    for t in range(DIMS_PER_W):
        tab_cp.wait()
        for k in range(NFC):
            g = t * NFC + k
            feat_cps[g].wait()
            if g + FRING < NCHUNKS:
                feat_cps[g + FRING] = fire_feat(g + FRING)

            accs = (acc, jnp.zeros((L,), jnp.float32),
                    jnp.zeros((L,), jnp.float32),
                    jnp.zeros((L,), jnp.float32))

            @plsc.parallel_loop(0, FCHUNK // L, step=UNROLL, carry=accs)
            def accs(i, a, _k=k, _buf=g % FRING):
                a = list(a)
                for u in range(UNROLL):
                    idx = lab_v[pl.ds(_k * FCHUNK + (i + u) * L, L)]
                    cv = plsc.load_gather(tab_v, [idx])
                    fv = feat_v[pl.ds(_buf * FCHUNK + (i + u) * L, L)]
                    df = fv - cv
                    a[u % 4] = a[u % 4] + df * df
                return tuple(a)

            acc = accs[0] + accs[1] + accs[2] + accs[3]
        if t + 1 < DIMS_PER_W:
            tab_cp = pltpu.async_copy(centT_hbm.at[wid * DIMS_PER_W + t + 1],
                                      tab_v, sem_t)

    pvec_v[...] = acc
    pltpu.sync_copy(pvec_v, shared.at[pl.ds(s * L, L)])
    plsc.subcore_barrier()

    @pl.when(s == 0)
    def _():
        pltpu.sync_copy(shared, flat_v)

        def rstep(t, tot):
            return tot + flat_v[pl.ds(t * L, L)]

        total = lax.fori_loop(0, NS, rstep, jnp.zeros((L,), jnp.float32))
        out_v[...] = total * (1.0 / (BATCH * FEAT))
        pltpu.sync_copy(out_v, out_hbm.at[c])


@jax.jit
def _center_loss(features, labels, centers):
    featT = features.T
    centT = centers.T
    lab = labels.astype(jnp.int32)
    mesh = plsc.VectorSubcoreMesh(core_axis_name="c", subcore_axis_name="s")
    run = pl.kernel(
        _body,
        out_type=jax.ShapeDtypeStruct((NC, L), jnp.float32),
        mesh=mesh,
        scratch_types=[
            pltpu.VMEM((BATCH,), jnp.int32),
            pltpu.VMEM((NUM_CLASSES,), jnp.float32),
            pltpu.VMEM((FRING * FCHUNK,), jnp.float32),
            pltpu.VMEM_SHARED((NS * L,), jnp.float32),
            pltpu.VMEM((NS * L,), jnp.float32),
            pltpu.VMEM((L,), jnp.float32),
            pltpu.VMEM((L,), jnp.float32),
            pltpu.SemaphoreType.DMA,
            pltpu.SemaphoreType.DMA,
            pltpu.SemaphoreType.DMA,
            pltpu.SemaphoreType.DMA,
            pltpu.SemaphoreType.DMA,
        ],
        compiler_params=pltpu.CompilerParams(needs_layout_passes=False),
    )
    out = run(featT, lab, centT)
    return jnp.sum(out)


def kernel(features, labels, centers):
    return _center_loss(features, labels, centers)

# --- scband reference (transcript-rebuilt; emitter-appended) ---
"""Pipeline reference for scband-center-loss-75110388073158 (READ-ONLY COPY).

The authoritative reference and input builder live on the scoring server;
editing this copy changes nothing except your own understanding.
"""

import jax, jax.numpy as jnp
import numpy as np

NUM_CLASSES = 100000
FEAT_DIM = 64
BATCH = 16384

def setup_inputs(seed: int = 0) -> dict:
    key = jax.random.key(seed)
    k1, k2, k3 = jax.random.split(key, 3)
    features = jax.random.normal(k1, (BATCH, FEAT_DIM), dtype=jnp.float32)
    labels = jax.random.randint(k2, (BATCH,), 0, NUM_CLASSES, dtype=jnp.int64)
    centers = jax.random.normal(k3, (NUM_CLASSES, FEAT_DIM), dtype=jnp.float32)
    return {"features": features, "labels": labels, "centers": centers}

def reference(features, labels, centers):
    # centers.index_select(0, labels)
    centers_batch = jnp.take(centers, labels, axis=0)
    # nn.MSELoss() default 'mean' reduction over all elements
    center_loss = jnp.mean((features - centers_batch) ** 2)
    return center_loss

if __name__ == "__main__":
    import jax
    _d = setup_inputs()
    print(jax.jit(kernel)(*tuple(_d.values())))

</pallas_src>

<mosaic_0001>
#map = affine_map<(d0, d1) -> (0, 0)>
#map1 = affine_map<(d0, d1) -> (0)>
module attributes {stable_mosaic.version = 14 : i64} {
  func.func @_body(%arg0: i32, %arg1: i32, %arg2: memref<64x16384xf32, #tpu.memory_space<hbm>>, %arg3: memref<16384xi32, #tpu.memory_space<hbm>>, %arg4: memref<64x100000xf32, #tpu.memory_space<hbm>>, %arg5: memref<2x16xf32, #tpu.memory_space<hbm>>, %arg6: memref<16384xi32, #tpu.memory_space<vmem>>, %arg7: memref<100000xf32, #tpu.memory_space<vmem>>, %arg8: memref<12288xf32, #tpu.memory_space<vmem>>, %arg9: memref<256xf32, #tpu.memory_space<vmem_shared>>, %arg10: memref<256xf32, #tpu.memory_space<vmem>>, %arg11: memref<16xf32, #tpu.memory_space<vmem>>, %arg12: memref<16xf32, #tpu.memory_space<vmem>>, %arg13: memref<!tpu.dma_semaphore, #tpu.memory_space<semaphore_mem>>, %arg14: memref<!tpu.dma_semaphore, #tpu.memory_space<semaphore_mem>>, %arg15: memref<!tpu.dma_semaphore, #tpu.memory_space<semaphore_mem>>, %arg16: memref<!tpu.dma_semaphore, #tpu.memory_space<semaphore_mem>>, %arg17: memref<!tpu.dma_semaphore, #tpu.memory_space<semaphore_mem>>) attributes {dimension_semantics = [#tpu.dimension_semantics<core_parallel>, #tpu.dimension_semantics<subcore_parallel>], iteration_bounds = array<i64: 2, 16>, scalar_prefetch = 0 : i64, scratch_operands = 12 : i64, tpu.core_type = #tpu.core_type<sc_vector_subcore>, window_params = [{transform_indices = #map}, {transform_indices = #map1}, {transform_indices = #map}, {transform_indices = #map}]} {
    %mul3A = arith.constant 16 : i32
    %mul3A_0 = arith.muli %arg0, %mul3A : i32
    %add3A = arith.addi %mul3A_0, %arg1 : i32
    %mul3A_1 = arith.constant 2 : i32
    %mul3A_2 = arith.muli %add3A, %mul3A_1 : i32
    %dma_start3A = arith.constant 0 : i32
    %dma_start3A_3 = tpu.memref_slice %arg4[%mul3A_2, %dma_start3A] : memref<64x100000xf32, #tpu.memory_space<hbm>> -> memref<1x100000xf32, #tpu.memory_space<hbm>>
    %dma_start3A_4 = tpu.memref_squeeze %dma_start3A_3 : memref<1x100000xf32, #tpu.memory_space<hbm>> -> memref<100000xf32, #tpu.memory_space<hbm>>
    %dma_start3A_5 = arith.constant 0 : i32
    %dma_start3A_6 = tpu.memref_slice %arg4[%mul3A_2, %dma_start3A_5] : memref<64x100000xf32, #tpu.memory_space<hbm>> -> memref<1x100000xf32, #tpu.memory_space<hbm>>
    %dma_start3A_7 = tpu.memref_squeeze %dma_start3A_6 : memref<1x100000xf32, #tpu.memory_space<hbm>> -> memref<100000xf32, #tpu.memory_space<hbm>>
    tpu.enqueue_dma source(%dma_start3A_7 : memref<100000xf32, #tpu.memory_space<hbm>>) target(%arg7 : memref<100000xf32, #tpu.memory_space<vmem>>) target_semaphore(%arg16 : memref<!tpu.dma_semaphore, #tpu.memory_space<semaphore_mem>>)
    %mul3A_8 = arith.constant 2 : i32
    %mul3A_9 = arith.muli %add3A, %mul3A_8 : i32
    %add3A_10 = arith.constant 0 : i32
    %add3A_11 = arith.addi %mul3A_9, %add3A_10 : i32
    %dma_start3A_12 = arith.constant 0 : i32
    %dma_start3A_13 = tpu.memref_slice %arg8[%dma_start3A_12] : memref<12288xf32, #tpu.memory_space<vmem>> -> memref<4096xf32, #tpu.memory_space<vmem>>
    %dma_start3A_14 = arith.constant 0 : i32
    %dma_start3A_15 = tpu.memref_slice %arg2[%add3A_11, %dma_start3A_14] : memref<64x16384xf32, #tpu.memory_space<hbm>> -> memref<1x4096xf32, #tpu.memory_space<hbm>>
    %dma_start3A_16 = tpu.memref_squeeze %dma_start3A_15 : memref<1x4096xf32, #tpu.memory_space<hbm>> -> memref<4096xf32, #tpu.memory_space<hbm>>
    %dma_start3A_17 = arith.constant 0 : i32
    %dma_start3A_18 = tpu.memref_slice %arg8[%dma_start3A_17] : memref<12288xf32, #tpu.memory_space<vmem>> -> memref<4096xf32, #tpu.memory_space<vmem>>
    %dma_start3A_19 = arith.constant 0 : i32
    %dma_start3A_20 = tpu.memref_slice %arg2[%add3A_11, %dma_start3A_19] : memref<64x16384xf32, #tpu.memory_space<hbm>> -> memref<1x4096xf32, #tpu.memory_space<hbm>>
    %dma_start3A_21 = tpu.memref_squeeze %dma_start3A_20 : memref<1x4096xf32, #tpu.memory_space<hbm>> -> memref<4096xf32, #tpu.memory_space<hbm>>
    tpu.enqueue_dma source(%dma_start3A_21 : memref<4096xf32, #tpu.memory_space<hbm>>) target(%dma_start3A_18 : memref<4096xf32, #tpu.memory_space<vmem>>) target_semaphore(%arg13 : memref<!tpu.dma_semaphore, #tpu.memory_space<semaphore_mem>>)
    %mul3A_22 = arith.constant 2 : i32
    %mul3A_23 = arith.muli %add3A, %mul3A_22 : i32
    %add3A_24 = arith.constant 0 : i32
    %add3A_25 = arith.addi %mul3A_23, %add3A_24 : i32
    %dma_start3A_26 = arith.constant 4096 : i32
    %dma_start3A_27 = tpu.memref_slice %arg8[%dma_start3A_26] : memref<12288xf32, #tpu.memory_space<vmem>> -> memref<4096xf32, #tpu.memory_space<vmem>>
    %dma_start3A_28 = arith.constant 4096 : i32
    %dma_start3A_29 = tpu.memref_slice %arg2[%add3A_25, %dma_start3A_28] : memref<64x16384xf32, #tpu.memory_space<hbm>> -> memref<1x4096xf32, #tpu.memory_space<hbm>>
    %dma_start3A_30 = tpu.memref_squeeze %dma_start3A_29 : memref<1x4096xf32, #tpu.memory_space<hbm>> -> memref<4096xf32, #tpu.memory_space<hbm>>
    %dma_start3A_31 = arith.constant 4096 : i32
    %dma_start3A_32 = tpu.memref_slice %arg8[%dma_start3A_31] : memref<12288xf32, #tpu.memory_space<vmem>> -> memref<4096xf32, #tpu.memory_space<vmem>>
    %dma_start3A_33 = arith.constant 4096 : i32
    %dma_start3A_34 = tpu.memref_slice %arg2[%add3A_25, %dma_start3A_33] : memref<64x16384xf32, #tpu.memory_space<hbm>> -> memref<1x4096xf32, #tpu.memory_space<hbm>>
    %dma_start3A_35 = tpu.memref_squeeze %dma_start3A_34 : memref<1x4096xf32, #tpu.memory_space<hbm>> -> memref<4096xf32, #tpu.memory_space<hbm>>
    tpu.enqueue_dma source(%dma_start3A_35 : memref<4096xf32, #tpu.memory_space<hbm>>) target(%dma_start3A_32 : memref<4096xf32, #tpu.memory_space<vmem>>) target_semaphore(%arg14 : memref<!tpu.dma_semaphore, #tpu.memory_space<semaphore_mem>>)
    %mul3A_36 = arith.constant 2 : i32
    %mul3A_37 = arith.muli %add3A, %mul3A_36 : i32
    %add3A_38 = arith.constant 0 : i32
    %add3A_39 = arith.addi %mul3A_37, %add3A_38 : i32
    %dma_start3A_40 = arith.constant 8192 : i32
    %dma_start3A_41 = tpu.memref_slice %arg8[%dma_start3A_40] : memref<12288xf32, #tpu.memory_space<vmem>> -> memref<4096xf32, #tpu.memory_space<vmem>>
    %dma_start3A_42 = arith.constant 8192 : i32
    %dma_start3A_43 = tpu.memref_slice %arg2[%add3A_39, %dma_start3A_42] : memref<64x16384xf32, #tpu.memory_space<hbm>> -> memref<1x4096xf32, #tpu.memory_space<hbm>>
    %dma_start3A_44 = tpu.memref_squeeze %dma_start3A_43 : memref<1x4096xf32, #tpu.memory_space<hbm>> -> memref<4096xf32, #tpu.memory_space<hbm>>
    %dma_start3A_45 = arith.constant 8192 : i32
    %dma_start3A_46 = tpu.memref_slice %arg8[%dma_start3A_45] : memref<12288xf32, #tpu.memory_space<vmem>> -> memref<4096xf32, #tpu.memory_space<vmem>>
    %dma_start3A_47 = arith.constant 8192 : i32
    %dma_start3A_48 = tpu.memref_slice %arg2[%add3A_39, %dma_start3A_47] : memref<64x16384xf32, #tpu.memory_space<hbm>> -> memref<1x4096xf32, #tpu.memory_space<hbm>>
    %dma_start3A_49 = tpu.memref_squeeze %dma_start3A_48 : memref<1x4096xf32, #tpu.memory_space<hbm>> -> memref<4096xf32, #tpu.memory_space<hbm>>
    tpu.enqueue_dma source(%dma_start3A_49 : memref<4096xf32, #tpu.memory_space<hbm>>) target(%dma_start3A_46 : memref<4096xf32, #tpu.memory_space<vmem>>) target_semaphore(%arg15 : memref<!tpu.dma_semaphore, #tpu.memory_space<semaphore_mem>>)
    tpu.enqueue_dma source(%arg3 : memref<16384xi32, #tpu.memory_space<hbm>>) target(%arg6 : memref<16384xi32, #tpu.memory_space<vmem>>) target_semaphore(%arg17 : memref<!tpu.dma_semaphore, #tpu.memory_space<semaphore_mem>>)
    tpu.wait_dma2 semaphore(%arg17 : memref<!tpu.dma_semaphore, #tpu.memory_space<semaphore_mem>>) src(%arg3 : memref<16384xi32, #tpu.memory_space<hbm>>) dst(%arg6 : memref<16384xi32, #tpu.memory_space<vmem>>)
    %broadcast_in_dim3A = arith.constant 0.000000e+00 : f32
    %broadcast_in_dim3A_50 = vector.broadcast %broadcast_in_dim3A : f32 to vector<16xf32>
    %dma_wait3A = arith.constant 0 : i32
    %dma_wait3A_51 = tpu.memref_slice %arg4[%mul3A_2, %dma_wait3A] : memref<64x100000xf32, #tpu.memory_space<hbm>> -> memref<1x100000xf32, #tpu.memory_space<hbm>>
    %dma_wait3A_52 = tpu.memref_squeeze %dma_wait3A_51 : memref<1x100000xf32, #tpu.memory_space<hbm>> -> memref<100000xf32, #tpu.memory_space<hbm>>
    %dma_wait3A_53 = arith.constant 0 : i32
    %dma_wait3A_54 = tpu.memref_slice %arg4[%mul3A_2, %dma_wait3A_53] : memref<64x100000xf32, #tpu.memory_space<hbm>> -> memref<1x100000xf32, #tpu.memory_space<hbm>>
    %dma_wait3A_55 = tpu.memref_squeeze %dma_wait3A_54 : memref<1x100000xf32, #tpu.memory_space<hbm>> -> memref<100000xf32, #tpu.memory_space<hbm>>
    tpu.wait_dma2 semaphore(%arg16 : memref<!tpu.dma_semaphore, #tpu.memory_space<semaphore_mem>>) src(%dma_wait3A_55 : memref<100000xf32, #tpu.memory_space<hbm>>) dst(%arg7 : memref<100000xf32, #tpu.memory_space<vmem>>)
    %dma_wait3A_56 = arith.constant 0 : i32
    %dma_wait3A_57 = tpu.memref_slice %arg8[%dma_wait3A_56] : memref<12288xf32, #tpu.memory_space<vmem>> -> memref<4096xf32, #tpu.memory_space<vmem>>
    %dma_wait3A_58 = arith.constant 0 : i32
    %dma_wait3A_59 = tpu.memref_slice %arg2[%add3A_11, %dma_wait3A_58] : memref<64x16384xf32, #tpu.memory_space<hbm>> -> memref<1x4096xf32, #tpu.memory_space<hbm>>
    %dma_wait3A_60 = tpu.memref_squeeze %dma_wait3A_59 : memref<1x4096xf32, #tpu.memory_space<hbm>> -> memref<4096xf32, #tpu.memory_space<hbm>>
    %dma_wait3A_61 = arith.constant 0 : i32
    %dma_wait3A_62 = tpu.memref_slice %arg8[%dma_wait3A_61] : memref<12288xf32, #tpu.memory_space<vmem>> -> memref<4096xf32, #tpu.memory_space<vmem>>
    %dma_wait3A_63 = arith.constant 0 : i32
    %dma_wait3A_64 = tpu.memref_slice %arg2[%add3A_11, %dma_wait3A_63] : memref<64x16384xf32, #tpu.memory_space<hbm>> -> memref<1x4096xf32, #tpu.memory_space<hbm>>
    %dma_wait3A_65 = tpu.memref_squeeze %dma_wait3A_64 : memref<1x4096xf32, #tpu.memory_space<hbm>> -> memref<4096xf32, #tpu.memory_space<hbm>>
    tpu.wait_dma2 semaphore(%arg13 : memref<!tpu.dma_semaphore, #tpu.memory_space<semaphore_mem>>) src(%dma_wait3A_65 : memref<4096xf32, #tpu.memory_space<hbm>>) dst(%dma_wait3A_62 : memref<4096xf32, #tpu.memory_space<vmem>>)
    %mul3A_66 = arith.constant 2 : i32
    %mul3A_67 = arith.muli %add3A, %mul3A_66 : i32
    %add3A_68 = arith.constant 0 : i32
    %add3A_69 = arith.addi %mul3A_67, %add3A_68 : i32
    %dma_start3A_70 = arith.constant 0 : i32
    %dma_start3A_71 = tpu.memref_slice %arg8[%dma_start3A_70] : memref<12288xf32, #tpu.memory_space<vmem>> -> memref<4096xf32, #tpu.memory_space<vmem>>
    %dma_start3A_72 = arith.constant 12288 : i32
    %dma_start3A_73 = tpu.memref_slice %arg2[%add3A_69, %dma_start3A_72] : memref<64x16384xf32, #tpu.memory_space<hbm>> -> memref<1x4096xf32, #tpu.memory_space<hbm>>
    %dma_start3A_74 = tpu.memref_squeeze %dma_start3A_73 : memref<1x4096xf32, #tpu.memory_space<hbm>> -> memref<4096xf32, #tpu.memory_space<hbm>>
    %dma_start3A_75 = arith.constant 0 : i32
    %dma_start3A_76 = tpu.memref_slice %arg8[%dma_start3A_75] : memref<12288xf32, #tpu.memory_space<vmem>> -> memref<4096xf32, #tpu.memory_space<vmem>>
    %dma_start3A_77 = arith.constant 12288 : i32
    %dma_start3A_78 = tpu.memref_slice %arg2[%add3A_69, %dma_start3A_77] : memref<64x16384xf32, #tpu.memory_space<hbm>> -> memref<1x4096xf32, #tpu.memory_space<hbm>>
    %dma_start3A_79 = tpu.memref_squeeze %dma_start3A_78 : memref<1x4096xf32, #tpu.memory_space<hbm>> -> memref<4096xf32, #tpu.memory_space<hbm>>
    tpu.enqueue_dma source(%dma_start3A_79 : memref<4096xf32, #tpu.memory_space<hbm>>) target(%dma_start3A_76 : memref<4096xf32, #tpu.memory_space<vmem>>) target_semaphore(%arg13 : memref<!tpu.dma_semaphore, #tpu.memory_space<semaphore_mem>>)
    %broadcast_in_dim3A_80 = arith.constant 0.000000e+00 : f32
    %broadcast_in_dim3A_81 = vector.broadcast %broadcast_in_dim3A_80 : f32 to vector<16xf32>
    %broadcast_in_dim3A_82 = arith.constant 0.000000e+00 : f32
    %broadcast_in_dim3A_83 = vector.broadcast %broadcast_in_dim3A_82 : f32 to vector<16xf32>
    %broadcast_in_dim3A_84 = arith.constant 0.000000e+00 : f32
    %broadcast_in_dim3A_85 = vector.broadcast %broadcast_in_dim3A_84 : f32 to vector<16xf32>
    %parallel_loop3A = arith.constant 0 : i32
    %parallel_loop3A_86 = arith.constant 256 : i32
    %parallel_loop3A_87 = arith.constant 8 : i32
    %parallel_loop3A_88:4 = scf.for %parallel_loop3A_332 = %parallel_loop3A to %parallel_loop3A_86 step %parallel_loop3A_87 iter_args(%parallel_loop3A_333 = %broadcast_in_dim3A_50, %parallel_loop3A_334 = %broadcast_in_dim3A_81, %parallel_loop3A_335 = %broadcast_in_dim3A_83, %parallel_loop3A_336 = %broadcast_in_dim3A_85) -> (vector<16xf32>, vector<16xf32>, vector<16xf32>, vector<16xf32>)  : i32 {
      %parallel_loop3A_337 = arith.constant 0 : i32
      %parallel_loop3A_338 = arith.addi %parallel_loop3A_332, %parallel_loop3A_337 : i32
      %parallel_loop3A_339 = arith.constant 16 : i32
      %parallel_loop3A_340 = arith.muli %parallel_loop3A_338, %parallel_loop3A_339 : i32
      %parallel_loop3A_341 = arith.constant 0 : i32
      %parallel_loop3A_342 = arith.addi %parallel_loop3A_341, %parallel_loop3A_340 : i32
      %parallel_loop3A_343 = arith.index_cast %parallel_loop3A_342 : i32 to index
      %parallel_loop3A_344 = tpu.vector_load %arg6[%parallel_loop3A_343] {strides = array<i32>} : memref<16384xi32, #tpu.memory_space<vmem>>, vector<16xi32>,
      %parallel_loop3A_345 = tpu.vector_load_idx %arg7[%parallel_loop3A_344] : memref<100000xf32, #tpu.memory_space<vmem>>[vector<16xi32>], vector<16xf32>,
      %parallel_loop3A_346 = arith.constant 0 : i32
      %parallel_loop3A_347 = arith.addi %parallel_loop3A_332, %parallel_loop3A_346 : i32
      %parallel_loop3A_348 = arith.constant 16 : i32
      %parallel_loop3A_349 = arith.muli %parallel_loop3A_347, %parallel_loop3A_348 : i32
      %parallel_loop3A_350 = arith.constant 0 : i32
      %parallel_loop3A_351 = arith.addi %parallel_loop3A_350, %parallel_loop3A_349 : i32
      %parallel_loop3A_352 = arith.index_cast %parallel_loop3A_351 : i32 to index
      %parallel_loop3A_353 = tpu.vector_load %arg8[%parallel_loop3A_352] {strides = array<i32>} : memref<12288xf32, #tpu.memory_space<vmem>>, vector<16xf32>,
      %parallel_loop3A_354 = arith.subf %parallel_loop3A_353, %parallel_loop3A_345 : vector<16xf32>
      %parallel_loop3A_355 = arith.mulf %parallel_loop3A_354, %parallel_loop3A_354 : vector<16xf32>
      %parallel_loop3A_356 = arith.addf %parallel_loop3A_333, %parallel_loop3A_355 : vector<16xf32>
      %parallel_loop3A_357 = arith.constant 1 : i32
      %parallel_loop3A_358 = arith.addi %parallel_loop3A_332, %parallel_loop3A_357 : i32
      %parallel_loop3A_359 = arith.constant 16 : i32
      %parallel_loop3A_360 = arith.muli %parallel_loop3A_358, %parallel_loop3A_359 : i32
      %parallel_loop3A_361 = arith.constant 0 : i32
      %parallel_loop3A_362 = arith.addi %parallel_loop3A_361, %parallel_loop3A_360 : i32
      %parallel_loop3A_363 = arith.index_cast %parallel_loop3A_362 : i32 to index
      %parallel_loop3A_364 = tpu.vector_load %arg6[%parallel_loop3A_363] {strides = array<i32>} : memref<16384xi32, #tpu.memory_space<vmem>>, vector<16xi32>,
      %parallel_loop3A_365 = tpu.vector_load_idx %arg7[%parallel_loop3A_364] : memref<100000xf32, #tpu.memory_space<vmem>>[vector<16xi32>], vector<16xf32>,
      %parallel_loop3A_366 = arith.constant 1 : i32
      %parallel_loop3A_367 = arith.addi %parallel_loop3A_332, %parallel_loop3A_366 : i32
      %parallel_loop3A_368 = arith.constant 16 : i32
      %parallel_loop3A_369 = arith.muli %parallel_loop3A_367, %parallel_loop3A_368 : i32
      %parallel_loop3A_370 = arith.constant 0 : i32
      %parallel_loop3A_371 = arith.addi %parallel_loop3A_370, %parallel_loop3A_369 : i32
      %parallel_loop3A_372 = arith.index_cast %parallel_loop3A_371 : i32 to index
      %parallel_loop3A_373 = tpu.vector_load %arg8[%parallel_loop3A_372] {strides = array<i32>} : memref<12288xf32, #tpu.memory_space<vmem>>, vector<16xf32>,
      %parallel_loop3A_374 = arith.subf %parallel_loop3A_373, %parallel_loop3A_365 : vector<16xf32>
      %parallel_loop3A_375 = arith.mulf %parallel_loop3A_374, %parallel_loop3A_374 : vector<16xf32>
      %parallel_loop3A_376 = arith.addf %parallel_loop3A_334, %parallel_loop3A_375 : vector<16xf32>
      %parallel_loop3A_377 = arith.constant 2 : i32
      %parallel_loop3A_378 = arith.addi %parallel_loop3A_332, %parallel_loop3A_377 : i32
      %parallel_loop3A_379 = arith.constant 16 : i32
      %parallel_loop3A_380 = arith.muli %parallel_loop3A_378, %parallel_loop3A_379 : i32
      %parallel_loop3A_381 = arith.constant 0 : i32
      %parallel_loop3A_382 = arith.addi %parallel_loop3A_381, %parallel_loop3A_380 : i32
      %parallel_loop3A_383 = arith.index_cast %parallel_loop3A_382 : i32 to index
      %parallel_loop3A_384 = tpu.vector_load %arg6[%parallel_loop3A_383] {strides = array<i32>} : memref<16384xi32, #tpu.memory_space<vmem>>, vector<16xi32>,
      %parallel_loop3A_385 = tpu.vector_load_idx %arg7[%parallel_loop3A_384] : memref<100000xf32, #tpu.memory_space<vmem>>[vector<16xi32>], vector<16xf32>,
      %parallel_loop3A_386 = arith.constant 2 : i32
      %parallel_loop3A_387 = arith.addi %parallel_loop3A_332, %parallel_loop3A_386 : i32
      %parallel_loop3A_388 = arith.constant 16 : i32
      %parallel_loop3A_389 = arith.muli %parallel_loop3A_387, %parallel_loop3A_388 : i32
      %parallel_loop3A_390 = arith.constant 0 : i32
      %parallel_loop3A_391 = arith.addi %parallel_loop3A_390, %parallel_loop3A_389 : i32
      %parallel_loop3A_392 = arith.index_cast %parallel_loop3A_391 : i32 to index
      %parallel_loop3A_393 = tpu.vector_load %arg8[%parallel_loop3A_392] {strides = array<i32>} : memref<12288xf32, #tpu.memory_space<vmem>>, vector<16xf32>,
      %parallel_loop3A_394 = arith.subf %parallel_loop3A_393, %parallel_loop3A_385 : vector<16xf32>
      %parallel_loop3A_395 = arith.mulf %parallel_loop3A_394, %parallel_loop3A_394 : vector<16xf32>
      %parallel_loop3A_396 = arith.addf %parallel_loop3A_335, %parallel_loop3A_395 : vector<16xf32>
      %parallel_loop3A_397 = arith.constant 3 : i32
      %parallel_loop3A_398 = arith.addi %parallel_loop3A_332, %parallel_loop3A_397 : i32
      %parallel_loop3A_399 = arith.constant 16 : i32
      %parallel_loop3A_400 = arith.muli %parallel_loop3A_398, %parallel_loop3A_399 : i32
      %parallel_loop3A_401 = arith.constant 0 : i32
      %parallel_loop3A_402 = arith.addi %parallel_loop3A_401, %parallel_loop3A_400 : i32
      %parallel_loop3A_403 = arith.index_cast %parallel_loop3A_402 : i32 to index
      %parallel_loop3A_404 = tpu.vector_load %arg6[%parallel_loop3A_403] {strides = array<i32>} : memref<16384xi32, #tpu.memory_space<vmem>>, vector<16xi32>,
      %parallel_loop3A_405 = tpu.vector_load_idx %arg7[%parallel_loop3A_404] : memref<100000xf32, #tpu.memory_space<vmem>>[vector<16xi32>], vector<16xf32>,
      %parallel_loop3A_406 = arith.constant 3 : i32
      %parallel_loop3A_407 = arith.addi %parallel_loop3A_332, %parallel_loop3A_406 : i32
      %parallel_loop3A_408 = arith.constant 16 : i32
      %parallel_loop3A_409 = arith.muli %parallel_loop3A_407, %parallel_loop3A_408 : i32
      %parallel_loop3A_410 = arith.constant 0 : i32
      %parallel_loop3A_411 = arith.addi %parallel_loop3A_410, %parallel_loop3A_409 : i32
      %parallel_loop3A_412 = arith.index_cast %parallel_loop3A_411 : i32 to index
      %parallel_loop3A_413 = tpu.vector_load %arg8[%parallel_loop3A_412] {strides = array<i32>} : memref<12288xf32, #tpu.memory_space<vmem>>, vector<16xf32>,
      %parallel_loop3A_414 = arith.subf %parallel_loop3A_413, %parallel_loop3A_405 : vector<16xf32>
      %parallel_loop3A_415 = arith.mulf %parallel_loop3A_414, %parallel_loop3A_414 : vector<16xf32>
      %parallel_loop3A_416 = arith.addf %parallel_loop3A_336, %parallel_loop3A_415 : vector<16xf32>
      %parallel_loop3A_417 = arith.constant 4 : i32
      %parallel_loop3A_418 = arith.addi %parallel_loop3A_332, %parallel_loop3A_417 : i32
      %parallel_loop3A_419 = arith.constant 16 : i32
      %parallel_loop3A_420 = arith.muli %parallel_loop3A_418, %parallel_loop3A_419 : i32
      %parallel_loop3A_421 = arith.constant 0 : i32
      %parallel_loop3A_422 = arith.addi %parallel_loop3A_421, %parallel_loop3A_420 : i32
      %parallel_loop3A_423 = arith.index_cast %parallel_loop3A_422 : i32 to index
      %parallel_loop3A_424 = tpu.vector_load %arg6[%parallel_loop3A_423] {strides = array<i32>} : memref<16384xi32, #tpu.memory_space<vmem>>, vector<16xi32>,
      %parallel_loop3A_425 = tpu.vector_load_idx %arg7[%parallel_loop3A_424] : memref<100000xf32, #tpu.memory_space<vmem>>[vector<16xi32>], vector<16xf32>,
      %parallel_loop3A_426 = arith.constant 4 : i32
      %parallel_loop3A_427 = arith.addi %parallel_loop3A_332, %parallel_loop3A_426 : i32
      %parallel_loop3A_428 = arith.constant 16 : i32
      %parallel_loop3A_429 = arith.muli %parallel_loop3A_427, %parallel_loop3A_428 : i32
      %parallel_loop3A_430 = arith.constant 0 : i32
      %parallel_loop3A_431 = arith.addi %parallel_loop3A_430, %parallel_loop3A_429 : i32
      %parallel_loop3A_432 = arith.index_cast %parallel_loop3A_431 : i32 to index
      %parallel_loop3A_433 = tpu.vector_load %arg8[%parallel_loop3A_432] {strides = array<i32>} : memref<12288xf32, #tpu.memory_space<vmem>>, vector<16xf32>,
      %parallel_loop3A_434 = arith.subf %parallel_loop3A_433, %parallel_loop3A_425 : vector<16xf32>
      %parallel_loop3A_435 = arith.mulf %parallel_loop3A_434, %parallel_loop3A_434 : vector<16xf32>
      %parallel_loop3A_436 = arith.addf %parallel_loop3A_356, %parallel_loop3A_435 : vector<16xf32>
      %parallel_loop3A_437 = arith.constant 5 : i32
      %parallel_loop3A_438 = arith.addi %parallel_loop3A_332, %parallel_loop3A_437 : i32
      %parallel_loop3A_439 = arith.constant 16 : i32
      %parallel_loop3A_440 = arith.muli %parallel_loop3A_438, %parallel_loop3A_439 : i32
      %parallel_loop3A_441 = arith.constant 0 : i32
      %parallel_loop3A_442 = arith.addi %parallel_loop3A_441, %parallel_loop3A_440 : i32
      %parallel_loop3A_443 = arith.index_cast %parallel_loop3A_442 : i32 to index
      %parallel_loop3A_444 = tpu.vector_load %arg6[%parallel_loop3A_443] {strides = array<i32>} : memref<16384xi32, #tpu.memory_space<vmem>>, vector<16xi32>,
      %parallel_loop3A_445 = tpu.vector_load_idx %arg7[%parallel_loop3A_444] : memref<100000xf32, #tpu.memory_space<vmem>>[vector<16xi32>], vector<16xf32>,
      %parallel_loop3A_446 = arith.constant 5 : i32
      %parallel_loop3A_447 = arith.addi %parallel_loop3A_332, %parallel_loop3A_446 : i32
      %parallel_loop3A_448 = arith.constant 16 : i32
      %parallel_loop3A_449 = arith.muli %parallel_loop3A_447, %parallel_loop3A_448 : i32
      %parallel_loop3A_450 = arith.constant 0 : i32
      %parallel_loop3A_451 = arith.addi %parallel_loop3A_450, %parallel_loop3A_449 : i32
      %parallel_loop3A_452 = arith.index_cast %parallel_loop3A_451 : i32 to index
      %parallel_loop3A_453 = tpu.vector_load %arg8[%parallel_loop3A_452] {strides = array<i32>} : memref<12288xf32, #tpu.memory_space<vmem>>, vector<16xf32>,
      %parallel_loop3A_454 = arith.subf %parallel_loop3A_453, %parallel_loop3A_445 : vector<16xf32>
      %parallel_loop3A_455 = arith.mulf %parallel_loop3A_454, %parallel_loop3A_454 : vector<16xf32>
      %parallel_loop3A_456 = arith.addf %parallel_loop3A_376, %parallel_loop3A_455 : vector<16xf32>
      %parallel_loop3A_457 = arith.constant 6 : i32
      %parallel_loop3A_458 = arith.addi %parallel_loop3A_332, %parallel_loop3A_457 : i32
      %parallel_loop3A_459 = arith.constant 16 : i32
      %parallel_loop3A_460 = arith.muli %parallel_loop3A_458, %parallel_loop3A_459 : i32
      %parallel_loop3A_461 = arith.constant 0 : i32
      %parallel_loop3A_462 = arith.addi %parallel_loop3A_461, %parallel_loop3A_460 : i32
      %parallel_loop3A_463 = arith.index_cast %parallel_loop3A_462 : i32 to index
      %parallel_loop3A_464 = tpu.vector_load %arg6[%parallel_loop3A_463] {strides = array<i32>} : memref<16384xi32, #tpu.memory_space<vmem>>, vector<16xi32>,
      %parallel_loop3A_465 = tpu.vector_load_idx %arg7[%parallel_loop3A_464] : memref<100000xf32, #tpu.memory_space<vmem>>[vector<16xi32>], vector<16xf32>,
      %parallel_loop3A_466 = arith.constant 6 : i32
      %parallel_loop3A_467 = arith.addi %parallel_loop3A_332, %parallel_loop3A_466 : i32
      %parallel_loop3A_468 = arith.constant 16 : i32
      %parallel_loop3A_469 = arith.muli %parallel_loop3A_467, %parallel_loop3A_468 : i32
      %parallel_loop3A_470 = arith.constant 0 : i32
      %parallel_loop3A_471 = arith.addi %parallel_loop3A_470, %parallel_loop3A_469 : i32
      %parallel_loop3A_472 = arith.index_cast %parallel_loop3A_471 : i32 to index
      %parallel_loop3A_473 = tpu.vector_load %arg8[%parallel_loop3A_472] {strides = array<i32>} : memref<12288xf32, #tpu.memory_space<vmem>>, vector<16xf32>,
      %parallel_loop3A_474 = arith.subf %parallel_loop3A_473, %parallel_loop3A_465 : vector<16xf32>
      %parallel_loop3A_475 = arith.mulf %parallel_loop3A_474, %parallel_loop3A_474 : vector<16xf32>
      %parallel_loop3A_476 = arith.addf %parallel_loop3A_396, %parallel_loop3A_475 : vector<16xf32>
      %parallel_loop3A_477 = arith.constant 7 : i32
      %parallel_loop3A_478 = arith.addi %parallel_loop3A_332, %parallel_loop3A_477 : i32
      %parallel_loop3A_479 = arith.constant 16 : i32
      %parallel_loop3A_480 = arith.muli %parallel_loop3A_478, %parallel_loop3A_479 : i32
      %parallel_loop3A_481 = arith.constant 0 : i32
      %parallel_loop3A_482 = arith.addi %parallel_loop3A_481, %parallel_loop3A_480 : i32
      %parallel_loop3A_483 = arith.index_cast %parallel_loop3A_482 : i32 to index
      %parallel_loop3A_484 = tpu.vector_load %arg6[%parallel_loop3A_483] {strides = array<i32>} : memref<16384xi32, #tpu.memory_space<vmem>>, vector<16xi32>,
      %parallel_loop3A_485 = tpu.vector_load_idx %arg7[%parallel_loop3A_484] : memref<100000xf32, #tpu.memory_space<vmem>>[vector<16xi32>], vector<16xf32>,
      %parallel_loop3A_486 = arith.constant 7 : i32
      %parallel_loop3A_487 = arith.addi %parallel_loop3A_332, %parallel_loop3A_486 : i32
      %parallel_loop3A_488 = arith.constant 16 : i32
      %parallel_loop3A_489 = arith.muli %parallel_loop3A_487, %parallel_loop3A_488 : i32
      %parallel_loop3A_490 = arith.constant 0 : i32
      %parallel_loop3A_491 = arith.addi %parallel_loop3A_490, %parallel_loop3A_489 : i32
      %parallel_loop3A_492 = arith.index_cast %parallel_loop3A_491 : i32 to index
      %parallel_loop3A_493 = tpu.vector_load %arg8[%parallel_loop3A_492] {strides = array<i32>} : memref<12288xf32, #tpu.memory_space<vmem>>, vector<16xf32>,
      %parallel_loop3A_494 = arith.subf %parallel_loop3A_493, %parallel_loop3A_485 : vector<16xf32>
      %parallel_loop3A_495 = arith.mulf %parallel_loop3A_494, %parallel_loop3A_494 : vector<16xf32>
      %parallel_loop3A_496 = arith.addf %parallel_loop3A_416, %parallel_loop3A_495 : vector<16xf32>
      scf.yield %parallel_loop3A_436, %parallel_loop3A_456, %parallel_loop3A_476, %parallel_loop3A_496 : vector<16xf32>, vector<16xf32>, vector<16xf32>, vector<16xf32>
    } {sc.loop_unroll_factor = 1 : i64, sc.parallel_access}
    %add3A_89 = arith.addf %parallel_loop3A_88#0, %parallel_loop3A_88#1 : vector<16xf32>
    %add3A_90 = arith.addf %add3A_89, %parallel_loop3A_88#2 : vector<16xf32>
    %add3A_91 = arith.addf %add3A_90, %parallel_loop3A_88#3 : vector<16xf32>
    %dma_wait3A_92 = arith.constant 4096 : i32
    %dma_wait3A_93 = tpu.memref_slice %arg8[%dma_wait3A_92] : memref<12288xf32, #tpu.memory_space<vmem>> -> memref<4096xf32, #tpu.memory_space<vmem>>
    %dma_wait3A_94 = arith.constant 4096 : i32
    %dma_wait3A_95 = tpu.memref_slice %arg2[%add3A_25, %dma_wait3A_94] : memref<64x16384xf32, #tpu.memory_space<hbm>> -> memref<1x4096xf32, #tpu.memory_space<hbm>>
    %dma_wait3A_96 = tpu.memref_squeeze %dma_wait3A_95 : memref<1x4096xf32, #tpu.memory_space<hbm>> -> memref<4096xf32, #tpu.memory_space<hbm>>
    %dma_wait3A_97 = arith.constant 4096 : i32
    %dma_wait3A_98 = tpu.memref_slice %arg8[%dma_wait3A_97] : memref<12288xf32, #tpu.memory_space<vmem>> -> memref<4096xf32, #tpu.memory_space<vmem>>
    %dma_wait3A_99 = arith.constant 4096 : i32
    %dma_wait3A_100 = tpu.memref_slice %arg2[%add3A_25, %dma_wait3A_99] : memref<64x16384xf32, #tpu.memory_space<hbm>> -> memref<1x4096xf32, #tpu.memory_space<hbm>>
    %dma_wait3A_101 = tpu.memref_squeeze %dma_wait3A_100 : memref<1x4096xf32, #tpu.memory_space<hbm>> -> memref<4096xf32, #tpu.memory_space<hbm>>
    tpu.wait_dma2 semaphore(%arg14 : memref<!tpu.dma_semaphore, #tpu.memory_space<semaphore_mem>>) src(%dma_wait3A_101 : memref<4096xf32, #tpu.memory_space<hbm>>) dst(%dma_wait3A_98 : memref<4096xf32, #tpu.memory_space<vmem>>)
    %mul3A_102 = arith.constant 2 : i32
    %mul3A_103 = arith.muli %add3A, %mul3A_102 : i32
    %add3A_104 = arith.constant 1 : i32
    %add3A_105 = arith.addi %mul3A_103, %add3A_104 : i32
    %dma_start3A_106 = arith.constant 4096 : i32
    %dma_start3A_107 = tpu.memref_slice %arg8[%dma_start3A_106] : memref<12288xf32, #tpu.memory_space<vmem>> -> memref<4096xf32, #tpu.memory_space<vmem>>
    %dma_start3A_108 = arith.constant 0 : i32
    %dma_start3A_109 = tpu.memref_slice %arg2[%add3A_105, %dma_start3A_108] : memref<64x16384xf32, #tpu.memory_space<hbm>> -> memref<1x4096xf32, #tpu.memory_space<hbm>>
    %dma_start3A_110 = tpu.memref_squeeze %dma_start3A_109 : memref<1x4096xf32, #tpu.memory_space<hbm>> -> memref<4096xf32, #tpu.memory_space<hbm>>
    %dma_start3A_111 = arith.constant 4096 : i32
    %dma_start3A_112 = tpu.memref_slice %arg8[%dma_start3A_111] : memref<12288xf32, #tpu.memory_space<vmem>> -> memref<4096xf32, #tpu.memory_space<vmem>>
    %dma_start3A_113 = arith.constant 0 : i32
    %dma_start3A_114 = tpu.memref_slice %arg2[%add3A_105, %dma_start3A_113] : memref<64x16384xf32, #tpu.memory_space<hbm>> -> memref<1x4096xf32, #tpu.memory_space<hbm>>
    %dma_start3A_115 = tpu.memref_squeeze %dma_start3A_114 : memref<1x4096xf32, #tpu.memory_space<hbm>> -> memref<4096xf32, #tpu.memory_space<hbm>>
    tpu.enqueue_dma source(%dma_start3A_115 : memref<4096xf32, #tpu.memory_space<hbm>>) target(%dma_start3A_112 : memref<4096xf32, #tpu.memory_space<vmem>>) target_semaphore(%arg14 : memref<!tpu.dma_semaphore, #tpu.memory_space<semaphore_mem>>)
    %broadcast_in_dim3A_116 = arith.constant 0.000000e+00 : f32
    %broadcast_in_dim3A_117 = vector.broadcast %broadcast_in_dim3A_116 : f32 to vector<16xf32>
    %broadcast_in_dim3A_118 = arith.constant 0.000000e+00 : f32
    %broadcast_in_dim3A_119 = vector.broadcast %broadcast_in_dim3A_118 : f32 to vector<16xf32>
    %broadcast_in_dim3A_120 = arith.constant 0.000000e+00 : f32
    %broadcast_in_dim3A_121 = vector.broadcast %broadcast_in_dim3A_120 : f32 to vector<16xf32>
    %parallel_loop3A_122 = arith.constant 0 : i32
    %parallel_loop3A_123 = arith.constant 256 : i32
    %parallel_loop3A_124 = arith.constant 8 : i32
    %parallel_loop3A_125:4 = scf.for %parallel_loop3A_332 = %parallel_loop3A_122 to %parallel_loop3A_123 step %parallel_loop3A_124 iter_args(%parallel_loop3A_333 = %add3A_91, %parallel_loop3A_334 = %broadcast_in_dim3A_117, %parallel_loop3A_335 = %broadcast_in_dim3A_119, %parallel_loop3A_336 = %broadcast_in_dim3A_121) -> (vector<16xf32>, vector<16xf32>, vector<16xf32>, vector<16xf32>)  : i32 {
      %parallel_loop3A_337 = arith.constant 0 : i32
      %parallel_loop3A_338 = arith.addi %parallel_loop3A_332, %parallel_loop3A_337 : i32
      %parallel_loop3A_339 = arith.constant 16 : i32
      %parallel_loop3A_340 = arith.muli %parallel_loop3A_338, %parallel_loop3A_339 : i32
      %parallel_loop3A_341 = arith.constant 4096 : i32
      %parallel_loop3A_342 = arith.addi %parallel_loop3A_341, %parallel_loop3A_340 : i32
      %parallel_loop3A_343 = arith.index_cast %parallel_loop3A_342 : i32 to index
      %parallel_loop3A_344 = tpu.vector_load %arg6[%parallel_loop3A_343] {strides = array<i32>} : memref<16384xi32, #tpu.memory_space<vmem>>, vector<16xi32>,
      %parallel_loop3A_345 = tpu.vector_load_idx %arg7[%parallel_loop3A_344] : memref<100000xf32, #tpu.memory_space<vmem>>[vector<16xi32>], vector<16xf32>,
      %parallel_loop3A_346 = arith.constant 0 : i32
      %parallel_loop3A_347 = arith.addi %parallel_loop3A_332, %parallel_loop3A_346 : i32
      %parallel_loop3A_348 = arith.constant 16 : i32
      %parallel_loop3A_349 = arith.muli %parallel_loop3A_347, %parallel_loop3A_348 : i32
      %parallel_loop3A_350 = arith.constant 4096 : i32
      %parallel_loop3A_351 = arith.addi %parallel_loop3A_350, %parallel_loop3A_349 : i32
      %parallel_loop3A_352 = arith.index_cast %parallel_loop3A_351 : i32 to index
      %parallel_loop3A_353 = tpu.vector_load %arg8[%parallel_loop3A_352] {strides = array<i32>} : memref<12288xf32, #tpu.memory_space<vmem>>, vector<16xf32>,
      %parallel_loop3A_354 = arith.subf %parallel_loop3A_353, %parallel_loop3A_345 : vector<16xf32>
      %parallel_loop3A_355 = arith.mulf %parallel_loop3A_354, %parallel_loop3A_354 : vector<16xf32>
      %parallel_loop3A_356 = arith.addf %parallel_loop3A_333, %parallel_loop3A_355 : vector<16xf32>
      %parallel_loop3A_357 = arith.constant 1 : i32
      %parallel_loop3A_358 = arith.addi %parallel_loop3A_332, %parallel_loop3A_357 : i32
      %parallel_loop3A_359 = arith.constant 16 : i32
      %parallel_loop3A_360 = arith.muli %parallel_loop3A_358, %parallel_loop3A_359 : i32
      %parallel_loop3A_361 = arith.constant 4096 : i32
      %parallel_loop3A_362 = arith.addi %parallel_loop3A_361, %parallel_loop3A_360 : i32
      %parallel_loop3A_363 = arith.index_cast %parallel_loop3A_362 : i32 to index
      %parallel_loop3A_364 = tpu.vector_load %arg6[%parallel_loop3A_363] {strides = array<i32>} : memref<16384xi32, #tpu.memory_space<vmem>>, vector<16xi32>,
      %parallel_loop3A_365 = tpu.vector_load_idx %arg7[%parallel_loop3A_364] : memref<100000xf32, #tpu.memory_space<vmem>>[vector<16xi32>], vector<16xf32>,
      %parallel_loop3A_366 = arith.constant 1 : i32
      %parallel_loop3A_367 = arith.addi %parallel_loop3A_332, %parallel_loop3A_366 : i32
      %parallel_loop3A_368 = arith.constant 16 : i32
      %parallel_loop3A_369 = arith.muli %parallel_loop3A_367, %parallel_loop3A_368 : i32
      %parallel_loop3A_370 = arith.constant 4096 : i32
      %parallel_loop3A_371 = arith.addi %parallel_loop3A_370, %parallel_loop3A_369 : i32
      %parallel_loop3A_372 = arith.index_cast %parallel_loop3A_371 : i32 to index
      %parallel_loop3A_373 = tpu.vector_load %arg8[%parallel_loop3A_372] {strides = array<i32>} : memref<12288xf32, #tpu.memory_space<vmem>>, vector<16xf32>,
      %parallel_loop3A_374 = arith.subf %parallel_loop3A_373, %parallel_loop3A_365 : vector<16xf32>
      %parallel_loop3A_375 = arith.mulf %parallel_loop3A_374, %parallel_loop3A_374 : vector<16xf32>
      %parallel_loop3A_376 = arith.addf %parallel_loop3A_334, %parallel_loop3A_375 : vector<16xf32>
      %parallel_loop3A_377 = arith.constant 2 : i32
      %parallel_loop3A_378 = arith.addi %parallel_loop3A_332, %parallel_loop3A_377 : i32
      %parallel_loop3A_379 = arith.constant 16 : i32
      %parallel_loop3A_380 = arith.muli %parallel_loop3A_378, %parallel_loop3A_379 : i32
      %parallel_loop3A_381 = arith.constant 4096 : i32
      %parallel_loop3A_382 = arith.addi %parallel_loop3A_381, %parallel_loop3A_380 : i32
      %parallel_loop3A_383 = arith.index_cast %parallel_loop3A_382 : i32 to index
      %parallel_loop3A_384 = tpu.vector_load %arg6[%parallel_loop3A_383] {strides = array<i32>} : memref<16384xi32, #tpu.memory_space<vmem>>, vector<16xi32>,
      %parallel_loop3A_385 = tpu.vector_load_idx %arg7[%parallel_loop3A_384] : memref<100000xf32, #tpu.memory_space<vmem>>[vector<16xi32>], vector<16xf32>,
      %parallel_loop3A_386 = arith.constant 2 : i32
      %parallel_loop3A_387 = arith.addi %parallel_loop3A_332, %parallel_loop3A_386 : i32
      %parallel_loop3A_388 = arith.constant 16 : i32
      %parallel_loop3A_389 = arith.muli %parallel_loop3A_387, %parallel_loop3A_388 : i32
      %parallel_loop3A_390 = arith.constant 4096 : i32
      %parallel_loop3A_391 = arith.addi %parallel_loop3A_390, %parallel_loop3A_389 : i32
      %parallel_loop3A_392 = arith.index_cast %parallel_loop3A_391 : i32 to index
      %parallel_loop3A_393 = tpu.vector_load %arg8[%parallel_loop3A_392] {strides = array<i32>} : memref<12288xf32, #tpu.memory_space<vmem>>, vector<16xf32>,
      %parallel_loop3A_394 = arith.subf %parallel_loop3A_393, %parallel_loop3A_385 : vector<16xf32>
      %parallel_loop3A_395 = arith.mulf %parallel_loop3A_394, %parallel_loop3A_394 : vector<16xf32>
      %parallel_loop3A_396 = arith.addf %parallel_loop3A_335, %parallel_loop3A_395 : vector<16xf32>
      %parallel_loop3A_397 = arith.constant 3 : i32
      %parallel_loop3A_398 = arith.addi %parallel_loop3A_332, %parallel_loop3A_397 : i32
      %parallel_loop3A_399 = arith.constant 16 : i32
      %parallel_loop3A_400 = arith.muli %parallel_loop3A_398, %parallel_loop3A_399 : i32
      %parallel_loop3A_401 = arith.constant 4096 : i32
      %parallel_loop3A_402 = arith.addi %parallel_loop3A_401, %parallel_loop3A_400 : i32
      %parallel_loop3A_403 = arith.index_cast %parallel_loop3A_402 : i32 to index
      %parallel_loop3A_404 = tpu.vector_load %arg6[%parallel_loop3A_403] {strides = array<i32>} : memref<16384xi32, #tpu.memory_space<vmem>>, vector<16xi32>,
      %parallel_loop3A_405 = tpu.vector_load_idx %arg7[%parallel_loop3A_404] : memref<100000xf32, #tpu.memory_space<vmem>>[vector<16xi32>], vector<16xf32>,
      %parallel_loop3A_406 = arith.constant 3 : i32
      %parallel_loop3A_407 = arith.addi %parallel_loop3A_332, %parallel_loop3A_406 : i32
      %parallel_loop3A_408 = arith.constant 16 : i32
      %parallel_loop3A_409 = arith.muli %parallel_loop3A_407, %parallel_loop3A_408 : i32
      %parallel_loop3A_410 = arith.constant 4096 : i32
      %parallel_loop3A_411 = arith.addi %parallel_loop3A_410, %parallel_loop3A_409 : i32
      %parallel_loop3A_412 = arith.index_cast %parallel_loop3A_411 : i32 to index
      %parallel_loop3A_413 = tpu.vector_load %arg8[%parallel_loop3A_412] {strides = array<i32>} : memref<12288xf32, #tpu.memory_space<vmem>>, vector<16xf32>,
      %parallel_loop3A_414 = arith.subf %parallel_loop3A_413, %parallel_loop3A_405 : vector<16xf32>
      %parallel_loop3A_415 = arith.mulf %parallel_loop3A_414, %parallel_loop3A_414 : vector<16xf32>
      %parallel_loop3A_416 = arith.addf %parallel_loop3A_336, %parallel_loop3A_415 : vector<16xf32>
      %parallel_loop3A_417 = arith.constant 4 : i32
      %parallel_loop3A_418 = arith.addi %parallel_loop3A_332, %parallel_loop3A_417 : i32
      %parallel_loop3A_419 = arith.constant 16 : i32
      %parallel_loop3A_420 = arith.muli %parallel_loop3A_418, %parallel_loop3A_419 : i32
      %parallel_loop3A_421 = arith.constant 4096 : i32
      %parallel_loop3A_422 = arith.addi %parallel_loop3A_421, %parallel_loop3A_420 : i32
      %parallel_loop3A_423 = arith.index_cast %parallel_loop3A_422 : i32 to index
      %parallel_loop3A_424 = tpu.vector_load %arg6[%parallel_loop3A_423] {strides = array<i32>} : memref<16384xi32, #tpu.memory_space<vmem>>, vector<16xi32>,
      %parallel_loop3A_425 = tpu.vector_load_idx %arg7[%parallel_loop3A_424] : memref<100000xf32, #tpu.memory_space<vmem>>[vector<16xi32>], vector<16xf32>,
      %parallel_loop3A_426 = arith.constant 4 : i32
      %parallel_loop3A_427 = arith.addi %parallel_loop3A_332, %parallel_loop3A_426 : i32
      %parallel_loop3A_428 = arith.constant 16 : i32
      %parallel_loop3A_429 = arith.muli %parallel_loop3A_427, %parallel_loop3A_428 : i32
      %parallel_loop3A_430 = arith.constant 4096 : i32
      %parallel_loop3A_431 = arith.addi %parallel_loop3A_430, %parallel_loop3A_429 : i32
      %parallel_loop3A_432 = arith.index_cast %parallel_loop3A_431 : i32 to index
      %parallel_loop3A_433 = tpu.vector_load %arg8[%parallel_loop3A_432] {strides = array<i32>} : memref<12288xf32, #tpu.memory_space<vmem>>, vector<16xf32>,
      %parallel_loop3A_434 = arith.subf %parallel_loop3A_433, %parallel_loop3A_425 : vector<16xf32>
      %parallel_loop3A_435 = arith.mulf %parallel_loop3A_434, %parallel_loop3A_434 : vector<16xf32>
      %parallel_loop3A_436 = arith.addf %parallel_loop3A_356, %parallel_loop3A_435 : vector<16xf32>
      %parallel_loop3A_437 = arith.constant 5 : i32
      %parallel_loop3A_438 = arith.addi %parallel_loop3A_332, %parallel_loop3A_437 : i32
      %parallel_loop3A_439 = arith.constant 16 : i32
      %parallel_loop3A_440 = arith.muli %parallel_loop3A_438, %parallel_loop3A_439 : i32
      %parallel_loop3A_441 = arith.constant 4096 : i32
      %parallel_loop3A_442 = arith.addi %parallel_loop3A_441, %parallel_loop3A_440 : i32
      %parallel_loop3A_443 = arith.index_cast %parallel_loop3A_442 : i32 to index
      %parallel_loop3A_444 = tpu.vector_load %arg6[%parallel_loop3A_443] {strides = array<i32>} : memref<16384xi32, #tpu.memory_space<vmem>>, vector<16xi32>,
      %parallel_loop3A_445 = tpu.vector_load_idx %arg7[%parallel_loop3A_444] : memref<100000xf32, #tpu.memory_space<vmem>>[vector<16xi32>], vector<16xf32>,
      %parallel_loop3A_446 = arith.constant 5 : i32
      %parallel_loop3A_447 = arith.addi %parallel_loop3A_332, %parallel_loop3A_446 : i32
      %parallel_loop3A_448 = arith.constant 16 : i32
      %parallel_loop3A_449 = arith.muli %parallel_loop3A_447, %parallel_loop3A_448 : i32
      %parallel_loop3A_450 = arith.constant 4096 : i32
      %parallel_loop3A_451 = arith.addi %parallel_loop3A_450, %parallel_loop3A_449 : i32
      %parallel_loop3A_452 = arith.index_cast %parallel_loop3A_451 : i32 to index
      %parallel_loop3A_453 = tpu.vector_load %arg8[%parallel_loop3A_452] {strides = array<i32>} : memref<12288xf32, #tpu.memory_space<vmem>>, vector<16xf32>,
      %parallel_loop3A_454 = arith.subf %parallel_loop3A_453, %parallel_loop3A_445 : vector<16xf32>
      %parallel_loop3A_455 = arith.mulf %parallel_loop3A_454, %parallel_loop3A_454 : vector<16xf32>
      %parallel_loop3A_456 = arith.addf %parallel_loop3A_376, %parallel_loop3A_455 : vector<16xf32>
      %parallel_loop3A_457 = arith.constant 6 : i32
      %parallel_loop3A_458 = arith.addi %parallel_loop3A_332, %parallel_loop3A_457 : i32
      %parallel_loop3A_459 = arith.constant 16 : i32
      %parallel_loop3A_460 = arith.muli %parallel_loop3A_458, %parallel_loop3A_459 : i32
      %parallel_loop3A_461 = arith.constant 4096 : i32
      %parallel_loop3A_462 = arith.addi %parallel_loop3A_461, %parallel_loop3A_460 : i32
      %parallel_loop3A_463 = arith.index_cast %parallel_loop3A_462 : i32 to index
      %parallel_loop3A_464 = tpu.vector_load %arg6[%parallel_loop3A_463] {strides = array<i32>} : memref<16384xi32, #tpu.memory_space<vmem>>, vector<16xi32>,
      %parallel_loop3A_465 = tpu.vector_load_idx %arg7[%parallel_loop3A_464] : memref<100000xf32, #tpu.memory_space<vmem>>[vector<16xi32>], vector<16xf32>,
      %parallel_loop3A_466 = arith.constant 6 : i32
      %parallel_loop3A_467 = arith.addi %parallel_loop3A_332, %parallel_loop3A_466 : i32
      %parallel_loop3A_468 = arith.constant 16 : i32
      %parallel_loop3A_469 = arith.muli %parallel_loop3A_467, %parallel_loop3A_468 : i32
      %parallel_loop3A_470 = arith.constant 4096 : i32
      %parallel_loop3A_471 = arith.addi %parallel_loop3A_470, %parallel_loop3A_469 : i32
      %parallel_loop3A_472 = arith.index_cast %parallel_loop3A_471 : i32 to index
      %parallel_loop3A_473 = tpu.vector_load %arg8[%parallel_loop3A_472] {strides = array<i32>} : memref<12288xf32, #tpu.memory_space<vmem>>, vector<16xf32>,
      %parallel_loop3A_474 = arith.subf %parallel_loop3A_473, %parallel_loop3A_465 : vector<16xf32>
      %parallel_loop3A_475 = arith.mulf %parallel_loop3A_474, %parallel_loop3A_474 : vector<16xf32>
      %parallel_loop3A_476 = arith.addf %parallel_loop3A_396, %parallel_loop3A_475 : vector<16xf32>
      %parallel_loop3A_477 = arith.constant 7 : i32
      %parallel_loop3A_478 = arith.addi %parallel_loop3A_332, %parallel_loop3A_477 : i32
      %parallel_loop3A_479 = arith.constant 16 : i32
      %parallel_loop3A_480 = arith.muli %parallel_loop3A_478, %parallel_loop3A_479 : i32
      %parallel_loop3A_481 = arith.constant 4096 : i32
      %parallel_loop3A_482 = arith.addi %parallel_loop3A_481, %parallel_loop3A_480 : i32
      %parallel_loop3A_483 = arith.index_cast %parallel_loop3A_482 : i32 to index
      %parallel_loop3A_484 = tpu.vector_load %arg6[%parallel_loop3A_483] {strides = array<i32>} : memref<16384xi32, #tpu.memory_space<vmem>>, vector<16xi32>,
      %parallel_loop3A_485 = tpu.vector_load_idx %arg7[%parallel_loop3A_484] : memref<100000xf32, #tpu.memory_space<vmem>>[vector<16xi32>], vector<16xf32>,
      %parallel_loop3A_486 = arith.constant 7 : i32
      %parallel_loop3A_487 = arith.addi %parallel_loop3A_332, %parallel_loop3A_486 : i32
      %parallel_loop3A_488 = arith.constant 16 : i32
      %parallel_loop3A_489 = arith.muli %parallel_loop3A_487, %parallel_loop3A_488 : i32
      %parallel_loop3A_490 = arith.constant 4096 : i32
      %parallel_loop3A_491 = arith.addi %parallel_loop3A_490, %parallel_loop3A_489 : i32
      %parallel_loop3A_492 = arith.index_cast %parallel_loop3A_491 : i32 to index
      %parallel_loop3A_493 = tpu.vector_load %arg8[%parallel_loop3A_492] {strides = array<i32>} : memref<12288xf32, #tpu.memory_space<vmem>>, vector<16xf32>,
      %parallel_loop3A_494 = arith.subf %parallel_loop3A_493, %parallel_loop3A_485 : vector<16xf32>
      %parallel_loop3A_495 = arith.mulf %parallel_loop3A_494, %parallel_loop3A_494 : vector<16xf32>
      %parallel_loop3A_496 = arith.addf %parallel_loop3A_416, %parallel_loop3A_495 : vector<16xf32>
      scf.yield %parallel_loop3A_436, %parallel_loop3A_456, %parallel_loop3A_476, %parallel_loop3A_496 : vector<16xf32>, vector<16xf32>, vector<16xf32>, vector<16xf32>
    } {sc.loop_unroll_factor = 1 : i64, sc.parallel_access}
    %add3A_126 = arith.addf %parallel_loop3A_125#0, %parallel_loop3A_125#1 : vector<16xf32>
    %add3A_127 = arith.addf %add3A_126, %parallel_loop3A_125#2 : vector<16xf32>
    %add3A_128 = arith.addf %add3A_127, %parallel_loop3A_125#3 : vector<16xf32>
    %dma_wait3A_129 = arith.constant 8192 : i32
    %dma_wait3A_130 = tpu.memref_slice %arg8[%dma_wait3A_129] : memref<12288xf32, #tpu.memory_space<vmem>> -> memref<4096xf32, #tpu.memory_space<vmem>>
    %dma_wait3A_131 = arith.constant 8192 : i32
    %dma_wait3A_132 = tpu.memref_slice %arg2[%add3A_39, %dma_wait3A_131] : memref<64x16384xf32, #tpu.memory_space<hbm>> -> memref<1x4096xf32, #tpu.memory_space<hbm>>
    %dma_wait3A_133 = tpu.memref_squeeze %dma_wait3A_132 : memref<1x4096xf32, #tpu.memory_space<hbm>> -> memref<4096xf32, #tpu.memory_space<hbm>>
    %dma_wait3A_134 = arith.constant 8192 : i32
    %dma_wait3A_135 = tpu.memref_slice %arg8[%dma_wait3A_134] : memref<12288xf32, #tpu.memory_space<vmem>> -> memref<4096xf32, #tpu.memory_space<vmem>>
    %dma_wait3A_136 = arith.constant 8192 : i32
    %dma_wait3A_137 = tpu.memref_slice %arg2[%add3A_39, %dma_wait3A_136] : memref<64x16384xf32, #tpu.memory_space<hbm>> -> memref<1x4096xf32, #tpu.memory_space<hbm>>
    %dma_wait3A_138 = tpu.memref_squeeze %dma_wait3A_137 : memref<1x4096xf32, #tpu.memory_space<hbm>> -> memref<4096xf32, #tpu.memory_space<hbm>>
    tpu.wait_dma2 semaphore(%arg15 : memref<!tpu.dma_semaphore, #tpu.memory_space<semaphore_mem>>) src(%dma_wait3A_138 : memref<4096xf32, #tpu.memory_space<hbm>>) dst(%dma_wait3A_135 : memref<4096xf32, #tpu.memory_space<vmem>>)
    %mul3A_139 = arith.constant 2 : i32
    %mul3A_140 = arith.muli %add3A, %mul3A_139 : i32
    %add3A_141 = arith.constant 1 : i32
    %add3A_142 = arith.addi %mul3A_140, %add3A_141 : i32
    %dma_start3A_143 = arith.constant 8192 : i32
    %dma_start3A_144 = tpu.memref_slice %arg8[%dma_start3A_143] : memref<12288xf32, #tpu.memory_space<vmem>> -> memref<4096xf32, #tpu.memory_space<vmem>>
    %dma_start3A_145 = arith.constant 4096 : i32
    %dma_start3A_146 = tpu.memref_slice %arg2[%add3A_142, %dma_start3A_145] : memref<64x16384xf32, #tpu.memory_space<hbm>> -> memref<1x4096xf32, #tpu.memory_space<hbm>>
    %dma_start3A_147 = tpu.memref_squeeze %dma_start3A_146 : memref<1x4096xf32, #tpu.memory_space<hbm>> -> memref<4096xf32, #tpu.memory_space<hbm>>
    %dma_start3A_148 = arith.constant 8192 : i32
    %dma_start3A_149 = tpu.memref_slice %arg8[%dma_start3A_148] : memref<12288xf32, #tpu.memory_space<vmem>> -> memref<4096xf32, #tpu.memory_space<vmem>>
    %dma_start3A_150 = arith.constant 4096 : i32
    %dma_start3A_151 = tpu.memref_slice %arg2[%add3A_142, %dma_start3A_150] : memref<64x16384xf32, #tpu.memory_space<hbm>> -> memref<1x4096xf32, #tpu.memory_space<hbm>>
    %dma_start3A_152 = tpu.memref_squeeze %dma_start3A_151 : memref<1x4096xf32, #tpu.memory_space<hbm>> -> memref<4096xf32, #tpu.memory_space<hbm>>
    tpu.enqueue_dma source(%dma_start3A_152 : memref<4096xf32, #tpu.memory_space<hbm>>) target(%dma_start3A_149 : memref<4096xf32, #tpu.memory_space<vmem>>) target_semaphore(%arg15 : memref<!tpu.dma_semaphore, #tpu.memory_space<semaphore_mem>>)
    %broadcast_in_dim3A_153 = arith.constant 0.000000e+00 : f32
    %broadcast_in_dim3A_154 = vector.broadcast %broadcast_in_dim3A_153 : f32 to vector<16xf32>
    %broadcast_in_dim3A_155 = arith.constant 0.000000e+00 : f32
    %broadcast_in_dim3A_156 = vector.broadcast %broadcast_in_dim3A_155 : f32 to vector<16xf32>
    %broadcast_in_dim3A_157 = arith.constant 0.000000e+00 : f32
    %broadcast_in_dim3A_158 = vector.broadcast %broadcast_in_dim3A_157 : f32 to vector<16xf32>
    %parallel_loop3A_159 = arith.constant 0 : i32
    %parallel_loop3A_160 = arith.constant 256 : i32
    %parallel_loop3A_161 = arith.constant 8 : i32
    %parallel_loop3A_162:4 = scf.for %parallel_loop3A_332 = %parallel_loop3A_159 to %parallel_loop3A_160 step %parallel_loop3A_161 iter_args(%parallel_loop3A_333 = %add3A_128, %parallel_loop3A_334 = %broadcast_in_dim3A_154, %parallel_loop3A_335 = %broadcast_in_dim3A_156, %parallel_loop3A_336 = %broadcast_in_dim3A_158) -> (vector<16xf32>, vector<16xf32>, vector<16xf32>, vector<16xf32>)  : i32 {
      %parallel_loop3A_337 = arith.constant 0 : i32
      %parallel_loop3A_338 = arith.addi %parallel_loop3A_332, %parallel_loop3A_337 : i32
      %parallel_loop3A_339 = arith.constant 16 : i32
      %parallel_loop3A_340 = arith.muli %parallel_loop3A_338, %parallel_loop3A_339 : i32
      %parallel_loop3A_341 = arith.constant 8192 : i32
      %parallel_loop3A_342 = arith.addi %parallel_loop3A_341, %parallel_loop3A_340 : i32
      %parallel_loop3A_343 = arith.index_cast %parallel_loop3A_342 : i32 to index
      %parallel_loop3A_344 = tpu.vector_load %arg6[%parallel_loop3A_343] {strides = array<i32>} : memref<16384xi32, #tpu.memory_space<vmem>>, vector<16xi32>,
      %parallel_loop3A_345 = tpu.vector_load_idx %arg7[%parallel_loop3A_344] : memref<100000xf32, #tpu.memory_space<vmem>>[vector<16xi32>], vector<16xf32>,
      %parallel_loop3A_346 = arith.constant 0 : i32
      %parallel_loop3A_347 = arith.addi %parallel_loop3A_332, %parallel_loop3A_346 : i32
      %parallel_loop3A_348 = arith.constant 16 : i32
      %parallel_loop3A_349 = arith.muli %parallel_loop3A_347, %parallel_loop3A_348 : i32
      %parallel_loop3A_350 = arith.constant 8192 : i32
      %parallel_loop3A_351 = arith.addi %parallel_loop3A_350, %parallel_loop3A_349 : i32
      %parallel_loop3A_352 = arith.index_cast %parallel_loop3A_351 : i32 to index
      %parallel_loop3A_353 = tpu.vector_load %arg8[%parallel_loop3A_352] {strides = array<i32>} : memref<12288xf32, #tpu.memory_space<vmem>>, vector<16xf32>,
      %parallel_loop3A_354 = arith.subf %parallel_loop3A_353, %parallel_loop3A_345 : vector<16xf32>
      %parallel_loop3A_355 = arith.mulf %parallel_loop3A_354, %parallel_loop3A_354 : vector<16xf32>
      %parallel_loop3A_356 = arith.addf %parallel_loop3A_333, %parallel_loop3A_355 : vector<16xf32>
      %parallel_loop3A_357 = arith.constant 1 : i32
      %parallel_loop3A_358 = arith.addi %parallel_loop3A_332, %parallel_loop3A_357 : i32
      %parallel_loop3A_359 = arith.constant 16 : i32
      %parallel_loop3A_360 = arith.muli %parallel_loop3A_358, %parallel_loop3A_359 : i32
      %parallel_loop3A_361 = arith.constant 8192 : i32
      %parallel_loop3A_362 = arith.addi %parallel_loop3A_361, %parallel_loop3A_360 : i32
      %parallel_loop3A_363 = arith.index_cast %parallel_loop3A_362 : i32 to index
      %parallel_loop3A_364 = tpu.vector_load %arg6[%parallel_loop3A_363] {strides = array<i32>} : memref<16384xi32, #tpu.memory_space<vmem>>, vector<16xi32>,
      %parallel_loop3A_365 = tpu.vector_load_idx %arg7[%parallel_loop3A_364] : memref<100000xf32, #tpu.memory_space<vmem>>[vector<16xi32>], vector<16xf32>,
      %parallel_loop3A_366 = arith.constant 1 : i32
      %parallel_loop3A_367 = arith.addi %parallel_loop3A_332, %parallel_loop3A_366 : i32
      %parallel_loop3A_368 = arith.constant 16 : i32
      %parallel_loop3A_369 = arith.muli %parallel_loop3A_367, %parallel_loop3A_368 : i32
      %parallel_loop3A_370 = arith.constant 8192 : i32
      %parallel_loop3A_371 = arith.addi %parallel_loop3A_370, %parallel_loop3A_369 : i32
      %parallel_loop3A_372 = arith.index_cast %parallel_loop3A_371 : i32 to index
      %parallel_loop3A_373 = tpu.vector_load %arg8[%parallel_loop3A_372] {strides = array<i32>} : memref<12288xf32, #tpu.memory_space<vmem>>, vector<16xf32>,
      %parallel_loop3A_374 = arith.subf %parallel_loop3A_373, %parallel_loop3A_365 : vector<16xf32>
      %parallel_loop3A_375 = arith.mulf %parallel_loop3A_374, %parallel_loop3A_374 : vector<16xf32>
      %parallel_loop3A_376 = arith.addf %parallel_loop3A_334, %parallel_loop3A_375 : vector<16xf32>
      %parallel_loop3A_377 = arith.constant 2 : i32
      %parallel_loop3A_378 = arith.addi %parallel_loop3A_332, %parallel_loop3A_377 : i32
      %parallel_loop3A_379 = arith.constant 16 : i32
      %parallel_loop3A_380 = arith.muli %parallel_loop3A_378, %parallel_loop3A_379 : i32
      %parallel_loop3A_381 = arith.constant 8192 : i32
      %parallel_loop3A_382 = arith.addi %parallel_loop3A_381, %parallel_loop3A_380 : i32
      %parallel_loop3A_383 = arith.index_cast %parallel_loop3A_382 : i32 to index
      %parallel_loop3A_384 = tpu.vector_load %arg6[%parallel_loop3A_383] {strides = array<i32>} : memref<16384xi32, #tpu.memory_space<vmem>>, vector<16xi32>,
      %parallel_loop3A_385 = tpu.vector_load_idx %arg7[%parallel_loop3A_384] : memref<100000xf32, #tpu.memory_space<vmem>>[vector<16xi32>], vector<16xf32>,
      %parallel_loop3A_386 = arith.constant 2 : i32
      %parallel_loop3A_387 = arith.addi %parallel_loop3A_332, %parallel_loop3A_386 : i32
      %parallel_loop3A_388 = arith.constant 16 : i32
      %parallel_loop3A_389 = arith.muli %parallel_loop3A_387, %parallel_loop3A_388 : i32
      %parallel_loop3A_390 = arith.constant 8192 : i32
      %parallel_loop3A_391 = arith.addi %parallel_loop3A_390, %parallel_loop3A_389 : i32
      %parallel_loop3A_392 = arith.index_cast %parallel_loop3A_391 : i32 to index
      %parallel_loop3A_393 = tpu.vector_load %arg8[%parallel_loop3A_392] {strides = array<i32>} : memref<12288xf32, #tpu.memory_space<vmem>>, vector<16xf32>,
      %parallel_loop3A_394 = arith.subf %parallel_loop3A_393, %parallel_loop3A_385 : vector<16xf32>
      %parallel_loop3A_395 = arith.mulf %parallel_loop3A_394, %parallel_loop3A_394 : vector<16xf32>
      %parallel_loop3A_396 = arith.addf %parallel_loop3A_335, %parallel_loop3A_395 : vector<16xf32>
      %parallel_loop3A_397 = arith.constant 3 : i32
      %parallel_loop3A_398 = arith.addi %parallel_loop3A_332, %parallel_loop3A_397 : i32
      %parallel_loop3A_399 = arith.constant 16 : i32
      %parallel_loop3A_400 = arith.muli %parallel_loop3A_398, %parallel_loop3A_399 : i32
      %parallel_loop3A_401 = arith.constant 8192 : i32
      %parallel_loop3A_402 = arith.addi %parallel_loop3A_401, %parallel_loop3A_400 : i32
      %parallel_loop3A_403 = arith.index_cast %parallel_loop3A_402 : i32 to index
      %parallel_loop3A_404 = tpu.vector_load %arg6[%parallel_loop3A_403] {strides = array<i32>} : memref<16384xi32, #tpu.memory_space<vmem>>, vector<16xi32>,
      %parallel_loop3A_405 = tpu.vector_load_idx %arg7[%parallel_loop3A_404] : memref<100000xf32, #tpu.memory_space<vmem>>[vector<16xi32>], vector<16xf32>,
      %parallel_loop3A_406 = arith.constant 3 : i32
      %parallel_loop3A_407 = arith.addi %parallel_loop3A_332, %parallel_loop3A_406 : i32
      %parallel_loop3A_408 = arith.constant 16 : i32
      %parallel_loop3A_409 = arith.muli %parallel_loop3A_407, %parallel_loop3A_408 : i32
      %parallel_loop3A_410 = arith.constant 8192 : i32
      %parallel_loop3A_411 = arith.addi %parallel_loop3A_410, %parallel_loop3A_409 : i32
      %parallel_loop3A_412 = arith.index_cast %parallel_loop3A_411 : i32 to index
      %parallel_loop3A_413 = tpu.vector_load %arg8[%parallel_loop3A_412] {strides = array<i32>} : memref<12288xf32, #tpu.memory_space<vmem>>, vector<16xf32>,
      %parallel_loop3A_414 = arith.subf %parallel_loop3A_413, %parallel_loop3A_405 : vector<16xf32>
      %parallel_loop3A_415 = arith.mulf %parallel_loop3A_414, %parallel_loop3A_414 : vector<16xf32>
      %parallel_loop3A_416 = arith.addf %parallel_loop3A_336, %parallel_loop3A_415 : vector<16xf32>
      %parallel_loop3A_417 = arith.constant 4 : i32
      %parallel_loop3A_418 = arith.addi %parallel_loop3A_332, %parallel_loop3A_417 : i32
      %parallel_loop3A_419 = arith.constant 16 : i32
      %parallel_loop3A_420 = arith.muli %parallel_loop3A_418, %parallel_loop3A_419 : i32
      %parallel_loop3A_421 = arith.constant 8192 : i32
      %parallel_loop3A_422 = arith.addi %parallel_loop3A_421, %parallel_loop3A_420 : i32
      %parallel_loop3A_423 = arith.index_cast %parallel_loop3A_422 : i32 to index
      %parallel_loop3A_424 = tpu.vector_load %arg6[%parallel_loop3A_423] {strides = array<i32>} : memref<16384xi32, #tpu.memory_space<vmem>>, vector<16xi32>,
      %parallel_loop3A_425 = tpu.vector_load_idx %arg7[%parallel_loop3A_424] : memref<100000xf32, #tpu.memory_space<vmem>>[vector<16xi32>], vector<16xf32>,
      %parallel_loop3A_426 = arith.constant 4 : i32
      %parallel_loop3A_427 = arith.addi %parallel_loop3A_332, %parallel_loop3A_426 : i32
      %parallel_loop3A_428 = arith.constant 16 : i32
      %parallel_loop3A_429 = arith.muli %parallel_loop3A_427, %parallel_loop3A_428 : i32
      %parallel_loop3A_430 = arith.constant 8192 : i32
      %parallel_loop3A_431 = arith.addi %parallel_loop3A_430, %parallel_loop3A_429 : i32
      %parallel_loop3A_432 = arith.index_cast %parallel_loop3A_431 : i32 to index
      %parallel_loop3A_433 = tpu.vector_load %arg8[%parallel_loop3A_432] {strides = array<i32>} : memref<12288xf32, #tpu.memory_space<vmem>>, vector<16xf32>,
      %parallel_loop3A_434 = arith.subf %parallel_loop3A_433, %parallel_loop3A_425 : vector<16xf32>
      %parallel_loop3A_435 = arith.mulf %parallel_loop3A_434, %parallel_loop3A_434 : vector<16xf32>
      %parallel_loop3A_436 = arith.addf %parallel_loop3A_356, %parallel_loop3A_435 : vector<16xf32>
      %parallel_loop3A_437 = arith.constant 5 : i32
      %parallel_loop3A_438 = arith.addi %parallel_loop3A_332, %parallel_loop3A_437 : i32
      %parallel_loop3A_439 = arith.constant 16 : i32
      %parallel_loop3A_440 = arith.muli %parallel_loop3A_438, %parallel_loop3A_439 : i32
      %parallel_loop3A_441 = arith.constant 8192 : i32
      %parallel_loop3A_442 = arith.addi %parallel_loop3A_441, %parallel_loop3A_440 : i32
      %parallel_loop3A_443 = arith.index_cast %parallel_loop3A_442 : i32 to index
      %parallel_loop3A_444 = tpu.vector_load %arg6[%parallel_loop3A_443] {strides = array<i32>} : memref<16384xi32, #tpu.memory_space<vmem>>, vector<16xi32>,
      %parallel_loop3A_445 = tpu.vector_load_idx %arg7[%parallel_loop3A_444] : memref<100000xf32, #tpu.memory_space<vmem>>[vector<16xi32>], vector<16xf32>,
      %parallel_loop3A_446 = arith.constant 5 : i32
      %parallel_loop3A_447 = arith.addi %parallel_loop3A_332, %parallel_loop3A_446 : i32
      %parallel_loop3A_448 = arith.constant 16 : i32
      %parallel_loop3A_449 = arith.muli %parallel_loop3A_447, %parallel_loop3A_448 : i32
      %parallel_loop3A_450 = arith.constant 8192 : i32
      %parallel_loop3A_451 = arith.addi %parallel_loop3A_450, %parallel_loop3A_449 : i32
      %parallel_loop3A_452 = arith.index_cast %parallel_loop3A_451 : i32 to index
      %parallel_loop3A_453 = tpu.vector_load %arg8[%parallel_loop3A_452] {strides = array<i32>} : memref<12288xf32, #tpu.memory_space<vmem>>, vector<16xf32>,
      %parallel_loop3A_454 = arith.subf %parallel_loop3A_453, %parallel_loop3A_445 : vector<16xf32>
      %parallel_loop3A_455 = arith.mulf %parallel_loop3A_454, %parallel_loop3A_454 : vector<16xf32>
      %parallel_loop3A_456 = arith.addf %parallel_loop3A_376, %parallel_loop3A_455 : vector<16xf32>
      %parallel_loop3A_457 = arith.constant 6 : i32
      %parallel_loop3A_458 = arith.addi %parallel_loop3A_332, %parallel_loop3A_457 : i32
      %parallel_loop3A_459 = arith.constant 16 : i32
      %parallel_loop3A_460 = arith.muli %parallel_loop3A_458, %parallel_loop3A_459 : i32
      %parallel_loop3A_461 = arith.constant 8192 : i32
      %parallel_loop3A_462 = arith.addi %parallel_loop3A_461, %parallel_loop3A_460 : i32
      %parallel_loop3A_463 = arith.index_cast %parallel_loop3A_462 : i32 to index
      %parallel_loop3A_464 = tpu.vector_load %arg6[%parallel_loop3A_463] {strides = array<i32>} : memref<16384xi32, #tpu.memory_space<vmem>>, vector<16xi32>,
      %parallel_loop3A_465 = tpu.vector_load_idx %arg7[%parallel_loop3A_464] : memref<100000xf32, #tpu.memory_space<vmem>>[vector<16xi32>], vector<16xf32>,
      %parallel_loop3A_466 = arith.constant 6 : i32
      %parallel_loop3A_467 = arith.addi %parallel_loop3A_332, %parallel_loop3A_466 : i32
      %parallel_loop3A_468 = arith.constant 16 : i32
      %parallel_loop3A_469 = arith.muli %parallel_loop3A_467, %parallel_loop3A_468 : i32
      %parallel_loop3A_470 = arith.constant 8192 : i32
      %parallel_loop3A_471 = arith.addi %parallel_loop3A_470, %parallel_loop3A_469 : i32
      %parallel_loop3A_472 = arith.index_cast %parallel_loop3A_471 : i32 to index
      %parallel_loop3A_473 = tpu.vector_load %arg8[%parallel_loop3A_472] {strides = array<i32>} : memref<12288xf32, #tpu.memory_space<vmem>>, vector<16xf32>,
      %parallel_loop3A_474 = arith.subf %parallel_loop3A_473, %parallel_loop3A_465 : vector<16xf32>
      %parallel_loop3A_475 = arith.mulf %parallel_loop3A_474, %parallel_loop3A_474 : vector<16xf32>
      %parallel_loop3A_476 = arith.addf %parallel_loop3A_396, %parallel_loop3A_475 : vector<16xf32>
      %parallel_loop3A_477 = arith.constant 7 : i32
      %parallel_loop3A_478 = arith.addi %parallel_loop3A_332, %parallel_loop3A_477 : i32
      %parallel_loop3A_479 = arith.constant 16 : i32
      %parallel_loop3A_480 = arith.muli %parallel_loop3A_478, %parallel_loop3A_479 : i32
      %parallel_loop3A_481 = arith.constant 8192 : i32
      %parallel_loop3A_482 = arith.addi %parallel_loop3A_481, %parallel_loop3A_480 : i32
      %parallel_loop3A_483 = arith.index_cast %parallel_loop3A_482 : i32 to index
      %parallel_loop3A_484 = tpu.vector_load %arg6[%parallel_loop3A_483] {strides = array<i32>} : memref<16384xi32, #tpu.memory_space<vmem>>, vector<16xi32>,
      %parallel_loop3A_485 = tpu.vector_load_idx %arg7[%parallel_loop3A_484] : memref<100000xf32, #tpu.memory_space<vmem>>[vector<16xi32>], vector<16xf32>,
      %parallel_loop3A_486 = arith.constant 7 : i32
      %parallel_loop3A_487 = arith.addi %parallel_loop3A_332, %parallel_loop3A_486 : i32
      %parallel_loop3A_488 = arith.constant 16 : i32
      %parallel_loop3A_489 = arith.muli %parallel_loop3A_487, %parallel_loop3A_488 : i32
      %parallel_loop3A_490 = arith.constant 8192 : i32
      %parallel_loop3A_491 = arith.addi %parallel_loop3A_490, %parallel_loop3A_489 : i32
      %parallel_loop3A_492 = arith.index_cast %parallel_loop3A_491 : i32 to index
      %parallel_loop3A_493 = tpu.vector_load %arg8[%parallel_loop3A_492] {strides = array<i32>} : memref<12288xf32, #tpu.memory_space<vmem>>, vector<16xf32>,
      %parallel_loop3A_494 = arith.subf %parallel_loop3A_493, %parallel_loop3A_485 : vector<16xf32>
      %parallel_loop3A_495 = arith.mulf %parallel_loop3A_494, %parallel_loop3A_494 : vector<16xf32>
      %parallel_loop3A_496 = arith.addf %parallel_loop3A_416, %parallel_loop3A_495 : vector<16xf32>
      scf.yield %parallel_loop3A_436, %parallel_loop3A_456, %parallel_loop3A_476, %parallel_loop3A_496 : vector<16xf32>, vector<16xf32>, vector<16xf32>, vector<16xf32>
    } {sc.loop_unroll_factor = 1 : i64, sc.parallel_access}
    %add3A_163 = arith.addf %parallel_loop3A_162#0, %parallel_loop3A_162#1 : vector<16xf32>
    %add3A_164 = arith.addf %add3A_163, %parallel_loop3A_162#2 : vector<16xf32>
    %add3A_165 = arith.addf %add3A_164, %parallel_loop3A_162#3 : vector<16xf32>
    %dma_wait3A_166 = arith.constant 0 : i32
    %dma_wait3A_167 = tpu.memref_slice %arg8[%dma_wait3A_166] : memref<12288xf32, #tpu.memory_space<vmem>> -> memref<4096xf32, #tpu.memory_space<vmem>>
    %dma_wait3A_168 = arith.constant 12288 : i32
    %dma_wait3A_169 = tpu.memref_slice %arg2[%add3A_69, %dma_wait3A_168] : memref<64x16384xf32, #tpu.memory_space<hbm>> -> memref<1x4096xf32, #tpu.memory_space<hbm>>
    %dma_wait3A_170 = tpu.memref_squeeze %dma_wait3A_169 : memref<1x4096xf32, #tpu.memory_space<hbm>> -> memref<4096xf32, #tpu.memory_space<hbm>>
    %dma_wait3A_171 = arith.constant 0 : i32
    %dma_wait3A_172 = tpu.memref_slice %arg8[%dma_wait3A_171] : memref<12288xf32, #tpu.memory_space<vmem>> -> memref<4096xf32, #tpu.memory_space<vmem>>
    %dma_wait3A_173 = arith.constant 12288 : i32
    %dma_wait3A_174 = tpu.memref_slice %arg2[%add3A_69, %dma_wait3A_173] : memref<64x16384xf32, #tpu.memory_space<hbm>> -> memref<1x4096xf32, #tpu.memory_space<hbm>>
    %dma_wait3A_175 = tpu.memref_squeeze %dma_wait3A_174 : memref<1x4096xf32, #tpu.memory_space<hbm>> -> memref<4096xf32, #tpu.memory_space<hbm>>
    tpu.wait_dma2 semaphore(%arg13 : memref<!tpu.dma_semaphore, #tpu.memory_space<semaphore_mem>>) src(%dma_wait3A_175 : memref<4096xf32, #tpu.memory_space<hbm>>) dst(%dma_wait3A_172 : memref<4096xf32, #tpu.memory_space<vmem>>)
    %mul3A_176 = arith.constant 2 : i32
    %mul3A_177 = arith.muli %add3A, %mul3A_176 : i32
    %add3A_178 = arith.constant 1 : i32
    %add3A_179 = arith.addi %mul3A_177, %add3A_178 : i32
    %dma_start3A_180 = arith.constant 0 : i32
    %dma_start3A_181 = tpu.memref_slice %arg8[%dma_start3A_180] : memref<12288xf32, #tpu.memory_space<vmem>> -> memref<4096xf32, #tpu.memory_space<vmem>>
    %dma_start3A_182 = arith.constant 8192 : i32
    %dma_start3A_183 = tpu.memref_slice %arg2[%add3A_179, %dma_start3A_182] : memref<64x16384xf32, #tpu.memory_space<hbm>> -> memref<1x4096xf32, #tpu.memory_space<hbm>>
    %dma_start3A_184 = tpu.memref_squeeze %dma_start3A_183 : memref<1x4096xf32, #tpu.memory_space<hbm>> -> memref<4096xf32, #tpu.memory_space<hbm>>
    %dma_start3A_185 = arith.constant 0 : i32
    %dma_start3A_186 = tpu.memref_slice %arg8[%dma_start3A_185] : memref<12288xf32, #tpu.memory_space<vmem>> -> memref<4096xf32, #tpu.memory_space<vmem>>
    %dma_start3A_187 = arith.constant 8192 : i32
    %dma_start3A_188 = tpu.memref_slice %arg2[%add3A_179, %dma_start3A_187] : memref<64x16384xf32, #tpu.memory_space<hbm>> -> memref<1x4096xf32, #tpu.memory_space<hbm>>
    %dma_start3A_189 = tpu.memref_squeeze %dma_start3A_188 : memref<1x4096xf32, #tpu.memory_space<hbm>> -> memref<4096xf32, #tpu.memory_space<hbm>>
    tpu.enqueue_dma source(%dma_start3A_189 : memref<4096xf32, #tpu.memory_space<hbm>>) target(%dma_start3A_186 : memref<4096xf32, #tpu.memory_space<vmem>>) target_semaphore(%arg13 : memref<!tpu.dma_semaphore, #tpu.memory_space<semaphore_mem>>)
    %broadcast_in_dim3A_190 = arith.constant 0.000000e+00 : f32
    %broadcast_in_dim3A_191 = vector.broadcast %broadcast_in_dim3A_190 : f32 to vector<16xf32>
    %broadcast_in_dim3A_192 = arith.constant 0.000000e+00 : f32
    %broadcast_in_dim3A_193 = vector.broadcast %broadcast_in_dim3A_192 : f32 to vector<16xf32>
    %broadcast_in_dim3A_194 = arith.constant 0.000000e+00 : f32
    %broadcast_in_dim3A_195 = vector.broadcast %broadcast_in_dim3A_194 : f32 to vector<16xf32>
    %parallel_loop3A_196 = arith.constant 0 : i32
    %parallel_loop3A_197 = arith.constant 256 : i32
    %parallel_loop3A_198 = arith.constant 8 : i32
    %parallel_loop3A_199:4 = scf.for %parallel_loop3A_332 = %parallel_loop3A_196 to %parallel_loop3A_197 step %parallel_loop3A_198 iter_args(%parallel_loop3A_333 = %add3A_165, %parallel_loop3A_334 = %broadcast_in_dim3A_191, %parallel_loop3A_335 = %broadcast_in_dim3A_193, %parallel_loop3A_336 = %broadcast_in_dim3A_195) -> (vector<16xf32>, vector<16xf32>, vector<16xf32>, vector<16xf32>)  : i32 {
      %parallel_loop3A_337 = arith.constant 0 : i32
      %parallel_loop3A_338 = arith.addi %parallel_loop3A_332, %parallel_loop3A_337 : i32
      %parallel_loop3A_339 = arith.constant 16 : i32
      %parallel_loop3A_340 = arith.muli %parallel_loop3A_338, %parallel_loop3A_339 : i32
      %parallel_loop3A_341 = arith.constant 12288 : i32
      %parallel_loop3A_342 = arith.addi %parallel_loop3A_341, %parallel_loop3A_340 : i32
      %parallel_loop3A_343 = arith.index_cast %parallel_loop3A_342 : i32 to index
      %parallel_loop3A_344 = tpu.vector_load %arg6[%parallel_loop3A_343] {strides = array<i32>} : memref<16384xi32, #tpu.memory_space<vmem>>, vector<16xi32>,
      %parallel_loop3A_345 = tpu.vector_load_idx %arg7[%parallel_loop3A_344] : memref<100000xf32, #tpu.memory_space<vmem>>[vector<16xi32>], vector<16xf32>,
      %parallel_loop3A_346 = arith.constant 0 : i32
      %parallel_loop3A_347 = arith.addi %parallel_loop3A_332, %parallel_loop3A_346 : i32
      %parallel_loop3A_348 = arith.constant 16 : i32
      %parallel_loop3A_349 = arith.muli %parallel_loop3A_347, %parallel_loop3A_348 : i32
      %parallel_loop3A_350 = arith.constant 0 : i32
      %parallel_loop3A_351 = arith.addi %parallel_loop3A_350, %parallel_loop3A_349 : i32
      %parallel_loop3A_352 = arith.index_cast %parallel_loop3A_351 : i32 to index
      %parallel_loop3A_353 = tpu.vector_load %arg8[%parallel_loop3A_352] {strides = array<i32>} : memref<12288xf32, #tpu.memory_space<vmem>>, vector<16xf32>,
      %parallel_loop3A_354 = arith.subf %parallel_loop3A_353, %parallel_loop3A_345 : vector<16xf32>
      %parallel_loop3A_355 = arith.mulf %parallel_loop3A_354, %parallel_loop3A_354 : vector<16xf32>
      %parallel_loop3A_356 = arith.addf %parallel_loop3A_333, %parallel_loop3A_355 : vector<16xf32>
      %parallel_loop3A_357 = arith.constant 1 : i32
      %parallel_loop3A_358 = arith.addi %parallel_loop3A_332, %parallel_loop3A_357 : i32
      %parallel_loop3A_359 = arith.constant 16 : i32
      %parallel_loop3A_360 = arith.muli %parallel_loop3A_358, %parallel_loop3A_359 : i32
      %parallel_loop3A_361 = arith.constant 12288 : i32
      %parallel_loop3A_362 = arith.addi %parallel_loop3A_361, %parallel_loop3A_360 : i32
      %parallel_loop3A_363 = arith.index_cast %parallel_loop3A_362 : i32 to index
      %parallel_loop3A_364 = tpu.vector_load %arg6[%parallel_loop3A_363] {strides = array<i32>} : memref<16384xi32, #tpu.memory_space<vmem>>, vector<16xi32>,
      %parallel_loop3A_365 = tpu.vector_load_idx %arg7[%parallel_loop3A_364] : memref<100000xf32, #tpu.memory_space<vmem>>[vector<16xi32>], vector<16xf32>,
      %parallel_loop3A_366 = arith.constant 1 : i32
      %parallel_loop3A_367 = arith.addi %parallel_loop3A_332, %parallel_loop3A_366 : i32
      %parallel_loop3A_368 = arith.constant 16 : i32
      %parallel_loop3A_369 = arith.muli %parallel_loop3A_367, %parallel_loop3A_368 : i32
      %parallel_loop3A_370 = arith.constant 0 : i32
      %parallel_loop3A_371 = arith.addi %parallel_loop3A_370, %parallel_loop3A_369 : i32
      %parallel_loop3A_372 = arith.index_cast %parallel_loop3A_371 : i32 to index
      %parallel_loop3A_373 = tpu.vector_load %arg8[%parallel_loop3A_372] {strides = array<i32>} : memref<12288xf32, #tpu.memory_space<vmem>>, vector<16xf32>,
      %parallel_loop3A_374 = arith.subf %parallel_loop3A_373, %parallel_loop3A_365 : vector<16xf32>
      %parallel_loop3A_375 = arith.mulf %parallel_loop3A_374, %parallel_loop3A_374 : vector<16xf32>
      %parallel_loop3A_376 = arith.addf %parallel_loop3A_334, %parallel_loop3A_375 : vector<16xf32>
      %parallel_loop3A_377 = arith.constant 2 : i32
      %parallel_loop3A_378 = arith.addi %parallel_loop3A_332, %parallel_loop3A_377 : i32
      %parallel_loop3A_379 = arith.constant 16 : i32
      %parallel_loop3A_380 = arith.muli %parallel_loop3A_378, %parallel_loop3A_379 : i32
      %parallel_loop3A_381 = arith.constant 12288 : i32
      %parallel_loop3A_382 = arith.addi %parallel_loop3A_381, %parallel_loop3A_380 : i32
      %parallel_loop3A_383 = arith.index_cast %parallel_loop3A_382 : i32 to index
      %parallel_loop3A_384 = tpu.vector_load %arg6[%parallel_loop3A_383] {strides = array<i32>} : memref<16384xi32, #tpu.memory_space<vmem>>, vector<16xi32>,
      %parallel_loop3A_385 = tpu.vector_load_idx %arg7[%parallel_loop3A_384] : memref<100000xf32, #tpu.memory_space<vmem>>[vector<16xi32>], vector<16xf32>,
      %parallel_loop3A_386 = arith.constant 2 : i32
      %parallel_loop3A_387 = arith.addi %parallel_loop3A_332, %parallel_loop3A_386 : i32
      %parallel_loop3A_388 = arith.constant 16 : i32
      %parallel_loop3A_389 = arith.muli %parallel_loop3A_387, %parallel_loop3A_388 : i32
      %parallel_loop3A_390 = arith.constant 0 : i32
      %parallel_loop3A_391 = arith.addi %parallel_loop3A_390, %parallel_loop3A_389 : i32
      %parallel_loop3A_392 = arith.index_cast %parallel_loop3A_391 : i32 to index
      %parallel_loop3A_393 = tpu.vector_load %arg8[%parallel_loop3A_392] {strides = array<i32>} : memref<12288xf32, #tpu.memory_space<vmem>>, vector<16xf32>,
      %parallel_loop3A_394 = arith.subf %parallel_loop3A_393, %parallel_loop3A_385 : vector<16xf32>
      %parallel_loop3A_395 = arith.mulf %parallel_loop3A_394, %parallel_loop3A_394 : vector<16xf32>
      %parallel_loop3A_396 = arith.addf %parallel_loop3A_335, %parallel_loop3A_395 : vector<16xf32>
      %parallel_loop3A_397 = arith.constant 3 : i32
      %parallel_loop3A_398 = arith.addi %parallel_loop3A_332, %parallel_loop3A_397 : i32
      %parallel_loop3A_399 = arith.constant 16 : i32
      %parallel_loop3A_400 = arith.muli %parallel_loop3A_398, %parallel_loop3A_399 : i32
      %parallel_loop3A_401 = arith.constant 12288 : i32
      %parallel_loop3A_402 = arith.addi %parallel_loop3A_401, %parallel_loop3A_400 : i32
      %parallel_loop3A_403 = arith.index_cast %parallel_loop3A_402 : i32 to index
      %parallel_loop3A_404 = tpu.vector_load %arg6[%parallel_loop3A_403] {strides = array<i32>} : memref<16384xi32, #tpu.memory_space<vmem>>, vector<16xi32>,
      %parallel_loop3A_405 = tpu.vector_load_idx %arg7[%parallel_loop3A_404] : memref<100000xf32, #tpu.memory_space<vmem>>[vector<16xi32>], vector<16xf32>,
      %parallel_loop3A_406 = arith.constant 3 : i32
      %parallel_loop3A_407 = arith.addi %parallel_loop3A_332, %parallel_loop3A_406 : i32
      %parallel_loop3A_408 = arith.constant 16 : i32
      %parallel_loop3A_409 = arith.muli %parallel_loop3A_407, %parallel_loop3A_408 : i32
      %parallel_loop3A_410 = arith.constant 0 : i32
      %parallel_loop3A_411 = arith.addi %parallel_loop3A_410, %parallel_loop3A_409 : i32
      %parallel_loop3A_412 = arith.index_cast %parallel_loop3A_411 : i32 to index
      %parallel_loop3A_413 = tpu.vector_load %arg8[%parallel_loop3A_412] {strides = array<i32>} : memref<12288xf32, #tpu.memory_space<vmem>>, vector<16xf32>,
      %parallel_loop3A_414 = arith.subf %parallel_loop3A_413, %parallel_loop3A_405 : vector<16xf32>
      %parallel_loop3A_415 = arith.mulf %parallel_loop3A_414, %parallel_loop3A_414 : vector<16xf32>
      %parallel_loop3A_416 = arith.addf %parallel_loop3A_336, %parallel_loop3A_415 : vector<16xf32>
      %parallel_loop3A_417 = arith.constant 4 : i32
      %parallel_loop3A_418 = arith.addi %parallel_loop3A_332, %parallel_loop3A_417 : i32
      %parallel_loop3A_419 = arith.constant 16 : i32
      %parallel_loop3A_420 = arith.muli %parallel_loop3A_418, %parallel_loop3A_419 : i32
      %parallel_loop3A_421 = arith.constant 12288 : i32
      %parallel_loop3A_422 = arith.addi %parallel_loop3A_421, %parallel_loop3A_420 : i32
      %parallel_loop3A_423 = arith.index_cast %parallel_loop3A_422 : i32 to index
      %parallel_loop3A_424 = tpu.vector_load %arg6[%parallel_loop3A_423] {strides = array<i32>} : memref<16384xi32, #tpu.memory_space<vmem>>, vector<16xi32>,
      %parallel_loop3A_425 = tpu.vector_load_idx %arg7[%parallel_loop3A_424] : memref<100000xf32, #tpu.memory_space<vmem>>[vector<16xi32>], vector<16xf32>,
      %parallel_loop3A_426 = arith.constant 4 : i32
      %parallel_loop3A_427 = arith.addi %parallel_loop3A_332, %parallel_loop3A_426 : i32
      %parallel_loop3A_428 = arith.constant 16 : i32
      %parallel_loop3A_429 = arith.muli %parallel_loop3A_427, %parallel_loop3A_428 : i32
      %parallel_loop3A_430 = arith.constant 0 : i32
      %parallel_loop3A_431 = arith.addi %parallel_loop3A_430, %parallel_loop3A_429 : i32
      %parallel_loop3A_432 = arith.index_cast %parallel_loop3A_431 : i32 to index
      %parallel_loop3A_433 = tpu.vector_load %arg8[%parallel_loop3A_432] {strides = array<i32>} : memref<12288xf32, #tpu.memory_space<vmem>>, vector<16xf32>,
      %parallel_loop3A_434 = arith.subf %parallel_loop3A_433, %parallel_loop3A_425 : vector<16xf32>
      %parallel_loop3A_435 = arith.mulf %parallel_loop3A_434, %parallel_loop3A_434 : vector<16xf32>
      %parallel_loop3A_436 = arith.addf %parallel_loop3A_356, %parallel_loop3A_435 : vector<16xf32>
      %parallel_loop3A_437 = arith.constant 5 : i32
      %parallel_loop3A_438 = arith.addi %parallel_loop3A_332, %parallel_loop3A_437 : i32
      %parallel_loop3A_439 = arith.constant 16 : i32
      %parallel_loop3A_440 = arith.muli %parallel_loop3A_438, %parallel_loop3A_439 : i32
      %parallel_loop3A_441 = arith.constant 12288 : i32
      %parallel_loop3A_442 = arith.addi %parallel_loop3A_441, %parallel_loop3A_440 : i32
      %parallel_loop3A_443 = arith.index_cast %parallel_loop3A_442 : i32 to index
      %parallel_loop3A_444 = tpu.vector_load %arg6[%parallel_loop3A_443] {strides = array<i32>} : memref<16384xi32, #tpu.memory_space<vmem>>, vector<16xi32>,
      %parallel_loop3A_445 = tpu.vector_load_idx %arg7[%parallel_loop3A_444] : memref<100000xf32, #tpu.memory_space<vmem>>[vector<16xi32>], vector<16xf32>,
      %parallel_loop3A_446 = arith.constant 5 : i32
      %parallel_loop3A_447 = arith.addi %parallel_loop3A_332, %parallel_loop3A_446 : i32
      %parallel_loop3A_448 = arith.constant 16 : i32
      %parallel_loop3A_449 = arith.muli %parallel_loop3A_447, %parallel_loop3A_448 : i32
      %parallel_loop3A_450 = arith.constant 0 : i32
      %parallel_loop3A_451 = arith.addi %parallel_loop3A_450, %parallel_loop3A_449 : i32
      %parallel_loop3A_452 = arith.index_cast %parallel_loop3A_451 : i32 to index
      %parallel_loop3A_453 = tpu.vector_load %arg8[%parallel_loop3A_452] {strides = array<i32>} : memref<12288xf32, #tpu.memory_space<vmem>>, vector<16xf32>,
      %parallel_loop3A_454 = arith.subf %parallel_loop3A_453, %parallel_loop3A_445 : vector<16xf32>
      %parallel_loop3A_455 = arith.mulf %parallel_loop3A_454, %parallel_loop3A_454 : vector<16xf32>
      %parallel_loop3A_456 = arith.addf %parallel_loop3A_376, %parallel_loop3A_455 : vector<16xf32>
      %parallel_loop3A_457 = arith.constant 6 : i32
      %parallel_loop3A_458 = arith.addi %parallel_loop3A_332, %parallel_loop3A_457 : i32
      %parallel_loop3A_459 = arith.constant 16 : i32
      %parallel_loop3A_460 = arith.muli %parallel_loop3A_458, %parallel_loop3A_459 : i32
      %parallel_loop3A_461 = arith.constant 12288 : i32
      %parallel_loop3A_462 = arith.addi %parallel_loop3A_461, %parallel_loop3A_460 : i32
      %parallel_loop3A_463 = arith.index_cast %parallel_loop3A_462 : i32 to index
      %parallel_loop3A_464 = tpu.vector_load %arg6[%parallel_loop3A_463] {strides = array<i32>} : memref<16384xi32, #tpu.memory_space<vmem>>, vector<16xi32>,
      %parallel_loop3A_465 = tpu.vector_load_idx %arg7[%parallel_loop3A_464] : memref<100000xf32, #tpu.memory_space<vmem>>[vector<16xi32>], vector<16xf32>,
      %parallel_loop3A_466 = arith.constant 6 : i32
      %parallel_loop3A_467 = arith.addi %parallel_loop3A_332, %parallel_loop3A_466 : i32
      %parallel_loop3A_468 = arith.constant 16 : i32
      %parallel_loop3A_469 = arith.muli %parallel_loop3A_467, %parallel_loop3A_468 : i32
      %parallel_loop3A_470 = arith.constant 0 : i32
      %parallel_loop3A_471 = arith.addi %parallel_loop3A_470, %parallel_loop3A_469 : i32
      %parallel_loop3A_472 = arith.index_cast %parallel_loop3A_471 : i32 to index
      %parallel_loop3A_473 = tpu.vector_load %arg8[%parallel_loop3A_472] {strides = array<i32>} : memref<12288xf32, #tpu.memory_space<vmem>>, vector<16xf32>,
      %parallel_loop3A_474 = arith.subf %parallel_loop3A_473, %parallel_loop3A_465 : vector<16xf32>
      %parallel_loop3A_475 = arith.mulf %parallel_loop3A_474, %parallel_loop3A_474 : vector<16xf32>
      %parallel_loop3A_476 = arith.addf %parallel_loop3A_396, %parallel_loop3A_475 : vector<16xf32>
      %parallel_loop3A_477 = arith.constant 7 : i32
      %parallel_loop3A_478 = arith.addi %parallel_loop3A_332, %parallel_loop3A_477 : i32
      %parallel_loop3A_479 = arith.constant 16 : i32
      %parallel_loop3A_480 = arith.muli %parallel_loop3A_478, %parallel_loop3A_479 : i32
      %parallel_loop3A_481 = arith.constant 12288 : i32
      %parallel_loop3A_482 = arith.addi %parallel_loop3A_481, %parallel_loop3A_480 : i32
      %parallel_loop3A_483 = arith.index_cast %parallel_loop3A_482 : i32 to index
      %parallel_loop3A_484 = tpu.vector_load %arg6[%parallel_loop3A_483] {strides = array<i32>} : memref<16384xi32, #tpu.memory_space<vmem>>, vector<16xi32>,
      %parallel_loop3A_485 = tpu.vector_load_idx %arg7[%parallel_loop3A_484] : memref<100000xf32, #tpu.memory_space<vmem>>[vector<16xi32>], vector<16xf32>,
      %parallel_loop3A_486 = arith.constant 7 : i32
      %parallel_loop3A_487 = arith.addi %parallel_loop3A_332, %parallel_loop3A_486 : i32
      %parallel_loop3A_488 = arith.constant 16 : i32
      %parallel_loop3A_489 = arith.muli %parallel_loop3A_487, %parallel_loop3A_488 : i32
      %parallel_loop3A_490 = arith.constant 0 : i32
      %parallel_loop3A_491 = arith.addi %parallel_loop3A_490, %parallel_loop3A_489 : i32
      %parallel_loop3A_492 = arith.index_cast %parallel_loop3A_491 : i32 to index
      %parallel_loop3A_493 = tpu.vector_load %arg8[%parallel_loop3A_492] {strides = array<i32>} : memref<12288xf32, #tpu.memory_space<vmem>>, vector<16xf32>,
      %parallel_loop3A_494 = arith.subf %parallel_loop3A_493, %parallel_loop3A_485 : vector<16xf32>
      %parallel_loop3A_495 = arith.mulf %parallel_loop3A_494, %parallel_loop3A_494 : vector<16xf32>
      %parallel_loop3A_496 = arith.addf %parallel_loop3A_416, %parallel_loop3A_495 : vector<16xf32>
      scf.yield %parallel_loop3A_436, %parallel_loop3A_456, %parallel_loop3A_476, %parallel_loop3A_496 : vector<16xf32>, vector<16xf32>, vector<16xf32>, vector<16xf32>
    } {sc.loop_unroll_factor = 1 : i64, sc.parallel_access}
    %add3A_200 = arith.addf %parallel_loop3A_199#0, %parallel_loop3A_199#1 : vector<16xf32>
    %add3A_201 = arith.addf %add3A_200, %parallel_loop3A_199#2 : vector<16xf32>
    %add3A_202 = arith.addf %add3A_201, %parallel_loop3A_199#3 : vector<16xf32>
    %mul3A_203 = arith.constant 2 : i32
    %mul3A_204 = arith.muli %add3A, %mul3A_203 : i32
    %add3A_205 = arith.constant 0 : i32
    %add3A_206 = arith.addi %mul3A_204, %add3A_205 : i32
    %add3A_207 = arith.constant 1 : i32
    %add3A_208 = arith.addi %add3A_206, %add3A_207 : i32
    %dma_start3A_209 = arith.constant 0 : i32
    %dma_start3A_210 = tpu.memref_slice %arg4[%add3A_208, %dma_start3A_209] : memref<64x100000xf32, #tpu.memory_space<hbm>> -> memref<1x100000xf32, #tpu.memory_space<hbm>>
    %dma_start3A_211 = tpu.memref_squeeze %dma_start3A_210 : memref<1x100000xf32, #tpu.memory_space<hbm>> -> memref<100000xf32, #tpu.memory_space<hbm>>
    %dma_start3A_212 = arith.constant 0 : i32
    %dma_start3A_213 = tpu.memref_slice %arg4[%add3A_208, %dma_start3A_212] : memref<64x100000xf32, #tpu.memory_space<hbm>> -> memref<1x100000xf32, #tpu.memory_space<hbm>>
    %dma_start3A_214 = tpu.memref_squeeze %dma_start3A_213 : memref<1x100000xf32, #tpu.memory_space<hbm>> -> memref<100000xf32, #tpu.memory_space<hbm>>
    tpu.enqueue_dma source(%dma_start3A_214 : memref<100000xf32, #tpu.memory_space<hbm>>) target(%arg7 : memref<100000xf32, #tpu.memory_space<vmem>>) target_semaphore(%arg16 : memref<!tpu.dma_semaphore, #tpu.memory_space<semaphore_mem>>)
    %dma_wait3A_215 = arith.constant 0 : i32
    %dma_wait3A_216 = tpu.memref_slice %arg4[%add3A_208, %dma_wait3A_215] : memref<64x100000xf32, #tpu.memory_space<hbm>> -> memref<1x100000xf32, #tpu.memory_space<hbm>>
    %dma_wait3A_217 = tpu.memref_squeeze %dma_wait3A_216 : memref<1x100000xf32, #tpu.memory_space<hbm>> -> memref<100000xf32, #tpu.memory_space<hbm>>
    %dma_wait3A_218 = arith.constant 0 : i32
    %dma_wait3A_219 = tpu.memref_slice %arg4[%add3A_208, %dma_wait3A_218] : memref<64x100000xf32, #tpu.memory_space<hbm>> -> memref<1x100000xf32, #tpu.memory_space<hbm>>
    %dma_wait3A_220 = tpu.memref_squeeze %dma_wait3A_219 : memref<1x100000xf32, #tpu.memory_space<hbm>> -> memref<100000xf32, #tpu.memory_space<hbm>>
    tpu.wait_dma2 semaphore(%arg16 : memref<!tpu.dma_semaphore, #tpu.memory_space<semaphore_mem>>) src(%dma_wait3A_220 : memref<100000xf32, #tpu.memory_space<hbm>>) dst(%arg7 : memref<100000xf32, #tpu.memory_space<vmem>>)
    %dma_wait3A_221 = arith.constant 4096 : i32
    %dma_wait3A_222 = tpu.memref_slice %arg8[%dma_wait3A_221] : memref<12288xf32, #tpu.memory_space<vmem>> -> memref<4096xf32, #tpu.memory_space<vmem>>
    %dma_wait3A_223 = arith.constant 0 : i32
    %dma_wait3A_224 = tpu.memref_slice %arg2[%add3A_105, %dma_wait3A_223] : memref<64x16384xf32, #tpu.memory_space<hbm>> -> memref<1x4096xf32, #tpu.memory_space<hbm>>
    %dma_wait3A_225 = tpu.memref_squeeze %dma_wait3A_224 : memref<1x4096xf32, #tpu.memory_space<hbm>> -> memref<4096xf32, #tpu.memory_space<hbm>>
    %dma_wait3A_226 = arith.constant 4096 : i32
    %dma_wait3A_227 = tpu.memref_slice %arg8[%dma_wait3A_226] : memref<12288xf32, #tpu.memory_space<vmem>> -> memref<4096xf32, #tpu.memory_space<vmem>>
    %dma_wait3A_228 = arith.constant 0 : i32
    %dma_wait3A_229 = tpu.memref_slice %arg2[%add3A_105, %dma_wait3A_228] : memref<64x16384xf32, #tpu.memory_space<hbm>> -> memref<1x4096xf32, #tpu.memory_space<hbm>>
    %dma_wait3A_230 = tpu.memref_squeeze %dma_wait3A_229 : memref<1x4096xf32, #tpu.memory_space<hbm>> -> memref<4096xf32, #tpu.memory_space<hbm>>
    tpu.wait_dma2 semaphore(%arg14 : memref<!tpu.dma_semaphore, #tpu.memory_space<semaphore_mem>>) src(%dma_wait3A_230 : memref<4096xf32, #tpu.memory_space<hbm>>) dst(%dma_wait3A_227 : memref<4096xf32, #tpu.memory_space<vmem>>)
    %mul3A_231 = arith.constant 2 : i32
    %mul3A_232 = arith.muli %add3A, %mul3A_231 : i32
    %add3A_233 = arith.constant 1 : i32
    %add3A_234 = arith.addi %mul3A_232, %add3A_233 : i32
    %dma_start3A_235 = arith.constant 4096 : i32
    %dma_start3A_236 = tpu.memref_slice %arg8[%dma_start3A_235] : memref<12288xf32, #tpu.memory_space<vmem>> -> memref<4096xf32, #tpu.memory_space<vmem>>
    %dma_start3A_237 = arith.constant 12288 : i32
    %dma_start3A_238 = tpu.memref_slice %arg2[%add3A_234, %dma_start3A_237] : memref<64x16384xf32, #tpu.memory_space<hbm>> -> memref<1x4096xf32, #tpu.memory_space<hbm>>
    %dma_start3A_239 = tpu.memref_squeeze %dma_start3A_238 : memref<1x4096xf32, #tpu.memory_space<hbm>> -> memref<4096xf32, #tpu.memory_space<hbm>>
    %dma_start3A_240 = arith.constant 4096 : i32
    %dma_start3A_241 = tpu.memref_slice %arg8[%dma_start3A_240] : memref<12288xf32, #tpu.memory_space<vmem>> -> memref<4096xf32, #tpu.memory_space<vmem>>
    %dma_start3A_242 = arith.constant 12288 : i32
    %dma_start3A_243 = tpu.memref_slice %arg2[%add3A_234, %dma_start3A_242] : memref<64x16384xf32, #tpu.memory_space<hbm>> -> memref<1x4096xf32, #tpu.memory_space<hbm>>
    %dma_start3A_244 = tpu.memref_squeeze %dma_start3A_243 : memref<1x4096xf32, #tpu.memory_space<hbm>> -> memref<4096xf32, #tpu.memory_space<hbm>>
    tpu.enqueue_dma source(%dma_start3A_244 : memref<4096xf32, #tpu.memory_space<hbm>>) target(%dma_start3A_241 : memref<4096xf32, #tpu.memory_space<vmem>>) target_semaphore(%arg14 : memref<!tpu.dma_semaphore, #tpu.memory_space<semaphore_mem>>)
    %broadcast_in_dim3A_245 = arith.constant 0.000000e+00 : f32
    %broadcast_in_dim3A_246 = vector.broadcast %broadcast_in_dim3A_245 : f32 to vector<16xf32>
    %broadcast_in_dim3A_247 = arith.constant 0.000000e+00 : f32
    %broadcast_in_dim3A_248 = vector.broadcast %broadcast_in_dim3A_247 : f32 to vector<16xf32>
    %broadcast_in_dim3A_249 = arith.constant 0.000000e+00 : f32
    %broadcast_in_dim3A_250 = vector.broadcast %broadcast_in_dim3A_249 : f32 to vector<16xf32>
    %parallel_loop3A_251 = arith.constant 0 : i32
    %parallel_loop3A_252 = arith.constant 256 : i32
    %parallel_loop3A_253 = arith.constant 8 : i32
    %parallel_loop3A_254:4 = scf.for %parallel_loop3A_332 = %parallel_loop3A_251 to %parallel_loop3A_252 step %parallel_loop3A_253 iter_args(%parallel_loop3A_333 = %add3A_202, %parallel_loop3A_334 = %broadcast_in_dim3A_246, %parallel_loop3A_335 = %broadcast_in_dim3A_248, %parallel_loop3A_336 = %broadcast_in_dim3A_250) -> (vector<16xf32>, vector<16xf32>, vector<16xf32>, vector<16xf32>)  : i32 {
      %parallel_loop3A_337 = arith.constant 0 : i32
      %parallel_loop3A_338 = arith.addi %parallel_loop3A_332, %parallel_loop3A_337 : i32
      %parallel_loop3A_339 = arith.constant 16 : i32
      %parallel_loop3A_340 = arith.muli %parallel_loop3A_338, %parallel_loop3A_339 : i32
      %parallel_loop3A_341 = arith.constant 0 : i32
      %parallel_loop3A_342 = arith.addi %parallel_loop3A_341, %parallel_loop3A_340 : i32
      %parallel_loop3A_343 = arith.index_cast %parallel_loop3A_342 : i32 to index
      %parallel_loop3A_344 = tpu.vector_load %arg6[%parallel_loop3A_343] {strides = array<i32>} : memref<16384xi32, #tpu.memory_space<vmem>>, vector<16xi32>,
      %parallel_loop3A_345 = tpu.vector_load_idx %arg7[%parallel_loop3A_344] : memref<100000xf32, #tpu.memory_space<vmem>>[vector<16xi32>], vector<16xf32>,
      %parallel_loop3A_346 = arith.constant 0 : i32
      %parallel_loop3A_347 = arith.addi %parallel_loop3A_332, %parallel_loop3A_346 : i32
      %parallel_loop3A_348 = arith.constant 16 : i32
      %parallel_loop3A_349 = arith.muli %parallel_loop3A_347, %parallel_loop3A_348 : i32
      %parallel_loop3A_350 = arith.constant 4096 : i32
      %parallel_loop3A_351 = arith.addi %parallel_loop3A_350, %parallel_loop3A_349 : i32
      %parallel_loop3A_352 = arith.index_cast %parallel_loop3A_351 : i32 to index
      %parallel_loop3A_353 = tpu.vector_load %arg8[%parallel_loop3A_352] {strides = array<i32>} : memref<12288xf32, #tpu.memory_space<vmem>>, vector<16xf32>,
      %parallel_loop3A_354 = arith.subf %parallel_loop3A_353, %parallel_loop3A_345 : vector<16xf32>
      %parallel_loop3A_355 = arith.mulf %parallel_loop3A_354, %parallel_loop3A_354 : vector<16xf32>
      %parallel_loop3A_356 = arith.addf %parallel_loop3A_333, %parallel_loop3A_355 : vector<16xf32>
      %parallel_loop3A_357 = arith.constant 1 : i32
      %parallel_loop3A_358 = arith.addi %parallel_loop3A_332, %parallel_loop3A_357 : i32
      %parallel_loop3A_359 = arith.constant 16 : i32
      %parallel_loop3A_360 = arith.muli %parallel_loop3A_358, %parallel_loop3A_359 : i32
      %parallel_loop3A_361 = arith.constant 0 : i32
      %parallel_loop3A_362 = arith.addi %parallel_loop3A_361, %parallel_loop3A_360 : i32
      %parallel_loop3A_363 = arith.index_cast %parallel_loop3A_362 : i32 to index
      %parallel_loop3A_364 = tpu.vector_load %arg6[%parallel_loop3A_363] {strides = array<i32>} : memref<16384xi32, #tpu.memory_space<vmem>>, vector<16xi32>,
      %parallel_loop3A_365 = tpu.vector_load_idx %arg7[%parallel_loop3A_364] : memref<100000xf32, #tpu.memory_space<vmem>>[vector<16xi32>], vector<16xf32>,
      %parallel_loop3A_366 = arith.constant 1 : i32
      %parallel_loop3A_367 = arith.addi %parallel_loop3A_332, %parallel_loop3A_366 : i32
      %parallel_loop3A_368 = arith.constant 16 : i32
      %parallel_loop3A_369 = arith.muli %parallel_loop3A_367, %parallel_loop3A_368 : i32
      %parallel_loop3A_370 = arith.constant 4096 : i32
      %parallel_loop3A_371 = arith.addi %parallel_loop3A_370, %parallel_loop3A_369 : i32
      %parallel_loop3A_372 = arith.index_cast %parallel_loop3A_371 : i32 to index
      %parallel_loop3A_373 = tpu.vector_load %arg8[%parallel_loop3A_372] {strides = array<i32>} : memref<12288xf32, #tpu.memory_space<vmem>>, vector<16xf32>,
      %parallel_loop3A_374 = arith.subf %parallel_loop3A_373, %parallel_loop3A_365 : vector<16xf32>
      %parallel_loop3A_375 = arith.mulf %parallel_loop3A_374, %parallel_loop3A_374 : vector<16xf32>
      %parallel_loop3A_376 = arith.addf %parallel_loop3A_334, %parallel_loop3A_375 : vector<16xf32>
      %parallel_loop3A_377 = arith.constant 2 : i32
      %parallel_loop3A_378 = arith.addi %parallel_loop3A_332, %parallel_loop3A_377 : i32
      %parallel_loop3A_379 = arith.constant 16 : i32
      %parallel_loop3A_380 = arith.muli %parallel_loop3A_378, %parallel_loop3A_379 : i32
      %parallel_loop3A_381 = arith.constant 0 : i32
      %parallel_loop3A_382 = arith.addi %parallel_loop3A_381, %parallel_loop3A_380 : i32
      %parallel_loop3A_383 = arith.index_cast %parallel_loop3A_382 : i32 to index
      %parallel_loop3A_384 = tpu.vector_load %arg6[%parallel_loop3A_383] {strides = array<i32>} : memref<16384xi32, #tpu.memory_space<vmem>>, vector<16xi32>,
      %parallel_loop3A_385 = tpu.vector_load_idx %arg7[%parallel_loop3A_384] : memref<100000xf32, #tpu.memory_space<vmem>>[vector<16xi32>], vector<16xf32>,
      %parallel_loop3A_386 = arith.constant 2 : i32
      %parallel_loop3A_387 = arith.addi %parallel_loop3A_332, %parallel_loop3A_386 : i32
      %parallel_loop3A_388 = arith.constant 16 : i32
      %parallel_loop3A_389 = arith.muli %parallel_loop3A_387, %parallel_loop3A_388 : i32
      %parallel_loop3A_390 = arith.constant 4096 : i32
      %parallel_loop3A_391 = arith.addi %parallel_loop3A_390, %parallel_loop3A_389 : i32
      %parallel_loop3A_392 = arith.index_cast %parallel_loop3A_391 : i32 to index
      %parallel_loop3A_393 = tpu.vector_load %arg8[%parallel_loop3A_392] {strides = array<i32>} : memref<12288xf32, #tpu.memory_space<vmem>>, vector<16xf32>,
      %parallel_loop3A_394 = arith.subf %parallel_loop3A_393, %parallel_loop3A_385 : vector<16xf32>
      %parallel_loop3A_395 = arith.mulf %parallel_loop3A_394, %parallel_loop3A_394 : vector<16xf32>
      %parallel_loop3A_396 = arith.addf %parallel_loop3A_335, %parallel_loop3A_395 : vector<16xf32>
      %parallel_loop3A_397 = arith.constant 3 : i32
      %parallel_loop3A_398 = arith.addi %parallel_loop3A_332, %parallel_loop3A_397 : i32
      %parallel_loop3A_399 = arith.constant 16 : i32
      %parallel_loop3A_400 = arith.muli %parallel_loop3A_398, %parallel_loop3A_399 : i32
      %parallel_loop3A_401 = arith.constant 0 : i32
      %parallel_loop3A_402 = arith.addi %parallel_loop3A_401, %parallel_loop3A_400 : i32
      %parallel_loop3A_403 = arith.index_cast %parallel_loop3A_402 : i32 to index
      %parallel_loop3A_404 = tpu.vector_load %arg6[%parallel_loop3A_403] {strides = array<i32>} : memref<16384xi32, #tpu.memory_space<vmem>>, vector<16xi32>,
      %parallel_loop3A_405 = tpu.vector_load_idx %arg7[%parallel_loop3A_404] : memref<100000xf32, #tpu.memory_space<vmem>>[vector<16xi32>], vector<16xf32>,
      %parallel_loop3A_406 = arith.constant 3 : i32
      %parallel_loop3A_407 = arith.addi %parallel_loop3A_332, %parallel_loop3A_406 : i32
      %parallel_loop3A_408 = arith.constant 16 : i32
      %parallel_loop3A_409 = arith.muli %parallel_loop3A_407, %parallel_loop3A_408 : i32
      %parallel_loop3A_410 = arith.constant 4096 : i32
      %parallel_loop3A_411 = arith.addi %parallel_loop3A_410, %parallel_loop3A_409 : i32
      %parallel_loop3A_412 = arith.index_cast %parallel_loop3A_411 : i32 to index
      %parallel_loop3A_413 = tpu.vector_load %arg8[%parallel_loop3A_412] {strides = array<i32>} : memref<12288xf32, #tpu.memory_space<vmem>>, vector<16xf32>,
      %parallel_loop3A_414 = arith.subf %parallel_loop3A_413, %parallel_loop3A_405 : vector<16xf32>
      %parallel_loop3A_415 = arith.mulf %parallel_loop3A_414, %parallel_loop3A_414 : vector<16xf32>
      %parallel_loop3A_416 = arith.addf %parallel_loop3A_336, %parallel_loop3A_415 : vector<16xf32>
      %parallel_loop3A_417 = arith.constant 4 : i32
      %parallel_loop3A_418 = arith.addi %parallel_loop3A_332, %parallel_loop3A_417 : i32
      %parallel_loop3A_419 = arith.constant 16 : i32
      %parallel_loop3A_420 = arith.muli %parallel_loop3A_418, %parallel_loop3A_419 : i32
      %parallel_loop3A_421 = arith.constant 0 : i32
      %parallel_loop3A_422 = arith.addi %parallel_loop3A_421, %parallel_loop3A_420 : i32
      %parallel_loop3A_423 = arith.index_cast %parallel_loop3A_422 : i32 to index
      %parallel_loop3A_424 = tpu.vector_load %arg6[%parallel_loop3A_423] {strides = array<i32>} : memref<16384xi32, #tpu.memory_space<vmem>>, vector<16xi32>,
      %parallel_loop3A_425 = tpu.vector_load_idx %arg7[%parallel_loop3A_424] : memref<100000xf32, #tpu.memory_space<vmem>>[vector<16xi32>], vector<16xf32>,
      %parallel_loop3A_426 = arith.constant 4 : i32
      %parallel_loop3A_427 = arith.addi %parallel_loop3A_332, %parallel_loop3A_426 : i32
      %parallel_loop3A_428 = arith.constant 16 : i32
      %parallel_loop3A_429 = arith.muli %parallel_loop3A_427, %parallel_loop3A_428 : i32
      %parallel_loop3A_430 = arith.constant 4096 : i32
      %parallel_loop3A_431 = arith.addi %parallel_loop3A_430, %parallel_loop3A_429 : i32
      %parallel_loop3A_432 = arith.index_cast %parallel_loop3A_431 : i32 to index
      %parallel_loop3A_433 = tpu.vector_load %arg8[%parallel_loop3A_432] {strides = array<i32>} : memref<12288xf32, #tpu.memory_space<vmem>>, vector<16xf32>,
      %parallel_loop3A_434 = arith.subf %parallel_loop3A_433, %parallel_loop3A_425 : vector<16xf32>
      %parallel_loop3A_435 = arith.mulf %parallel_loop3A_434, %parallel_loop3A_434 : vector<16xf32>
      %parallel_loop3A_436 = arith.addf %parallel_loop3A_356, %parallel_loop3A_435 : vector<16xf32>
      %parallel_loop3A_437 = arith.constant 5 : i32
      %parallel_loop3A_438 = arith.addi %parallel_loop3A_332, %parallel_loop3A_437 : i32
      %parallel_loop3A_439 = arith.constant 16 : i32
      %parallel_loop3A_440 = arith.muli %parallel_loop3A_438, %parallel_loop3A_439 : i32
      %parallel_loop3A_441 = arith.constant 0 : i32
      %parallel_loop3A_442 = arith.addi %parallel_loop3A_441, %parallel_loop3A_440 : i32
      %parallel_loop3A_443 = arith.index_cast %parallel_loop3A_442 : i32 to index
      %parallel_loop3A_444 = tpu.vector_load %arg6[%parallel_loop3A_443] {strides = array<i32>} : memref<16384xi32, #tpu.memory_space<vmem>>, vector<16xi32>,
      %parallel_loop3A_445 = tpu.vector_load_idx %arg7[%parallel_loop3A_444] : memref<100000xf32, #tpu.memory_space<vmem>>[vector<16xi32>], vector<16xf32>,
      %parallel_loop3A_446 = arith.constant 5 : i32
      %parallel_loop3A_447 = arith.addi %parallel_loop3A_332, %parallel_loop3A_446 : i32
      %parallel_loop3A_448 = arith.constant 16 : i32
      %parallel_loop3A_449 = arith.muli %parallel_loop3A_447, %parallel_loop3A_448 : i32
      %parallel_loop3A_450 = arith.constant 4096 : i32
      %parallel_loop3A_451 = arith.addi %parallel_loop3A_450, %parallel_loop3A_449 : i32
      %parallel_loop3A_452 = arith.index_cast %parallel_loop3A_451 : i32 to index
      %parallel_loop3A_453 = tpu.vector_load %arg8[%parallel_loop3A_452] {strides = array<i32>} : memref<12288xf32, #tpu.memory_space<vmem>>, vector<16xf32>,
      %parallel_loop3A_454 = arith.subf %parallel_loop3A_453, %parallel_loop3A_445 : vector<16xf32>
      %parallel_loop3A_455 = arith.mulf %parallel_loop3A_454, %parallel_loop3A_454 : vector<16xf32>
      %parallel_loop3A_456 = arith.addf %parallel_loop3A_376, %parallel_loop3A_455 : vector<16xf32>
      %parallel_loop3A_457 = arith.constant 6 : i32
      %parallel_loop3A_458 = arith.addi %parallel_loop3A_332, %parallel_loop3A_457 : i32
      %parallel_loop3A_459 = arith.constant 16 : i32
      %parallel_loop3A_460 = arith.muli %parallel_loop3A_458, %parallel_loop3A_459 : i32
      %parallel_loop3A_461 = arith.constant 0 : i32
      %parallel_loop3A_462 = arith.addi %parallel_loop3A_461, %parallel_loop3A_460 : i32
      %parallel_loop3A_463 = arith.index_cast %parallel_loop3A_462 : i32 to index
      %parallel_loop3A_464 = tpu.vector_load %arg6[%parallel_loop3A_463] {strides = array<i32>} : memref<16384xi32, #tpu.memory_space<vmem>>, vector<16xi32>,
      %parallel_loop3A_465 = tpu.vector_load_idx %arg7[%parallel_loop3A_464] : memref<100000xf32, #tpu.memory_space<vmem>>[vector<16xi32>], vector<16xf32>,
      %parallel_loop3A_466 = arith.constant 6 : i32
      %parallel_loop3A_467 = arith.addi %parallel_loop3A_332, %parallel_loop3A_466 : i32
      %parallel_loop3A_468 = arith.constant 16 : i32
      %parallel_loop3A_469 = arith.muli %parallel_loop3A_467, %parallel_loop3A_468 : i32
      %parallel_loop3A_470 = arith.constant 4096 : i32
      %parallel_loop3A_471 = arith.addi %parallel_loop3A_470, %parallel_loop3A_469 : i32
      %parallel_loop3A_472 = arith.index_cast %parallel_loop3A_471 : i32 to index
      %parallel_loop3A_473 = tpu.vector_load %arg8[%parallel_loop3A_472] {strides = array<i32>} : memref<12288xf32, #tpu.memory_space<vmem>>, vector<16xf32>,
      %parallel_loop3A_474 = arith.subf %parallel_loop3A_473, %parallel_loop3A_465 : vector<16xf32>
      %parallel_loop3A_475 = arith.mulf %parallel_loop3A_474, %parallel_loop3A_474 : vector<16xf32>
      %parallel_loop3A_476 = arith.addf %parallel_loop3A_396, %parallel_loop3A_475 : vector<16xf32>
      %parallel_loop3A_477 = arith.constant 7 : i32
      %parallel_loop3A_478 = arith.addi %parallel_loop3A_332, %parallel_loop3A_477 : i32
      %parallel_loop3A_479 = arith.constant 16 : i32
      %parallel_loop3A_480 = arith.muli %parallel_loop3A_478, %parallel_loop3A_479 : i32
      %parallel_loop3A_481 = arith.constant 0 : i32
      %parallel_loop3A_482 = arith.addi %parallel_loop3A_481, %parallel_loop3A_480 : i32
      %parallel_loop3A_483 = arith.index_cast %parallel_loop3A_482 : i32 to index
      %parallel_loop3A_484 = tpu.vector_load %arg6[%parallel_loop3A_483] {strides = array<i32>} : memref<16384xi32, #tpu.memory_space<vmem>>, vector<16xi32>,
      %parallel_loop3A_485 = tpu.vector_load_idx %arg7[%parallel_loop3A_484] : memref<100000xf32, #tpu.memory_space<vmem>>[vector<16xi32>], vector<16xf32>,
      %parallel_loop3A_486 = arith.constant 7 : i32
      %parallel_loop3A_487 = arith.addi %parallel_loop3A_332, %parallel_loop3A_486 : i32
      %parallel_loop3A_488 = arith.constant 16 : i32
      %parallel_loop3A_489 = arith.muli %parallel_loop3A_487, %parallel_loop3A_488 : i32
      %parallel_loop3A_490 = arith.constant 4096 : i32
      %parallel_loop3A_491 = arith.addi %parallel_loop3A_490, %parallel_loop3A_489 : i32
      %parallel_loop3A_492 = arith.index_cast %parallel_loop3A_491 : i32 to index
      %parallel_loop3A_493 = tpu.vector_load %arg8[%parallel_loop3A_492] {strides = array<i32>} : memref<12288xf32, #tpu.memory_space<vmem>>, vector<16xf32>,
      %parallel_loop3A_494 = arith.subf %parallel_loop3A_493, %parallel_loop3A_485 : vector<16xf32>
      %parallel_loop3A_495 = arith.mulf %parallel_loop3A_494, %parallel_loop3A_494 : vector<16xf32>
      %parallel_loop3A_496 = arith.addf %parallel_loop3A_416, %parallel_loop3A_495 : vector<16xf32>
      scf.yield %parallel_loop3A_436, %parallel_loop3A_456, %parallel_loop3A_476, %parallel_loop3A_496 : vector<16xf32>, vector<16xf32>, vector<16xf32>, vector<16xf32>
    } {sc.loop_unroll_factor = 1 : i64, sc.parallel_access}
    %add3A_255 = arith.addf %parallel_loop3A_254#0, %parallel_loop3A_254#1 : vector<16xf32>
    %add3A_256 = arith.addf %add3A_255, %parallel_loop3A_254#2 : vector<16xf32>
    %add3A_257 = arith.addf %add3A_256, %parallel_loop3A_254#3 : vector<16xf32>
    %dma_wait3A_258 = arith.constant 8192 : i32
    %dma_wait3A_259 = tpu.memref_slice %arg8[%dma_wait3A_258] : memref<12288xf32, #tpu.memory_space<vmem>> -> memref<4096xf32, #tpu.memory_space<vmem>>
    %dma_wait3A_260 = arith.constant 4096 : i32
    %dma_wait3A_261 = tpu.memref_slice %arg2[%add3A_142, %dma_wait3A_260] : memref<64x16384xf32, #tpu.memory_space<hbm>> -> memref<1x4096xf32, #tpu.memory_space<hbm>>
    %dma_wait3A_262 = tpu.memref_squeeze %dma_wait3A_261 : memref<1x4096xf32, #tpu.memory_space<hbm>> -> memref<4096xf32, #tpu.memory_space<hbm>>
    %dma_wait3A_263 = arith.constant 8192 : i32
    %dma_wait3A_264 = tpu.memref_slice %arg8[%dma_wait3A_263] : memref<12288xf32, #tpu.memory_space<vmem>> -> memref<4096xf32, #tpu.memory_space<vmem>>
    %dma_wait3A_265 = arith.constant 4096 : i32
    %dma_wait3A_266 = tpu.memref_slice %arg2[%add3A_142, %dma_wait3A_265] : memref<64x16384xf32, #tpu.memory_space<hbm>> -> memref<1x4096xf32, #tpu.memory_space<hbm>>
    %dma_wait3A_267 = tpu.memref_squeeze %dma_wait3A_266 : memref<1x4096xf32, #tpu.memory_space<hbm>> -> memref<4096xf32, #tpu.memory_space<hbm>>
    tpu.wait_dma2 semaphore(%arg15 : memref<!tpu.dma_semaphore, #tpu.memory_space<semaphore_mem>>) src(%dma_wait3A_267 : memref<4096xf32, #tpu.memory_space<hbm>>) dst(%dma_wait3A_264 : memref<4096xf32, #tpu.memory_space<vmem>>)
    %broadcast_in_dim3A_268 = arith.constant 0.000000e+00 : f32
    %broadcast_in_dim3A_269 = vector.broadcast %broadcast_in_dim3A_268 : f32 to vector<16xf32>
    %broadcast_in_dim3A_270 = arith.constant 0.000000e+00 : f32
    %broadcast_in_dim3A_271 = vector.broadcast %broadcast_in_dim3A_270 : f32 to vector<16xf32>
    %broadcast_in_dim3A_272 = arith.constant 0.000000e+00 : f32
    %broadcast_in_dim3A_273 = vector.broadcast %broadcast_in_dim3A_272 : f32 to vector<16xf32>
    %parallel_loop3A_274 = arith.constant 0 : i32
    %parallel_loop3A_275 = arith.constant 256 : i32
    %parallel_loop3A_276 = arith.constant 8 : i32
    %parallel_loop3A_277:4 = scf.for %parallel_loop3A_332 = %parallel_loop3A_274 to %parallel_loop3A_275 step %parallel_loop3A_276 iter_args(%parallel_loop3A_333 = %add3A_257, %parallel_loop3A_334 = %broadcast_in_dim3A_269, %parallel_loop3A_335 = %broadcast_in_dim3A_271, %parallel_loop3A_336 = %broadcast_in_dim3A_273) -> (vector<16xf32>, vector<16xf32>, vector<16xf32>, vector<16xf32>)  : i32 {
      %parallel_loop3A_337 = arith.constant 0 : i32
      %parallel_loop3A_338 = arith.addi %parallel_loop3A_332, %parallel_loop3A_337 : i32
      %parallel_loop3A_339 = arith.constant 16 : i32
      %parallel_loop3A_340 = arith.muli %parallel_loop3A_338, %parallel_loop3A_339 : i32
      %parallel_loop3A_341 = arith.constant 4096 : i32
      %parallel_loop3A_342 = arith.addi %parallel_loop3A_341, %parallel_loop3A_340 : i32
      %parallel_loop3A_343 = arith.index_cast %parallel_loop3A_342 : i32 to index
      %parallel_loop3A_344 = tpu.vector_load %arg6[%parallel_loop3A_343] {strides = array<i32>} : memref<16384xi32, #tpu.memory_space<vmem>>, vector<16xi32>,
      %parallel_loop3A_345 = tpu.vector_load_idx %arg7[%parallel_loop3A_344] : memref<100000xf32, #tpu.memory_space<vmem>>[vector<16xi32>], vector<16xf32>,
      %parallel_loop3A_346 = arith.constant 0 : i32
      %parallel_loop3A_347 = arith.addi %parallel_loop3A_332, %parallel_loop3A_346 : i32
      %parallel_loop3A_348 = arith.constant 16 : i32
      %parallel_loop3A_349 = arith.muli %parallel_loop3A_347, %parallel_loop3A_348 : i32
      %parallel_loop3A_350 = arith.constant 8192 : i32
      %parallel_loop3A_351 = arith.addi %parallel_loop3A_350, %parallel_loop3A_349 : i32
      %parallel_loop3A_352 = arith.index_cast %parallel_loop3A_351 : i32 to index
      %parallel_loop3A_353 = tpu.vector_load %arg8[%parallel_loop3A_352] {strides = array<i32>} : memref<12288xf32, #tpu.memory_space<vmem>>, vector<16xf32>,
      %parallel_loop3A_354 = arith.subf %parallel_loop3A_353, %parallel_loop3A_345 : vector<16xf32>
      %parallel_loop3A_355 = arith.mulf %parallel_loop3A_354, %parallel_loop3A_354 : vector<16xf32>
      %parallel_loop3A_356 = arith.addf %parallel_loop3A_333, %parallel_loop3A_355 : vector<16xf32>
      %parallel_loop3A_357 = arith.constant 1 : i32
      %parallel_loop3A_358 = arith.addi %parallel_loop3A_332, %parallel_loop3A_357 : i32
      %parallel_loop3A_359 = arith.constant 16 : i32
      %parallel_loop3A_360 = arith.muli %parallel_loop3A_358, %parallel_loop3A_359 : i32
      %parallel_loop3A_361 = arith.constant 4096 : i32
      %parallel_loop3A_362 = arith.addi %parallel_loop3A_361, %parallel_loop3A_360 : i32
      %parallel_loop3A_363 = arith.index_cast %parallel_loop3A_362 : i32 to index
      %parallel_loop3A_364 = tpu.vector_load %arg6[%parallel_loop3A_363] {strides = array<i32>} : memref<16384xi32, #tpu.memory_space<vmem>>, vector<16xi32>,
      %parallel_loop3A_365 = tpu.vector_load_idx %arg7[%parallel_loop3A_364] : memref<100000xf32, #tpu.memory_space<vmem>>[vector<16xi32>], vector<16xf32>,
      %parallel_loop3A_366 = arith.constant 1 : i32
      %parallel_loop3A_367 = arith.addi %parallel_loop3A_332, %parallel_loop3A_366 : i32
      %parallel_loop3A_368 = arith.constant 16 : i32
      %parallel_loop3A_369 = arith.muli %parallel_loop3A_367, %parallel_loop3A_368 : i32
      %parallel_loop3A_370 = arith.constant 8192 : i32
      %parallel_loop3A_371 = arith.addi %parallel_loop3A_370, %parallel_loop3A_369 : i32
      %parallel_loop3A_372 = arith.index_cast %parallel_loop3A_371 : i32 to index
      %parallel_loop3A_373 = tpu.vector_load %arg8[%parallel_loop3A_372] {strides = array<i32>} : memref<12288xf32, #tpu.memory_space<vmem>>, vector<16xf32>,
      %parallel_loop3A_374 = arith.subf %parallel_loop3A_373, %parallel_loop3A_365 : vector<16xf32>
      %parallel_loop3A_375 = arith.mulf %parallel_loop3A_374, %parallel_loop3A_374 : vector<16xf32>
      %parallel_loop3A_376 = arith.addf %parallel_loop3A_334, %parallel_loop3A_375 : vector<16xf32>
      %parallel_loop3A_377 = arith.constant 2 : i32
      %parallel_loop3A_378 = arith.addi %parallel_loop3A_332, %parallel_loop3A_377 : i32
      %parallel_loop3A_379 = arith.constant 16 : i32
      %parallel_loop3A_380 = arith.muli %parallel_loop3A_378, %parallel_loop3A_379 : i32
      %parallel_loop3A_381 = arith.constant 4096 : i32
      %parallel_loop3A_382 = arith.addi %parallel_loop3A_381, %parallel_loop3A_380 : i32
      %parallel_loop3A_383 = arith.index_cast %parallel_loop3A_382 : i32 to index
      %parallel_loop3A_384 = tpu.vector_load %arg6[%parallel_loop3A_383] {strides = array<i32>} : memref<16384xi32, #tpu.memory_space<vmem>>, vector<16xi32>,
      %parallel_loop3A_385 = tpu.vector_load_idx %arg7[%parallel_loop3A_384] : memref<100000xf32, #tpu.memory_space<vmem>>[vector<16xi32>], vector<16xf32>,
      %parallel_loop3A_386 = arith.constant 2 : i32
      %parallel_loop3A_387 = arith.addi %parallel_loop3A_332, %parallel_loop3A_386 : i32
      %parallel_loop3A_388 = arith.constant 16 : i32
      %parallel_loop3A_389 = arith.muli %parallel_loop3A_387, %parallel_loop3A_388 : i32
      %parallel_loop3A_390 = arith.constant 8192 : i32
      %parallel_loop3A_391 = arith.addi %parallel_loop3A_390, %parallel_loop3A_389 : i32
      %parallel_loop3A_392 = arith.index_cast %parallel_loop3A_391 : i32 to index
      %parallel_loop3A_393 = tpu.vector_load %arg8[%parallel_loop3A_392] {strides = array<i32>} : memref<12288xf32, #tpu.memory_space<vmem>>, vector<16xf32>,
      %parallel_loop3A_394 = arith.subf %parallel_loop3A_393, %parallel_loop3A_385 : vector<16xf32>
      %parallel_loop3A_395 = arith.mulf %parallel_loop3A_394, %parallel_loop3A_394 : vector<16xf32>
      %parallel_loop3A_396 = arith.addf %parallel_loop3A_335, %parallel_loop3A_395 : vector<16xf32>
      %parallel_loop3A_397 = arith.constant 3 : i32
      %parallel_loop3A_398 = arith.addi %parallel_loop3A_332, %parallel_loop3A_397 : i32
      %parallel_loop3A_399 = arith.constant 16 : i32
      %parallel_loop3A_400 = arith.muli %parallel_loop3A_398, %parallel_loop3A_399 : i32
      %parallel_loop3A_401 = arith.constant 4096 : i32
      %parallel_loop3A_402 = arith.addi %parallel_loop3A_401, %parallel_loop3A_400 : i32
      %parallel_loop3A_403 = arith.index_cast %parallel_loop3A_402 : i32 to index
      %parallel_loop3A_404 = tpu.vector_load %arg6[%parallel_loop3A_403] {strides = array<i32>} : memref<16384xi32, #tpu.memory_space<vmem>>, vector<16xi32>,
      %parallel_loop3A_405 = tpu.vector_load_idx %arg7[%parallel_loop3A_404] : memref<100000xf32, #tpu.memory_space<vmem>>[vector<16xi32>], vector<16xf32>,
      %parallel_loop3A_406 = arith.constant 3 : i32
      %parallel_loop3A_407 = arith.addi %parallel_loop3A_332, %parallel_loop3A_406 : i32
      %parallel_loop3A_408 = arith.constant 16 : i32
      %parallel_loop3A_409 = arith.muli %parallel_loop3A_407, %parallel_loop3A_408 : i32
      %parallel_loop3A_410 = arith.constant 8192 : i32
      %parallel_loop3A_411 = arith.addi %parallel_loop3A_410, %parallel_loop3A_409 : i32
      %parallel_loop3A_412 = arith.index_cast %parallel_loop3A_411 : i32 to index
      %parallel_loop3A_413 = tpu.vector_load %arg8[%parallel_loop3A_412] {strides = array<i32>} : memref<12288xf32, #tpu.memory_space<vmem>>, vector<16xf32>,
      %parallel_loop3A_414 = arith.subf %parallel_loop3A_413, %parallel_loop3A_405 : vector<16xf32>
      %parallel_loop3A_415 = arith.mulf %parallel_loop3A_414, %parallel_loop3A_414 : vector<16xf32>
      %parallel_loop3A_416 = arith.addf %parallel_loop3A_336, %parallel_loop3A_415 : vector<16xf32>
      %parallel_loop3A_417 = arith.constant 4 : i32
      %parallel_loop3A_418 = arith.addi %parallel_loop3A_332, %parallel_loop3A_417 : i32
      %parallel_loop3A_419 = arith.constant 16 : i32
      %parallel_loop3A_420 = arith.muli %parallel_loop3A_418, %parallel_loop3A_419 : i32
      %parallel_loop3A_421 = arith.constant 4096 : i32
      %parallel_loop3A_422 = arith.addi %parallel_loop3A_421, %parallel_loop3A_420 : i32
      %parallel_loop3A_423 = arith.index_cast %parallel_loop3A_422 : i32 to index
      %parallel_loop3A_424 = tpu.vector_load %arg6[%parallel_loop3A_423] {strides = array<i32>} : memref<16384xi32, #tpu.memory_space<vmem>>, vector<16xi32>,
      %parallel_loop3A_425 = tpu.vector_load_idx %arg7[%parallel_loop3A_424] : memref<100000xf32, #tpu.memory_space<vmem>>[vector<16xi32>], vector<16xf32>,
      %parallel_loop3A_426 = arith.constant 4 : i32
      %parallel_loop3A_427 = arith.addi %parallel_loop3A_332, %parallel_loop3A_426 : i32
      %parallel_loop3A_428 = arith.constant 16 : i32
      %parallel_loop3A_429 = arith.muli %parallel_loop3A_427, %parallel_loop3A_428 : i32
      %parallel_loop3A_430 = arith.constant 8192 : i32
      %parallel_loop3A_431 = arith.addi %parallel_loop3A_430, %parallel_loop3A_429 : i32
      %parallel_loop3A_432 = arith.index_cast %parallel_loop3A_431 : i32 to index
      %parallel_loop3A_433 = tpu.vector_load %arg8[%parallel_loop3A_432] {strides = array<i32>} : memref<12288xf32, #tpu.memory_space<vmem>>, vector<16xf32>,
      %parallel_loop3A_434 = arith.subf %parallel_loop3A_433, %parallel_loop3A_425 : vector<16xf32>
      %parallel_loop3A_435 = arith.mulf %parallel_loop3A_434, %parallel_loop3A_434 : vector<16xf32>
      %parallel_loop3A_436 = arith.addf %parallel_loop3A_356, %parallel_loop3A_435 : vector<16xf32>
      %parallel_loop3A_437 = arith.constant 5 : i32
      %parallel_loop3A_438 = arith.addi %parallel_loop3A_332, %parallel_loop3A_437 : i32
      %parallel_loop3A_439 = arith.constant 16 : i32
      %parallel_loop3A_440 = arith.muli %parallel_loop3A_438, %parallel_loop3A_439 : i32
      %parallel_loop3A_441 = arith.constant 4096 : i32
      %parallel_loop3A_442 = arith.addi %parallel_loop3A_441, %parallel_loop3A_440 : i32
      %parallel_loop3A_443 = arith.index_cast %parallel_loop3A_442 : i32 to index
      %parallel_loop3A_444 = tpu.vector_load %arg6[%parallel_loop3A_443] {strides = array<i32>} : memref<16384xi32, #tpu.memory_space<vmem>>, vector<16xi32>,
      %parallel_loop3A_445 = tpu.vector_load_idx %arg7[%parallel_loop3A_444] : memref<100000xf32, #tpu.memory_space<vmem>>[vector<16xi32>], vector<16xf32>,
      %parallel_loop3A_446 = arith.constant 5 : i32
      %parallel_loop3A_447 = arith.addi %parallel_loop3A_332, %parallel_loop3A_446 : i32
      %parallel_loop3A_448 = arith.constant 16 : i32
      %parallel_loop3A_449 = arith.muli %parallel_loop3A_447, %parallel_loop3A_448 : i32
      %parallel_loop3A_450 = arith.constant 8192 : i32
      %parallel_loop3A_451 = arith.addi %parallel_loop3A_450, %parallel_loop3A_449 : i32
      %parallel_loop3A_452 = arith.index_cast %parallel_loop3A_451 : i32 to index
      %parallel_loop3A_453 = tpu.vector_load %arg8[%parallel_loop3A_452] {strides = array<i32>} : memref<12288xf32, #tpu.memory_space<vmem>>, vector<16xf32>,
      %parallel_loop3A_454 = arith.subf %parallel_loop3A_453, %parallel_loop3A_445 : vector<16xf32>
      %parallel_loop3A_455 = arith.mulf %parallel_loop3A_454, %parallel_loop3A_454 : vector<16xf32>
      %parallel_loop3A_456 = arith.addf %parallel_loop3A_376, %parallel_loop3A_455 : vector<16xf32>
      %parallel_loop3A_457 = arith.constant 6 : i32
      %parallel_loop3A_458 = arith.addi %parallel_loop3A_332, %parallel_loop3A_457 : i32
      %parallel_loop3A_459 = arith.constant 16 : i32
      %parallel_loop3A_460 = arith.muli %parallel_loop3A_458, %parallel_loop3A_459 : i32
      %parallel_loop3A_461 = arith.constant 4096 : i32
      %parallel_loop3A_462 = arith.addi %parallel_loop3A_461, %parallel_loop3A_460 : i32
      %parallel_loop3A_463 = arith.index_cast %parallel_loop3A_462 : i32 to index
      %parallel_loop3A_464 = tpu.vector_load %arg6[%parallel_loop3A_463] {strides = array<i32>} : memref<16384xi32, #tpu.memory_space<vmem>>, vector<16xi32>,
      %parallel_loop3A_465 = tpu.vector_load_idx %arg7[%parallel_loop3A_464] : memref<100000xf32, #tpu.memory_space<vmem>>[vector<16xi32>], vector<16xf32>,
      %parallel_loop3A_466 = arith.constant 6 : i32
      %parallel_loop3A_467 = arith.addi %parallel_loop3A_332, %parallel_loop3A_466 : i32
      %parallel_loop3A_468 = arith.constant 16 : i32
      %parallel_loop3A_469 = arith.muli %parallel_loop3A_467, %parallel_loop3A_468 : i32
      %parallel_loop3A_470 = arith.constant 8192 : i32
      %parallel_loop3A_471 = arith.addi %parallel_loop3A_470, %parallel_loop3A_469 : i32
      %parallel_loop3A_472 = arith.index_cast %parallel_loop3A_471 : i32 to index
      %parallel_loop3A_473 = tpu.vector_load %arg8[%parallel_loop3A_472] {strides = array<i32>} : memref<12288xf32, #tpu.memory_space<vmem>>, vector<16xf32>,
      %parallel_loop3A_474 = arith.subf %parallel_loop3A_473, %parallel_loop3A_465 : vector<16xf32>
      %parallel_loop3A_475 = arith.mulf %parallel_loop3A_474, %parallel_loop3A_474 : vector<16xf32>
      %parallel_loop3A_476 = arith.addf %parallel_loop3A_396, %parallel_loop3A_475 : vector<16xf32>
      %parallel_loop3A_477 = arith.constant 7 : i32
      %parallel_loop3A_478 = arith.addi %parallel_loop3A_332, %parallel_loop3A_477 : i32
      %parallel_loop3A_479 = arith.constant 16 : i32
      %parallel_loop3A_480 = arith.muli %parallel_loop3A_478, %parallel_loop3A_479 : i32
      %parallel_loop3A_481 = arith.constant 4096 : i32
      %parallel_loop3A_482 = arith.addi %parallel_loop3A_481, %parallel_loop3A_480 : i32
      %parallel_loop3A_483 = arith.index_cast %parallel_loop3A_482 : i32 to index
      %parallel_loop3A_484 = tpu.vector_load %arg6[%parallel_loop3A_483] {strides = array<i32>} : memref<16384xi32, #tpu.memory_space<vmem>>, vector<16xi32>,
      %parallel_loop3A_485 = tpu.vector_load_idx %arg7[%parallel_loop3A_484] : memref<100000xf32, #tpu.memory_space<vmem>>[vector<16xi32>], vector<16xf32>,
      %parallel_loop3A_486 = arith.constant 7 : i32
      %parallel_loop3A_487 = arith.addi %parallel_loop3A_332, %parallel_loop3A_486 : i32
      %parallel_loop3A_488 = arith.constant 16 : i32
      %parallel_loop3A_489 = arith.muli %parallel_loop3A_487, %parallel_loop3A_488 : i32
      %parallel_loop3A_490 = arith.constant 8192 : i32
      %parallel_loop3A_491 = arith.addi %parallel_loop3A_490, %parallel_loop3A_489 : i32
      %parallel_loop3A_492 = arith.index_cast %parallel_loop3A_491 : i32 to index
      %parallel_loop3A_493 = tpu.vector_load %arg8[%parallel_loop3A_492] {strides = array<i32>} : memref<12288xf32, #tpu.memory_space<vmem>>, vector<16xf32>,
      %parallel_loop3A_494 = arith.subf %parallel_loop3A_493, %parallel_loop3A_485 : vector<16xf32>
      %parallel_loop3A_495 = arith.mulf %parallel_loop3A_494, %parallel_loop3A_494 : vector<16xf32>
      %parallel_loop3A_496 = arith.addf %parallel_loop3A_416, %parallel_loop3A_495 : vector<16xf32>
      scf.yield %parallel_loop3A_436, %parallel_loop3A_456, %parallel_loop3A_476, %parallel_loop3A_496 : vector<16xf32>, vector<16xf32>, vector<16xf32>, vector<16xf32>
    } {sc.loop_unroll_factor = 1 : i64, sc.parallel_access}
    %add3A_278 = arith.addf %parallel_loop3A_277#0, %parallel_loop3A_277#1 : vector<16xf32>
    %add3A_279 = arith.addf %add3A_278, %parallel_loop3A_277#2 : vector<16xf32>
    %add3A_280 = arith.addf %add3A_279, %parallel_loop3A_277#3 : vector<16xf32>
    %dma_wait3A_281 = arith.constant 0 : i32
    %dma_wait3A_282 = tpu.memref_slice %arg8[%dma_wait3A_281] : memref<12288xf32, #tpu.memory_space<vmem>> -> memref<4096xf32, #tpu.memory_space<vmem>>
    %dma_wait3A_283 = arith.constant 8192 : i32
    %dma_wait3A_284 = tpu.memref_slice %arg2[%add3A_179, %dma_wait3A_283] : memref<64x16384xf32, #tpu.memory_space<hbm>> -> memref<1x4096xf32, #tpu.memory_space<hbm>>
    %dma_wait3A_285 = tpu.memref_squeeze %dma_wait3A_284 : memref<1x4096xf32, #tpu.memory_space<hbm>> -> memref<4096xf32, #tpu.memory_space<hbm>>
    %dma_wait3A_286 = arith.constant 0 : i32
    %dma_wait3A_287 = tpu.memref_slice %arg8[%dma_wait3A_286] : memref<12288xf32, #tpu.memory_space<vmem>> -> memref<4096xf32, #tpu.memory_space<vmem>>
    %dma_wait3A_288 = arith.constant 8192 : i32
    %dma_wait3A_289 = tpu.memref_slice %arg2[%add3A_179, %dma_wait3A_288] : memref<64x16384xf32, #tpu.memory_space<hbm>> -> memref<1x4096xf32, #tpu.memory_space<hbm>>
    %dma_wait3A_290 = tpu.memref_squeeze %dma_wait3A_289 : memref<1x4096xf32, #tpu.memory_space<hbm>> -> memref<4096xf32, #tpu.memory_space<hbm>>
    tpu.wait_dma2 semaphore(%arg13 : memref<!tpu.dma_semaphore, #tpu.memory_space<semaphore_mem>>) src(%dma_wait3A_290 : memref<4096xf32, #tpu.memory_space<hbm>>) dst(%dma_wait3A_287 : memref<4096xf32, #tpu.memory_space<vmem>>)
    %broadcast_in_dim3A_291 = arith.constant 0.000000e+00 : f32
    %broadcast_in_dim3A_292 = vector.broadcast %broadcast_in_dim3A_291 : f32 to vector<16xf32>
    %broadcast_in_dim3A_293 = arith.constant 0.000000e+00 : f32
    %broadcast_in_dim3A_294 = vector.broadcast %broadcast_in_dim3A_293 : f32 to vector<16xf32>
    %broadcast_in_dim3A_295 = arith.constant 0.000000e+00 : f32
    %broadcast_in_dim3A_296 = vector.broadcast %broadcast_in_dim3A_295 : f32 to vector<16xf32>
    %parallel_loop3A_297 = arith.constant 0 : i32
    %parallel_loop3A_298 = arith.constant 256 : i32
    %parallel_loop3A_299 = arith.constant 8 : i32
    %parallel_loop3A_300:4 = scf.for %parallel_loop3A_332 = %parallel_loop3A_297 to %parallel_loop3A_298 step %parallel_loop3A_299 iter_args(%parallel_loop3A_333 = %add3A_280, %parallel_loop3A_334 = %broadcast_in_dim3A_292, %parallel_loop3A_335 = %broadcast_in_dim3A_294, %parallel_loop3A_336 = %broadcast_in_dim3A_296) -> (vector<16xf32>, vector<16xf32>, vector<16xf32>, vector<16xf32>)  : i32 {
      %parallel_loop3A_337 = arith.constant 0 : i32
      %parallel_loop3A_338 = arith.addi %parallel_loop3A_332, %parallel_loop3A_337 : i32
      %parallel_loop3A_339 = arith.constant 16 : i32
      %parallel_loop3A_340 = arith.muli %parallel_loop3A_338, %parallel_loop3A_339 : i32
      %parallel_loop3A_341 = arith.constant 8192 : i32
      %parallel_loop3A_342 = arith.addi %parallel_loop3A_341, %parallel_loop3A_340 : i32
      %parallel_loop3A_343 = arith.index_cast %parallel_loop3A_342 : i32 to index
      %parallel_loop3A_344 = tpu.vector_load %arg6[%parallel_loop3A_343] {strides = array<i32>} : memref<16384xi32, #tpu.memory_space<vmem>>, vector<16xi32>,
      %parallel_loop3A_345 = tpu.vector_load_idx %arg7[%parallel_loop3A_344] : memref<100000xf32, #tpu.memory_space<vmem>>[vector<16xi32>], vector<16xf32>,
      %parallel_loop3A_346 = arith.constant 0 : i32
      %parallel_loop3A_347 = arith.addi %parallel_loop3A_332, %parallel_loop3A_346 : i32
      %parallel_loop3A_348 = arith.constant 16 : i32
      %parallel_loop3A_349 = arith.muli %parallel_loop3A_347, %parallel_loop3A_348 : i32
      %parallel_loop3A_350 = arith.constant 0 : i32
      %parallel_loop3A_351 = arith.addi %parallel_loop3A_350, %parallel_loop3A_349 : i32
      %parallel_loop3A_352 = arith.index_cast %parallel_loop3A_351 : i32 to index
      %parallel_loop3A_353 = tpu.vector_load %arg8[%parallel_loop3A_352] {strides = array<i32>} : memref<12288xf32, #tpu.memory_space<vmem>>, vector<16xf32>,
      %parallel_loop3A_354 = arith.subf %parallel_loop3A_353, %parallel_loop3A_345 : vector<16xf32>
      %parallel_loop3A_355 = arith.mulf %parallel_loop3A_354, %parallel_loop3A_354 : vector<16xf32>
      %parallel_loop3A_356 = arith.addf %parallel_loop3A_333, %parallel_loop3A_355 : vector<16xf32>
      %parallel_loop3A_357 = arith.constant 1 : i32
      %parallel_loop3A_358 = arith.addi %parallel_loop3A_332, %parallel_loop3A_357 : i32
      %parallel_loop3A_359 = arith.constant 16 : i32
      %parallel_loop3A_360 = arith.muli %parallel_loop3A_358, %parallel_loop3A_359 : i32
      %parallel_loop3A_361 = arith.constant 8192 : i32
      %parallel_loop3A_362 = arith.addi %parallel_loop3A_361, %parallel_loop3A_360 : i32
      %parallel_loop3A_363 = arith.index_cast %parallel_loop3A_362 : i32 to index
      %parallel_loop3A_364 = tpu.vector_load %arg6[%parallel_loop3A_363] {strides = array<i32>} : memref<16384xi32, #tpu.memory_space<vmem>>, vector<16xi32>,
      %parallel_loop3A_365 = tpu.vector_load_idx %arg7[%parallel_loop3A_364] : memref<100000xf32, #tpu.memory_space<vmem>>[vector<16xi32>], vector<16xf32>,
      %parallel_loop3A_366 = arith.constant 1 : i32
      %parallel_loop3A_367 = arith.addi %parallel_loop3A_332, %parallel_loop3A_366 : i32
      %parallel_loop3A_368 = arith.constant 16 : i32
      %parallel_loop3A_369 = arith.muli %parallel_loop3A_367, %parallel_loop3A_368 : i32
      %parallel_loop3A_370 = arith.constant 0 : i32
      %parallel_loop3A_371 = arith.addi %parallel_loop3A_370, %parallel_loop3A_369 : i32
      %parallel_loop3A_372 = arith.index_cast %parallel_loop3A_371 : i32 to index
      %parallel_loop3A_373 = tpu.vector_load %arg8[%parallel_loop3A_372] {strides = array<i32>} : memref<12288xf32, #tpu.memory_space<vmem>>, vector<16xf32>,
      %parallel_loop3A_374 = arith.subf %parallel_loop3A_373, %parallel_loop3A_365 : vector<16xf32>
      %parallel_loop3A_375 = arith.mulf %parallel_loop3A_374, %parallel_loop3A_374 : vector<16xf32>
      %parallel_loop3A_376 = arith.addf %parallel_loop3A_334, %parallel_loop3A_375 : vector<16xf32>
      %parallel_loop3A_377 = arith.constant 2 : i32
      %parallel_loop3A_378 = arith.addi %parallel_loop3A_332, %parallel_loop3A_377 : i32
      %parallel_loop3A_379 = arith.constant 16 : i32
      %parallel_loop3A_380 = arith.muli %parallel_loop3A_378, %parallel_loop3A_379 : i32
      %parallel_loop3A_381 = arith.constant 8192 : i32
      %parallel_loop3A_382 = arith.addi %parallel_loop3A_381, %parallel_loop3A_380 : i32
      %parallel_loop3A_383 = arith.index_cast %parallel_loop3A_382 : i32 to index
      %parallel_loop3A_384 = tpu.vector_load %arg6[%parallel_loop3A_383] {strides = array<i32>} : memref<16384xi32, #tpu.memory_space<vmem>>, vector<16xi32>,
      %parallel_loop3A_385 = tpu.vector_load_idx %arg7[%parallel_loop3A_384] : memref<100000xf32, #tpu.memory_space<vmem>>[vector<16xi32>], vector<16xf32>,
      %parallel_loop3A_386 = arith.constant 2 : i32
      %parallel_loop3A_387 = arith.addi %parallel_loop3A_332, %parallel_loop3A_386 : i32
      %parallel_loop3A_388 = arith.constant 16 : i32
      %parallel_loop3A_389 = arith.muli %parallel_loop3A_387, %parallel_loop3A_388 : i32
      %parallel_loop3A_390 = arith.constant 0 : i32
      %parallel_loop3A_391 = arith.addi %parallel_loop3A_390, %parallel_loop3A_389 : i32
      %parallel_loop3A_392 = arith.index_cast %parallel_loop3A_391 : i32 to index
      %parallel_loop3A_393 = tpu.vector_load %arg8[%parallel_loop3A_392] {strides = array<i32>} : memref<12288xf32, #tpu.memory_space<vmem>>, vector<16xf32>,
      %parallel_loop3A_394 = arith.subf %parallel_loop3A_393, %parallel_loop3A_385 : vector<16xf32>
      %parallel_loop3A_395 = arith.mulf %parallel_loop3A_394, %parallel_loop3A_394 : vector<16xf32>
      %parallel_loop3A_396 = arith.addf %parallel_loop3A_335, %parallel_loop3A_395 : vector<16xf32>
      %parallel_loop3A_397 = arith.constant 3 : i32
      %parallel_loop3A_398 = arith.addi %parallel_loop3A_332, %parallel_loop3A_397 : i32
      %parallel_loop3A_399 = arith.constant 16 : i32
      %parallel_loop3A_400 = arith.muli %parallel_loop3A_398, %parallel_loop3A_399 : i32
      %parallel_loop3A_401 = arith.constant 8192 : i32
      %parallel_loop3A_402 = arith.addi %parallel_loop3A_401, %parallel_loop3A_400 : i32
      %parallel_loop3A_403 = arith.index_cast %parallel_loop3A_402 : i32 to index
      %parallel_loop3A_404 = tpu.vector_load %arg6[%parallel_loop3A_403] {strides = array<i32>} : memref<16384xi32, #tpu.memory_space<vmem>>, vector<16xi32>,
      %parallel_loop3A_405 = tpu.vector_load_idx %arg7[%parallel_loop3A_404] : memref<100000xf32, #tpu.memory_space<vmem>>[vector<16xi32>], vector<16xf32>,
      %parallel_loop3A_406 = arith.constant 3 : i32
      %parallel_loop3A_407 = arith.addi %parallel_loop3A_332, %parallel_loop3A_406 : i32
      %parallel_loop3A_408 = arith.constant 16 : i32
      %parallel_loop3A_409 = arith.muli %parallel_loop3A_407, %parallel_loop3A_408 : i32
      %parallel_loop3A_410 = arith.constant 0 : i32
      %parallel_loop3A_411 = arith.addi %parallel_loop3A_410, %parallel_loop3A_409 : i32
      %parallel_loop3A_412 = arith.index_cast %parallel_loop3A_411 : i32 to index
      %parallel_loop3A_413 = tpu.vector_load %arg8[%parallel_loop3A_412] {strides = array<i32>} : memref<12288xf32, #tpu.memory_space<vmem>>, vector<16xf32>,
      %parallel_loop3A_414 = arith.subf %parallel_loop3A_413, %parallel_loop3A_405 : vector<16xf32>
      %parallel_loop3A_415 = arith.mulf %parallel_loop3A_414, %parallel_loop3A_414 : vector<16xf32>
      %parallel_loop3A_416 = arith.addf %parallel_loop3A_336, %parallel_loop3A_415 : vector<16xf32>
      %parallel_loop3A_417 = arith.constant 4 : i32
      %parallel_loop3A_418 = arith.addi %parallel_loop3A_332, %parallel_loop3A_417 : i32
      %parallel_loop3A_419 = arith.constant 16 : i32
      %parallel_loop3A_420 = arith.muli %parallel_loop3A_418, %parallel_loop3A_419 : i32
      %parallel_loop3A_421 = arith.constant 8192 : i32
      %parallel_loop3A_422 = arith.addi %parallel_loop3A_421, %parallel_loop3A_420 : i32
      %parallel_loop3A_423 = arith.index_cast %parallel_loop3A_422 : i32 to index
      %parallel_loop3A_424 = tpu.vector_load %arg6[%parallel_loop3A_423] {strides = array<i32>} : memref<16384xi32, #tpu.memory_space<vmem>>, vector<16xi32>,
      %parallel_loop3A_425 = tpu.vector_load_idx %arg7[%parallel_loop3A_424] : memref<100000xf32, #tpu.memory_space<vmem>>[vector<16xi32>], vector<16xf32>,
      %parallel_loop3A_426 = arith.constant 4 : i32
      %parallel_loop3A_427 = arith.addi %parallel_loop3A_332, %parallel_loop3A_426 : i32
      %parallel_loop3A_428 = arith.constant 16 : i32
      %parallel_loop3A_429 = arith.muli %parallel_loop3A_427, %parallel_loop3A_428 : i32
      %parallel_loop3A_430 = arith.constant 0 : i32
      %parallel_loop3A_431 = arith.addi %parallel_loop3A_430, %parallel_loop3A_429 : i32
      %parallel_loop3A_432 = arith.index_cast %parallel_loop3A_431 : i32 to index
      %parallel_loop3A_433 = tpu.vector_load %arg8[%parallel_loop3A_432] {strides = array<i32>} : memref<12288xf32, #tpu.memory_space<vmem>>, vector<16xf32>,
      %parallel_loop3A_434 = arith.subf %parallel_loop3A_433, %parallel_loop3A_425 : vector<16xf32>
      %parallel_loop3A_435 = arith.mulf %parallel_loop3A_434, %parallel_loop3A_434 : vector<16xf32>
      %parallel_loop3A_436 = arith.addf %parallel_loop3A_356, %parallel_loop3A_435 : vector<16xf32>
      %parallel_loop3A_437 = arith.constant 5 : i32
      %parallel_loop3A_438 = arith.addi %parallel_loop3A_332, %parallel_loop3A_437 : i32
      %parallel_loop3A_439 = arith.constant 16 : i32
      %parallel_loop3A_440 = arith.muli %parallel_loop3A_438, %parallel_loop3A_439 : i32
      %parallel_loop3A_441 = arith.constant 8192 : i32
      %parallel_loop3A_442 = arith.addi %parallel_loop3A_441, %parallel_loop3A_440 : i32
      %parallel_loop3A_443 = arith.index_cast %parallel_loop3A_442 : i32 to index
      %parallel_loop3A_444 = tpu.vector_load %arg6[%parallel_loop3A_443] {strides = array<i32>} : memref<16384xi32, #tpu.memory_space<vmem>>, vector<16xi32>,
      %parallel_loop3A_445 = tpu.vector_load_idx %arg7[%parallel_loop3A_444] : memref<100000xf32, #tpu.memory_space<vmem>>[vector<16xi32>], vector<16xf32>,
      %parallel_loop3A_446 = arith.constant 5 : i32
      %parallel_loop3A_447 = arith.addi %parallel_loop3A_332, %parallel_loop3A_446 : i32
      %parallel_loop3A_448 = arith.constant 16 : i32
      %parallel_loop3A_449 = arith.muli %parallel_loop3A_447, %parallel_loop3A_448 : i32
      %parallel_loop3A_450 = arith.constant 0 : i32
      %parallel_loop3A_451 = arith.addi %parallel_loop3A_450, %parallel_loop3A_449 : i32
      %parallel_loop3A_452 = arith.index_cast %parallel_loop3A_451 : i32 to index
      %parallel_loop3A_453 = tpu.vector_load %arg8[%parallel_loop3A_452] {strides = array<i32>} : memref<12288xf32, #tpu.memory_space<vmem>>, vector<16xf32>,
      %parallel_loop3A_454 = arith.subf %parallel_loop3A_453, %parallel_loop3A_445 : vector<16xf32>
      %parallel_loop3A_455 = arith.mulf %parallel_loop3A_454, %parallel_loop3A_454 : vector<16xf32>
      %parallel_loop3A_456 = arith.addf %parallel_loop3A_376, %parallel_loop3A_455 : vector<16xf32>
      %parallel_loop3A_457 = arith.constant 6 : i32
      %parallel_loop3A_458 = arith.addi %parallel_loop3A_332, %parallel_loop3A_457 : i32
      %parallel_loop3A_459 = arith.constant 16 : i32
      %parallel_loop3A_460 = arith.muli %parallel_loop3A_458, %parallel_loop3A_459 : i32
      %parallel_loop3A_461 = arith.constant 8192 : i32
      %parallel_loop3A_462 = arith.addi %parallel_loop3A_461, %parallel_loop3A_460 : i32
      %parallel_loop3A_463 = arith.index_cast %parallel_loop3A_462 : i32 to index
      %parallel_loop3A_464 = tpu.vector_load %arg6[%parallel_loop3A_463] {strides = array<i32>} : memref<16384xi32, #tpu.memory_space<vmem>>, vector<16xi32>,
      %parallel_loop3A_465 = tpu.vector_load_idx %arg7[%parallel_loop3A_464] : memref<100000xf32, #tpu.memory_space<vmem>>[vector<16xi32>], vector<16xf32>,
      %parallel_loop3A_466 = arith.constant 6 : i32
      %parallel_loop3A_467 = arith.addi %parallel_loop3A_332, %parallel_loop3A_466 : i32
      %parallel_loop3A_468 = arith.constant 16 : i32
      %parallel_loop3A_469 = arith.muli %parallel_loop3A_467, %parallel_loop3A_468 : i32
      %parallel_loop3A_470 = arith.constant 0 : i32
      %parallel_loop3A_471 = arith.addi %parallel_loop3A_470, %parallel_loop3A_469 : i32
      %parallel_loop3A_472 = arith.index_cast %parallel_loop3A_471 : i32 to index
      %parallel_loop3A_473 = tpu.vector_load %arg8[%parallel_loop3A_472] {strides = array<i32>} : memref<12288xf32, #tpu.memory_space<vmem>>, vector<16xf32>,
      %parallel_loop3A_474 = arith.subf %parallel_loop3A_473, %parallel_loop3A_465 : vector<16xf32>
      %parallel_loop3A_475 = arith.mulf %parallel_loop3A_474, %parallel_loop3A_474 : vector<16xf32>
      %parallel_loop3A_476 = arith.addf %parallel_loop3A_396, %parallel_loop3A_475 : vector<16xf32>
      %parallel_loop3A_477 = arith.constant 7 : i32
      %parallel_loop3A_478 = arith.addi %parallel_loop3A_332, %parallel_loop3A_477 : i32
      %parallel_loop3A_479 = arith.constant 16 : i32
      %parallel_loop3A_480 = arith.muli %parallel_loop3A_478, %parallel_loop3A_479 : i32
      %parallel_loop3A_481 = arith.constant 8192 : i32
      %parallel_loop3A_482 = arith.addi %parallel_loop3A_481, %parallel_loop3A_480 : i32
      %parallel_loop3A_483 = arith.index_cast %parallel_loop3A_482 : i32 to index
      %parallel_loop3A_484 = tpu.vector_load %arg6[%parallel_loop3A_483] {strides = array<i32>} : memref<16384xi32, #tpu.memory_space<vmem>>, vector<16xi32>,
      %parallel_loop3A_485 = tpu.vector_load_idx %arg7[%parallel_loop3A_484] : memref<100000xf32, #tpu.memory_space<vmem>>[vector<16xi32>], vector<16xf32>,
      %parallel_loop3A_486 = arith.constant 7 : i32
      %parallel_loop3A_487 = arith.addi %parallel_loop3A_332, %parallel_loop3A_486 : i32
      %parallel_loop3A_488 = arith.constant 16 : i32
      %parallel_loop3A_489 = arith.muli %parallel_loop3A_487, %parallel_loop3A_488 : i32
      %parallel_loop3A_490 = arith.constant 0 : i32
      %parallel_loop3A_491 = arith.addi %parallel_loop3A_490, %parallel_loop3A_489 : i32
      %parallel_loop3A_492 = arith.index_cast %parallel_loop3A_491 : i32 to index
      %parallel_loop3A_493 = tpu.vector_load %arg8[%parallel_loop3A_492] {strides = array<i32>} : memref<12288xf32, #tpu.memory_space<vmem>>, vector<16xf32>,
      %parallel_loop3A_494 = arith.subf %parallel_loop3A_493, %parallel_loop3A_485 : vector<16xf32>
      %parallel_loop3A_495 = arith.mulf %parallel_loop3A_494, %parallel_loop3A_494 : vector<16xf32>
      %parallel_loop3A_496 = arith.addf %parallel_loop3A_416, %parallel_loop3A_495 : vector<16xf32>
      scf.yield %parallel_loop3A_436, %parallel_loop3A_456, %parallel_loop3A_476, %parallel_loop3A_496 : vector<16xf32>, vector<16xf32>, vector<16xf32>, vector<16xf32>
    } {sc.loop_unroll_factor = 1 : i64, sc.parallel_access}
    %add3A_301 = arith.addf %parallel_loop3A_300#0, %parallel_loop3A_300#1 : vector<16xf32>
    %add3A_302 = arith.addf %add3A_301, %parallel_loop3A_300#2 : vector<16xf32>
    %add3A_303 = arith.addf %add3A_302, %parallel_loop3A_300#3 : vector<16xf32>
    %dma_wait3A_304 = arith.constant 4096 : i32
    %dma_wait3A_305 = tpu.memref_slice %arg8[%dma_wait3A_304] : memref<12288xf32, #tpu.memory_space<vmem>> -> memref<4096xf32, #tpu.memory_space<vmem>>
    %dma_wait3A_306 = arith.constant 12288 : i32
    %dma_wait3A_307 = tpu.memref_slice %arg2[%add3A_234, %dma_wait3A_306] : memref<64x16384xf32, #tpu.memory_space<hbm>> -> memref<1x4096xf32, #tpu.memory_space<hbm>>
    %dma_wait3A_308 = tpu.memref_squeeze %dma_wait3A_307 : memref<1x4096xf32, #tpu.memory_space<hbm>> -> memref<4096xf32, #tpu.memory_space<hbm>>
    %dma_wait3A_309 = arith.constant 4096 : i32
    %dma_wait3A_310 = tpu.memref_slice %arg8[%dma_wait3A_309] : memref<12288xf32, #tpu.memory_space<vmem>> -> memref<4096xf32, #tpu.memory_space<vmem>>
    %dma_wait3A_311 = arith.constant 12288 : i32
    %dma_wait3A_312 = tpu.memref_slice %arg2[%add3A_234, %dma_wait3A_311] : memref<64x16384xf32, #tpu.memory_space<hbm>> -> memref<1x4096xf32, #tpu.memory_space<hbm>>
    %dma_wait3A_313 = tpu.memref_squeeze %dma_wait3A_312 : memref<1x4096xf32, #tpu.memory_space<hbm>> -> memref<4096xf32, #tpu.memory_space<hbm>>
    tpu.wait_dma2 semaphore(%arg14 : memref<!tpu.dma_semaphore, #tpu.memory_space<semaphore_mem>>) src(%dma_wait3A_313 : memref<4096xf32, #tpu.memory_space<hbm>>) dst(%dma_wait3A_310 : memref<4096xf32, #tpu.memory_space<vmem>>)
    %broadcast_in_dim3A_314 = arith.constant 0.000000e+00 : f32
    %broadcast_in_dim3A_315 = vector.broadcast %broadcast_in_dim3A_314 : f32 to vector<16xf32>
    %broadcast_in_dim3A_316 = arith.constant 0.000000e+00 : f32
    %broadcast_in_dim3A_317 = vector.broadcast %broadcast_in_dim3A_316 : f32 to vector<16xf32>
    %broadcast_in_dim3A_318 = arith.constant 0.000000e+00 : f32
    %broadcast_in_dim3A_319 = vector.broadcast %broadcast_in_dim3A_318 : f32 to vector<16xf32>
    %parallel_loop3A_320 = arith.constant 0 : i32
    %parallel_loop3A_321 = arith.constant 256 : i32
    %parallel_loop3A_322 = arith.constant 8 : i32
    %parallel_loop3A_323:4 = scf.for %parallel_loop3A_332 = %parallel_loop3A_320 to %parallel_loop3A_321 step %parallel_loop3A_322 iter_args(%parallel_loop3A_333 = %add3A_303, %parallel_loop3A_334 = %broadcast_in_dim3A_315, %parallel_loop3A_335 = %broadcast_in_dim3A_317, %parallel_loop3A_336 = %broadcast_in_dim3A_319) -> (vector<16xf32>, vector<16xf32>, vector<16xf32>, vector<16xf32>)  : i32 {
      %parallel_loop3A_337 = arith.constant 0 : i32
      %parallel_loop3A_338 = arith.addi %parallel_loop3A_332, %parallel_loop3A_337 : i32
      %parallel_loop3A_339 = arith.constant 16 : i32
      %parallel_loop3A_340 = arith.muli %parallel_loop3A_338, %parallel_loop3A_339 : i32
      %parallel_loop3A_341 = arith.constant 12288 : i32
      %parallel_loop3A_342 = arith.addi %parallel_loop3A_341, %parallel_loop3A_340 : i32
      %parallel_loop3A_343 = arith.index_cast %parallel_loop3A_342 : i32 to index
      %parallel_loop3A_344 = tpu.vector_load %arg6[%parallel_loop3A_343] {strides = array<i32>} : memref<16384xi32, #tpu.memory_space<vmem>>, vector<16xi32>,
      %parallel_loop3A_345 = tpu.vector_load_idx %arg7[%parallel_loop3A_344] : memref<100000xf32, #tpu.memory_space<vmem>>[vector<16xi32>], vector<16xf32>,
      %parallel_loop3A_346 = arith.constant 0 : i32
      %parallel_loop3A_347 = arith.addi %parallel_loop3A_332, %parallel_loop3A_346 : i32
      %parallel_loop3A_348 = arith.constant 16 : i32
      %parallel_loop3A_349 = arith.muli %parallel_loop3A_347, %parallel_loop3A_348 : i32
      %parallel_loop3A_350 = arith.constant 4096 : i32
      %parallel_loop3A_351 = arith.addi %parallel_loop3A_350, %parallel_loop3A_349 : i32
      %parallel_loop3A_352 = arith.index_cast %parallel_loop3A_351 : i32 to index
      %parallel_loop3A_353 = tpu.vector_load %arg8[%parallel_loop3A_352] {strides = array<i32>} : memref<12288xf32, #tpu.memory_space<vmem>>, vector<16xf32>,
      %parallel_loop3A_354 = arith.subf %parallel_loop3A_353, %parallel_loop3A_345 : vector<16xf32>
      %parallel_loop3A_355 = arith.mulf %parallel_loop3A_354, %parallel_loop3A_354 : vector<16xf32>
      %parallel_loop3A_356 = arith.addf %parallel_loop3A_333, %parallel_loop3A_355 : vector<16xf32>
      %parallel_loop3A_357 = arith.constant 1 : i32
      %parallel_loop3A_358 = arith.addi %parallel_loop3A_332, %parallel_loop3A_357 : i32
      %parallel_loop3A_359 = arith.constant 16 : i32
      %parallel_loop3A_360 = arith.muli %parallel_loop3A_358, %parallel_loop3A_359 : i32
      %parallel_loop3A_361 = arith.constant 12288 : i32
      %parallel_loop3A_362 = arith.addi %parallel_loop3A_361, %parallel_loop3A_360 : i32
      %parallel_loop3A_363 = arith.index_cast %parallel_loop3A_362 : i32 to index
      %parallel_loop3A_364 = tpu.vector_load %arg6[%parallel_loop3A_363] {strides = array<i32>} : memref<16384xi32, #tpu.memory_space<vmem>>, vector<16xi32>,
      %parallel_loop3A_365 = tpu.vector_load_idx %arg7[%parallel_loop3A_364] : memref<100000xf32, #tpu.memory_space<vmem>>[vector<16xi32>], vector<16xf32>,
      %parallel_loop3A_366 = arith.constant 1 : i32
      %parallel_loop3A_367 = arith.addi %parallel_loop3A_332, %parallel_loop3A_366 : i32
      %parallel_loop3A_368 = arith.constant 16 : i32
      %parallel_loop3A_369 = arith.muli %parallel_loop3A_367, %parallel_loop3A_368 : i32
      %parallel_loop3A_370 = arith.constant 4096 : i32
      %parallel_loop3A_371 = arith.addi %parallel_loop3A_370, %parallel_loop3A_369 : i32
      %parallel_loop3A_372 = arith.index_cast %parallel_loop3A_371 : i32 to index
      %parallel_loop3A_373 = tpu.vector_load %arg8[%parallel_loop3A_372] {strides = array<i32>} : memref<12288xf32, #tpu.memory_space<vmem>>, vector<16xf32>,
      %parallel_loop3A_374 = arith.subf %parallel_loop3A_373, %parallel_loop3A_365 : vector<16xf32>
      %parallel_loop3A_375 = arith.mulf %parallel_loop3A_374, %parallel_loop3A_374 : vector<16xf32>
      %parallel_loop3A_376 = arith.addf %parallel_loop3A_334, %parallel_loop3A_375 : vector<16xf32>
      %parallel_loop3A_377 = arith.constant 2 : i32
      %parallel_loop3A_378 = arith.addi %parallel_loop3A_332, %parallel_loop3A_377 : i32
      %parallel_loop3A_379 = arith.constant 16 : i32
      %parallel_loop3A_380 = arith.muli %parallel_loop3A_378, %parallel_loop3A_379 : i32
      %parallel_loop3A_381 = arith.constant 12288 : i32
      %parallel_loop3A_382 = arith.addi %parallel_loop3A_381, %parallel_loop3A_380 : i32
      %parallel_loop3A_383 = arith.index_cast %parallel_loop3A_382 : i32 to index
      %parallel_loop3A_384 = tpu.vector_load %arg6[%parallel_loop3A_383] {strides = array<i32>} : memref<16384xi32, #tpu.memory_space<vmem>>, vector<16xi32>,
      %parallel_loop3A_385 = tpu.vector_load_idx %arg7[%parallel_loop3A_384] : memref<100000xf32, #tpu.memory_space<vmem>>[vector<16xi32>], vector<16xf32>,
      %parallel_loop3A_386 = arith.constant 2 : i32
      %parallel_loop3A_387 = arith.addi %parallel_loop3A_332, %parallel_loop3A_386 : i32
      %parallel_loop3A_388 = arith.constant 16 : i32
      %parallel_loop3A_389 = arith.muli %parallel_loop3A_387, %parallel_loop3A_388 : i32
      %parallel_loop3A_390 = arith.constant 4096 : i32
      %parallel_loop3A_391 = arith.addi %parallel_loop3A_390, %parallel_loop3A_389 : i32
      %parallel_loop3A_392 = arith.index_cast %parallel_loop3A_391 : i32 to index
      %parallel_loop3A_393 = tpu.vector_load %arg8[%parallel_loop3A_392] {strides = array<i32>} : memref<12288xf32, #tpu.memory_space<vmem>>, vector<16xf32>,
      %parallel_loop3A_394 = arith.subf %parallel_loop3A_393, %parallel_loop3A_385 : vector<16xf32>
      %parallel_loop3A_395 = arith.mulf %parallel_loop3A_394, %parallel_loop3A_394 : vector<16xf32>
      %parallel_loop3A_396 = arith.addf %parallel_loop3A_335, %parallel_loop3A_395 : vector<16xf32>
      %parallel_loop3A_397 = arith.constant 3 : i32
      %parallel_loop3A_398 = arith.addi %parallel_loop3A_332, %parallel_loop3A_397 : i32
      %parallel_loop3A_399 = arith.constant 16 : i32
      %parallel_loop3A_400 = arith.muli %parallel_loop3A_398, %parallel_loop3A_399 : i32
      %parallel_loop3A_401 = arith.constant 12288 : i32
      %parallel_loop3A_402 = arith.addi %parallel_loop3A_401, %parallel_loop3A_400 : i32
      %parallel_loop3A_403 = arith.index_cast %parallel_loop3A_402 : i32 to index
      %parallel_loop3A_404 = tpu.vector_load %arg6[%parallel_loop3A_403] {strides = array<i32>} : memref<16384xi32, #tpu.memory_space<vmem>>, vector<16xi32>,
      %parallel_loop3A_405 = tpu.vector_load_idx %arg7[%parallel_loop3A_404] : memref<100000xf32, #tpu.memory_space<vmem>>[vector<16xi32>], vector<16xf32>,
      %parallel_loop3A_406 = arith.constant 3 : i32
      %parallel_loop3A_407 = arith.addi %parallel_loop3A_332, %parallel_loop3A_406 : i32
      %parallel_loop3A_408 = arith.constant 16 : i32
      %parallel_loop3A_409 = arith.muli %parallel_loop3A_407, %parallel_loop3A_408 : i32
      %parallel_loop3A_410 = arith.constant 4096 : i32
      %parallel_loop3A_411 = arith.addi %parallel_loop3A_410, %parallel_loop3A_409 : i32
      %parallel_loop3A_412 = arith.index_cast %parallel_loop3A_411 : i32 to index
      %parallel_loop3A_413 = tpu.vector_load %arg8[%parallel_loop3A_412] {strides = array<i32>} : memref<12288xf32, #tpu.memory_space<vmem>>, vector<16xf32>,
      %parallel_loop3A_414 = arith.subf %parallel_loop3A_413, %parallel_loop3A_405 : vector<16xf32>
      %parallel_loop3A_415 = arith.mulf %parallel_loop3A_414, %parallel_loop3A_414 : vector<16xf32>
      %parallel_loop3A_416 = arith.addf %parallel_loop3A_336, %parallel_loop3A_415 : vector<16xf32>
      %parallel_loop3A_417 = arith.constant 4 : i32
      %parallel_loop3A_418 = arith.addi %parallel_loop3A_332, %parallel_loop3A_417 : i32
      %parallel_loop3A_419 = arith.constant 16 : i32
      %parallel_loop3A_420 = arith.muli %parallel_loop3A_418, %parallel_loop3A_419 : i32
      %parallel_loop3A_421 = arith.constant 12288 : i32
      %parallel_loop3A_422 = arith.addi %parallel_loop3A_421, %parallel_loop3A_420 : i32
      %parallel_loop3A_423 = arith.index_cast %parallel_loop3A_422 : i32 to index
      %parallel_loop3A_424 = tpu.vector_load %arg6[%parallel_loop3A_423] {strides = array<i32>} : memref<16384xi32, #tpu.memory_space<vmem>>, vector<16xi32>,
      %parallel_loop3A_425 = tpu.vector_load_idx %arg7[%parallel_loop3A_424] : memref<100000xf32, #tpu.memory_space<vmem>>[vector<16xi32>], vector<16xf32>,
      %parallel_loop3A_426 = arith.constant 4 : i32
      %parallel_loop3A_427 = arith.addi %parallel_loop3A_332, %parallel_loop3A_426 : i32
      %parallel_loop3A_428 = arith.constant 16 : i32
      %parallel_loop3A_429 = arith.muli %parallel_loop3A_427, %parallel_loop3A_428 : i32
      %parallel_loop3A_430 = arith.constant 4096 : i32
      %parallel_loop3A_431 = arith.addi %parallel_loop3A_430, %parallel_loop3A_429 : i32
      %parallel_loop3A_432 = arith.index_cast %parallel_loop3A_431 : i32 to index
      %parallel_loop3A_433 = tpu.vector_load %arg8[%parallel_loop3A_432] {strides = array<i32>} : memref<12288xf32, #tpu.memory_space<vmem>>, vector<16xf32>,
      %parallel_loop3A_434 = arith.subf %parallel_loop3A_433, %parallel_loop3A_425 : vector<16xf32>
      %parallel_loop3A_435 = arith.mulf %parallel_loop3A_434, %parallel_loop3A_434 : vector<16xf32>
      %parallel_loop3A_436 = arith.addf %parallel_loop3A_356, %parallel_loop3A_435 : vector<16xf32>
      %parallel_loop3A_437 = arith.constant 5 : i32
      %parallel_loop3A_438 = arith.addi %parallel_loop3A_332, %parallel_loop3A_437 : i32
      %parallel_loop3A_439 = arith.constant 16 : i32
      %parallel_loop3A_440 = arith.muli %parallel_loop3A_438, %parallel_loop3A_439 : i32
      %parallel_loop3A_441 = arith.constant 12288 : i32
      %parallel_loop3A_442 = arith.addi %parallel_loop3A_441, %parallel_loop3A_440 : i32
      %parallel_loop3A_443 = arith.index_cast %parallel_loop3A_442 : i32 to index
      %parallel_loop3A_444 = tpu.vector_load %arg6[%parallel_loop3A_443] {strides = array<i32>} : memref<16384xi32, #tpu.memory_space<vmem>>, vector<16xi32>,
      %parallel_loop3A_445 = tpu.vector_load_idx %arg7[%parallel_loop3A_444] : memref<100000xf32, #tpu.memory_space<vmem>>[vector<16xi32>], vector<16xf32>,
      %parallel_loop3A_446 = arith.constant 5 : i32
      %parallel_loop3A_447 = arith.addi %parallel_loop3A_332, %parallel_loop3A_446 : i32
      %parallel_loop3A_448 = arith.constant 16 : i32
      %parallel_loop3A_449 = arith.muli %parallel_loop3A_447, %parallel_loop3A_448 : i32
      %parallel_loop3A_450 = arith.constant 4096 : i32
      %parallel_loop3A_451 = arith.addi %parallel_loop3A_450, %parallel_loop3A_449 : i32
      %parallel_loop3A_452 = arith.index_cast %parallel_loop3A_451 : i32 to index
      %parallel_loop3A_453 = tpu.vector_load %arg8[%parallel_loop3A_452] {strides = array<i32>} : memref<12288xf32, #tpu.memory_space<vmem>>, vector<16xf32>,
      %parallel_loop3A_454 = arith.subf %parallel_loop3A_453, %parallel_loop3A_445 : vector<16xf32>
      %parallel_loop3A_455 = arith.mulf %parallel_loop3A_454, %parallel_loop3A_454 : vector<16xf32>
      %parallel_loop3A_456 = arith.addf %parallel_loop3A_376, %parallel_loop3A_455 : vector<16xf32>
      %parallel_loop3A_457 = arith.constant 6 : i32
      %parallel_loop3A_458 = arith.addi %parallel_loop3A_332, %parallel_loop3A_457 : i32
      %parallel_loop3A_459 = arith.constant 16 : i32
      %parallel_loop3A_460 = arith.muli %parallel_loop3A_458, %parallel_loop3A_459 : i32
      %parallel_loop3A_461 = arith.constant 12288 : i32
      %parallel_loop3A_462 = arith.addi %parallel_loop3A_461, %parallel_loop3A_460 : i32
      %parallel_loop3A_463 = arith.index_cast %parallel_loop3A_462 : i32 to index
      %parallel_loop3A_464 = tpu.vector_load %arg6[%parallel_loop3A_463] {strides = array<i32>} : memref<16384xi32, #tpu.memory_space<vmem>>, vector<16xi32>,
      %parallel_loop3A_465 = tpu.vector_load_idx %arg7[%parallel_loop3A_464] : memref<100000xf32, #tpu.memory_space<vmem>>[vector<16xi32>], vector<16xf32>,
      %parallel_loop3A_466 = arith.constant 6 : i32
      %parallel_loop3A_467 = arith.addi %parallel_loop3A_332, %parallel_loop3A_466 : i32
      %parallel_loop3A_468 = arith.constant 16 : i32
      %parallel_loop3A_469 = arith.muli %parallel_loop3A_467, %parallel_loop3A_468 : i32
      %parallel_loop3A_470 = arith.constant 4096 : i32
      %parallel_loop3A_471 = arith.addi %parallel_loop3A_470, %parallel_loop3A_469 : i32
      %parallel_loop3A_472 = arith.index_cast %parallel_loop3A_471 : i32 to index
      %parallel_loop3A_473 = tpu.vector_load %arg8[%parallel_loop3A_472] {strides = array<i32>} : memref<12288xf32, #tpu.memory_space<vmem>>, vector<16xf32>,
      %parallel_loop3A_474 = arith.subf %parallel_loop3A_473, %parallel_loop3A_465 : vector<16xf32>
      %parallel_loop3A_475 = arith.mulf %parallel_loop3A_474, %parallel_loop3A_474 : vector<16xf32>
      %parallel_loop3A_476 = arith.addf %parallel_loop3A_396, %parallel_loop3A_475 : vector<16xf32>
      %parallel_loop3A_477 = arith.constant 7 : i32
      %parallel_loop3A_478 = arith.addi %parallel_loop3A_332, %parallel_loop3A_477 : i32
      %parallel_loop3A_479 = arith.constant 16 : i32
      %parallel_loop3A_480 = arith.muli %parallel_loop3A_478, %parallel_loop3A_479 : i32
      %parallel_loop3A_481 = arith.constant 12288 : i32
      %parallel_loop3A_482 = arith.addi %parallel_loop3A_481, %parallel_loop3A_480 : i32
      %parallel_loop3A_483 = arith.index_cast %parallel_loop3A_482 : i32 to index
      %parallel_loop3A_484 = tpu.vector_load %arg6[%parallel_loop3A_483] {strides = array<i32>} : memref<16384xi32, #tpu.memory_space<vmem>>, vector<16xi32>,
      %parallel_loop3A_485 = tpu.vector_load_idx %arg7[%parallel_loop3A_484] : memref<100000xf32, #tpu.memory_space<vmem>>[vector<16xi32>], vector<16xf32>,
      %parallel_loop3A_486 = arith.constant 7 : i32
      %parallel_loop3A_487 = arith.addi %parallel_loop3A_332, %parallel_loop3A_486 : i32
      %parallel_loop3A_488 = arith.constant 16 : i32
      %parallel_loop3A_489 = arith.muli %parallel_loop3A_487, %parallel_loop3A_488 : i32
      %parallel_loop3A_490 = arith.constant 4096 : i32
      %parallel_loop3A_491 = arith.addi %parallel_loop3A_490, %parallel_loop3A_489 : i32
      %parallel_loop3A_492 = arith.index_cast %parallel_loop3A_491 : i32 to index
      %parallel_loop3A_493 = tpu.vector_load %arg8[%parallel_loop3A_492] {strides = array<i32>} : memref<12288xf32, #tpu.memory_space<vmem>>, vector<16xf32>,
      %parallel_loop3A_494 = arith.subf %parallel_loop3A_493, %parallel_loop3A_485 : vector<16xf32>
      %parallel_loop3A_495 = arith.mulf %parallel_loop3A_494, %parallel_loop3A_494 : vector<16xf32>
      %parallel_loop3A_496 = arith.addf %parallel_loop3A_416, %parallel_loop3A_495 : vector<16xf32>
      scf.yield %parallel_loop3A_436, %parallel_loop3A_456, %parallel_loop3A_476, %parallel_loop3A_496 : vector<16xf32>, vector<16xf32>, vector<16xf32>, vector<16xf32>
    } {sc.loop_unroll_factor = 1 : i64, sc.parallel_access}
    %add3A_324 = arith.addf %parallel_loop3A_323#0, %parallel_loop3A_323#1 : vector<16xf32>
    %add3A_325 = arith.addf %add3A_324, %parallel_loop3A_323#2 : vector<16xf32>
    %add3A_326 = arith.addf %add3A_325, %parallel_loop3A_323#3 : vector<16xf32>
    %swap3A = arith.constant 0 : index
    %swap3A_327 = tpu.vector_load %arg11[%swap3A] {strides = array<i32>} : memref<16xf32, #tpu.memory_space<vmem>>, vector<16xf32>,
    tpu.vector_store %arg11[%swap3A], %add3A_326 {strides = array<i32>} : memref<16xf32, #tpu.memory_space<vmem>>, vector<16xf32>,
    %mul3A_328 = arith.constant 16 : i32
    %mul3A_329 = arith.muli %arg1, %mul3A_328 : i32
    "tpu.region"() ({
      %run_scoped3A = tpu.sem_alloc : memref<!tpu.dma_semaphore, #tpu.memory_space<semaphore_mem>>
      %dma_start3A_332 = tpu.memref_slice %arg9[%mul3A_329] : memref<256xf32, #tpu.memory_space<vmem_shared>> -> memref<16xf32, #tpu.memory_space<vmem_shared>>
      %dma_start3A_333 = tpu.memref_slice %arg9[%mul3A_329] : memref<256xf32, #tpu.memory_space<vmem_shared>> -> memref<16xf32, #tpu.memory_space<vmem_shared>>
      tpu.enqueue_dma source(%arg11 : memref<16xf32, #tpu.memory_space<vmem>>) target(%dma_start3A_333 : memref<16xf32, #tpu.memory_space<vmem_shared>>) target_semaphore(%run_scoped3A : memref<!tpu.dma_semaphore, #tpu.memory_space<semaphore_mem>>)
      %dma_wait3A_334 = tpu.memref_slice %arg9[%mul3A_329] : memref<256xf32, #tpu.memory_space<vmem_shared>> -> memref<16xf32, #tpu.memory_space<vmem_shared>>
      %dma_wait3A_335 = tpu.memref_slice %arg9[%mul3A_329] : memref<256xf32, #tpu.memory_space<vmem_shared>> -> memref<16xf32, #tpu.memory_space<vmem_shared>>
      tpu.wait_dma2 semaphore(%run_scoped3A : memref<!tpu.dma_semaphore, #tpu.memory_space<semaphore_mem>>) src(%arg11 : memref<16xf32, #tpu.memory_space<vmem>>) dst(%dma_wait3A_335 : memref<16xf32, #tpu.memory_space<vmem_shared>>)
      tpu.yield
    }) : () -> ()
    %barrier3A = arith.constant 0 : index
    tpu.barrier barrier_id(%barrier3A)
    %eq3A = arith.constant 0 : i32
    %eq3A_330 = arith.cmpi eq, %arg1, %eq3A : i32
    %convert_element_type3A = arith.extui %eq3A_330 : i1 to i32
    %cond3A = arith.constant 0 : i32
    %cond3A_331 = arith.cmpi ne, %convert_element_type3A, %cond3A : i32
    scf.if %cond3A_331 {
      "tpu.region"() ({
        %run_scoped3A = tpu.sem_alloc : memref<!tpu.dma_semaphore, #tpu.memory_space<semaphore_mem>>
        tpu.enqueue_dma source(%arg9 : memref<256xf32, #tpu.memory_space<vmem_shared>>) target(%arg10 : memref<256xf32, #tpu.memory_space<vmem>>) target_semaphore(%run_scoped3A : memref<!tpu.dma_semaphore, #tpu.memory_space<semaphore_mem>>)
        tpu.wait_dma2 semaphore(%run_scoped3A : memref<!tpu.dma_semaphore, #tpu.memory_space<semaphore_mem>>) src(%arg9 : memref<256xf32, #tpu.memory_space<vmem_shared>>) dst(%arg10 : memref<256xf32, #tpu.memory_space<vmem>>)
        tpu.yield
      }) : () -> ()
      %broadcast_in_dim3A_332 = arith.constant 0.000000e+00 : f32
      %broadcast_in_dim3A_333 = vector.broadcast %broadcast_in_dim3A_332 : f32 to vector<16xf32>
      %scan3A = arith.constant 0 : i32
      %scan3A_334 = arith.constant 16 : i32
      %scan3A_335 = arith.addi %scan3A, %scan3A_334 : i32
      %scan3A_336 = arith.constant 1 : i32
      %scan3A_337 = scf.for %scan3A_344 = %scan3A to %scan3A_335 step %scan3A_336 iter_args(%scan3A_345 = %broadcast_in_dim3A_333) -> (vector<16xf32>)  : i32 {
        %mul3A_346 = arith.constant 16 : i32
        %mul3A_347 = arith.muli %scan3A_344, %mul3A_346 : i32
        %get3A = arith.index_cast %mul3A_347 : i32 to index
        %get3A_348 = tpu.vector_load %arg10[%get3A] {strides = array<i32>} : memref<256xf32, #tpu.memory_space<vmem>>, vector<16xf32>,
        %add3A_349 = arith.addf %scan3A_345, %get3A_348 : vector<16xf32>
        scf.yield %add3A_349 : vector<16xf32>
      }
      %scan3A_338 = arith.constant 16 : i32
      %mul3A_339 = arith.constant 9.53674316E-7 : f32
      %mul3A_340 = vector.broadcast %mul3A_339 : f32 to vector<16xf32>
      %mul3A_341 = arith.mulf %scan3A_337, %mul3A_340 : vector<16xf32>
      %swap3A_342 = arith.constant 0 : index
      %swap3A_343 = tpu.vector_load %arg12[%swap3A_342] {strides = array<i32>} : memref<16xf32, #tpu.memory_space<vmem>>, vector<16xf32>,
      tpu.vector_store %arg12[%swap3A_342], %mul3A_341 {strides = array<i32>} : memref<16xf32, #tpu.memory_space<vmem>>, vector<16xf32>,
      "tpu.region"() ({
        %run_scoped3A = tpu.sem_alloc : memref<!tpu.dma_semaphore, #tpu.memory_space<semaphore_mem>>
        %dma_start3A_344 = arith.constant 0 : i32
        %dma_start3A_345 = tpu.memref_slice %arg5[%arg0, %dma_start3A_344] : memref<2x16xf32, #tpu.memory_space<hbm>> -> memref<1x16xf32, #tpu.memory_space<hbm>>
        %dma_start3A_346 = tpu.memref_squeeze %dma_start3A_345 : memref<1x16xf32, #tpu.memory_space<hbm>> -> memref<16xf32, #tpu.memory_space<hbm>>
        %dma_start3A_347 = arith.constant 0 : i32
        %dma_start3A_348 = tpu.memref_slice %arg5[%arg0, %dma_start3A_347] : memref<2x16xf32, #tpu.memory_space<hbm>> -> memref<1x16xf32, #tpu.memory_space<hbm>>
        %dma_start3A_349 = tpu.memref_squeeze %dma_start3A_348 : memref<1x16xf32, #tpu.memory_space<hbm>> -> memref<16xf32, #tpu.memory_space<hbm>>
        tpu.enqueue_dma source(%arg12 : memref<16xf32, #tpu.memory_space<vmem>>) target(%dma_start3A_349 : memref<16xf32, #tpu.memory_space<hbm>>) target_semaphore(%run_scoped3A : memref<!tpu.dma_semaphore, #tpu.memory_space<semaphore_mem>>)
        %dma_wait3A_350 = arith.constant 0 : i32
        %dma_wait3A_351 = tpu.memref_slice %arg5[%arg0, %dma_wait3A_350] : memref<2x16xf32, #tpu.memory_space<hbm>> -> memref<1x16xf32, #tpu.memory_space<hbm>>
        %dma_wait3A_352 = tpu.memref_squeeze %dma_wait3A_351 : memref<1x16xf32, #tpu.memory_space<hbm>> -> memref<16xf32, #tpu.memory_space<hbm>>
        %dma_wait3A_353 = arith.constant 0 : i32
        %dma_wait3A_354 = tpu.memref_slice %arg5[%arg0, %dma_wait3A_353] : memref<2x16xf32, #tpu.memory_space<hbm>> -> memref<1x16xf32, #tpu.memory_space<hbm>>
        %dma_wait3A_355 = tpu.memref_squeeze %dma_wait3A_354 : memref<1x16xf32, #tpu.memory_space<hbm>> -> memref<16xf32, #tpu.memory_space<hbm>>
        tpu.wait_dma2 semaphore(%run_scoped3A : memref<!tpu.dma_semaphore, #tpu.memory_space<semaphore_mem>>) src(%arg12 : memref<16xf32, #tpu.memory_space<vmem>>) dst(%dma_wait3A_355 : memref<16xf32, #tpu.memory_space<hbm>>)
        tpu.yield
      }) : () -> ()
    } else {
    }
    return
  }
}

</mosaic_0001>

<sc_bundles>
// kernel: _center_loss.3.cloned.1.call-start
scs
__scs_entry_jumppad:
0x0: {  	(pc) =	sbr.rel $0x88, $3  }
0x1: {  	(tag) =	ssettag $0x0;
	lr =	simm.s32 $0x1  }
0x2: {  	[smem:$0x3F9E] =	sst lr;
	_ =	strace $0xD0000000  }
0x3: {  	_ = 	snop  }
0x4: {  	_ = 	snop  }
0x5: {  	_ = 	snop  }
0x6: {  	_ = 	snop  }
0x7: {  	_ = 	snop  }
__scs_overlays_trampoline_lowered:
0x8: {  	[smem:$0x3FAD] =	sst s0  }
0x9: {  	[smem:$0x3FAE] =	sst s1  }
0xa: {  	[smem:$0x3FAF] =	sst s2  }
0xb: {  	[smem:$0x3FB0] =	sst s3  }
0xc: {  	[smem:$0x3FB1] =	sst s4  }
0xd: {  	[smem:$0x3FB2] =	sst s5  }
0xe: {  	[smem:$0x3FB3] =	sst s6  }
0xf: {  	[smem:$0x3FB4] =	sst s7  }
0x10: {  	[smem:$0x3FB5] =	sst s8  }
0x11: {  	[smem:$0x3FB6] =	sst s9;
	s0 =	simm.s32 @!p0 $0x0  }
0x12: {  	s1 =	sld [smem:$0x3F9C];
	s0 =	simm.s32 @p0 $0x1  }
0x13: {  	[smem:$0x3FB7] =	sst s0;
	s0 =	simm.s32 @!p1 $0x0  }
0x14: {  	s2 =	sld [smem:$0x3F9B];
	s0 =	simm.s32 @p1 $0x1  }
0x15: {  	[smem:$0x3FB8] =	sst s0;
	s0 =	simm.s32 @!p2 $0x0  }
0x16: {  	s3 =	sld [smem:$0x3FDB];
	s0 =	simm.s32 @p2 $0x1  }
0x17: {  	s4 =	simm.s32 $0x1BF5;
	[smem:$0x3FBA] =	sst s0  }
0x18: {  	s0 =	sld [smem:$0x3F9D];
	_ =	swait.ge [sflag:s4], $0x0  }
0x19: {  	s7 =	sld [smem:$0x3F9E]  }
0x1a: {  	s8 =	sadd.s32 $0xFFFFE003, lr  }
0x1b: {  	s9 =	sadd.s32 $0xFFFFFEF7, lr;
	s5 =	simm.s32 $0xFFFFFFFF;
	p2 =	slt.u32 s8, $0xFFFFF086  }
0x1c: {  	p1 =	slt.u32 s9, $0xF7A;
	s5 =	simm.s32 @!p2 $0x0  }
0x1d: {  	s5 =	simm.s32 @p1 $0x1;
	p0 =	seq.s32 s7, s2  }
0x1e: {  	s7 =	smul.u32 @!p0 $0xF7A, s2;
	p2 =	seq.s32 @!p0 s5, $0x0  }
0x1f: {  	s9 =	smul.u32 $0xF7A, s1;
	s8 =	simm.s32 @!p0 $0x1BF5;
	p2 =	por !p2, p0  }
0x20: {  	[sflag:s8] =	ssyncset.s32 @!p0 $0xFFFFF086;
	s6 =	sadd.s32 @!p0 s3, s7;
	s7 =	simm.s32 @!p0 $0x108  }
0x21: {  	s3 =	sadd.s32 s3, s9;
	s6 =	sadd.s32 @!p0 $0x88, s6;
	s7 =	simm.s32 @p2 $0x1082  }
0x22: {  	[simem:s7], [sflag:s8] =	dma.local @!p0 [hbm:s6], $0xF7A  }
0x23: {  	s9 =	sor.u32 $0xD0000000, s2;
	s6 =	simm.s32 $0x108;
	_ =	swait.ge @!p0 [sflag:s8], $0x0  }
0x24: {  	s3 =	sadd.s32 $0x88, s3;
	s6 =	simm.s32 @!p1 $0x1082;
	[sflag:s4] =	ssyncset.s32 $0xFFFFF086  }
0x25: {  	[simem:s6], [sflag:s4] =	dma.local [hbm:s3], $0xF7A  }
0x26: {  	[smem:$0x3F9E] =	sst s1;
	(tag) =	ssettag s2;
	_ =	strace s9  }
0x27: {  	s1 =	sld [smem:$0x3FAE]  }
0x28: {  	s2 =	sld [smem:$0x3FAF]  }
0x29: {  	s4 =	sld [smem:$0x3FB1]  }
0x2a: {  	p0 =	seq.s32 s5, $0x0;
	s5 =	sld [smem:$0x3FB2]  }
0x2b: {  	s6 =	sld [smem:$0x3FB3]  }
0x2c: {  	s7 =	sld [smem:$0x3FB4]  }
0x2d: {  	s3 =	simm.s32 $0x108;
	s8 =	sld [smem:$0x3FB5]  }
0x2e: {  	s3 =	simm.s32 @!p0 $0x1082;
	s9 =	sld [smem:$0x3FB6]  }
0x2f: {  	lr =	sadd.s32 s0, s3;
	s0 =	sld [smem:$0x3FAD]  }
0x30: {  	s3 =	sld [smem:$0x3FB0]  }
0x31: {  	[smem:$0x3FB9] =	sst s10  }
0x32: {  	s10 =	sld [smem:$0x3FB7];
	_ =	sdelay $0x3  }
0x33: {  	p0 =	seq.s32 s10, $0x1;
	s10 =	sld [smem:$0x3FB9];
	_ =	sdelay $0x3  }
0x34: {  	[smem:$0x3FB9] =	sst s10  }
0x35: {  	s10 =	sld [smem:$0x3FB8];
	_ =	sdelay $0x3  }
0x36: {  	p1 =	seq.s32 s10, $0x1;
	s10 =	sld [smem:$0x3FB9];
	_ =	sdelay $0x3  }
0x37: {  	[smem:$0x3FB9] =	sst s10  }
0x38: {  	s10 =	sld [smem:$0x3FBA]  }
0x39: {  	_ = 	snop;
	(pc) =	sbr.ind lr, $3  }
0x3a: {  	_ = 	snop  }
0x3b: {  	_ = 	snop  }
0x3c: {  	p2 =	seq.s32 s10, $0x1;
	s10 =	sld [smem:$0x3FB9]  }
0x3d: {  	_ =	shalt  }
0x3e: {  	_ =	shalt  }
0x3f: {  	_ =	shalt  }
0x40: {  	_ =	shalt  }
0x41: {  	_ =	shalt  }
0x42: {  	_ =	shalt  }
0x43: {  	_ =	shalt  }
0x44: {  	_ =	shalt  }
0x45: {  	_ =	shalt  }
0x46: {  	_ =	shalt  }
0x47: {  	_ =	shalt  }
0x48: {  	_ =	shalt  }
0x49: {  	_ =	shalt  }
0x4a: {  	_ =	shalt  }
0x4b: {  	_ =	shalt  }
0x4c: {  	_ =	shalt  }
0x4d: {  	_ =	shalt  }
0x4e: {  	_ =	shalt  }
0x4f: {  	_ =	shalt  }
0x50: {  	_ =	shalt  }
0x51: {  	_ =	shalt  }
0x52: {  	_ =	shalt  }
0x53: {  	_ =	shalt  }
0x54: {  	_ =	shalt  }
0x55: {  	_ =	shalt  }
0x56: {  	_ =	shalt  }
0x57: {  	_ =	shalt  }
0x58: {  	_ =	shalt  }
0x59: {  	_ =	shalt  }
0x5a: {  	_ =	shalt  }
0x5b: {  	_ =	shalt  }
0x5c: {  	_ =	shalt  }
0x5d: {  	_ =	shalt  }
0x5e: {  	_ =	shalt  }
0x5f: {  	_ =	shalt  }
0x60: {  	_ =	shalt  }
0x61: {  	_ =	shalt  }
0x62: {  	_ =	shalt  }
0x63: {  	_ =	shalt  }
0x64: {  	_ =	shalt  }
0x65: {  	_ =	shalt  }
0x66: {  	_ =	shalt  }
0x67: {  	_ =	shalt  }
0x68: {  	_ =	shalt  }
0x69: {  	_ =	shalt  }
0x6a: {  	_ =	shalt  }
0x6b: {  	_ =	shalt  }
0x6c: {  	_ =	shalt  }
0x6d: {  	_ =	shalt  }
0x6e: {  	_ =	shalt  }
0x6f: {  	_ =	shalt  }
0x70: {  	_ =	shalt  }
0x71: {  	_ =	shalt  }
0x72: {  	_ =	shalt  }
0x73: {  	_ =	shalt  }
0x74: {  	_ =	shalt  }
0x75: {  	_ =	shalt  }
0x76: {  	_ =	shalt  }
0x77: {  	_ =	shalt  }
0x78: {  	_ =	shalt  }
0x79: {  	_ =	shalt  }
0x7a: {  	_ =	shalt  }
0x7b: {  	_ =	shalt  }
0x7c: {  	_ =	shalt  }
0x7d: {  	_ =	shalt  }
0x7e: {  	_ =	shalt  }
0x7f: {  	_ =	shalt  }
0x80: {  	_ =	shalt  }
0x81: {  	_ =	shalt  }
0x82: {  	_ =	shalt  }
0x83: {  	_ =	shalt  }
0x84: {  	_ =	shalt  }
0x85: {  	_ =	shalt  }
0x86: {  	_ =	shalt  }
0x87: {  	_ =	shalt  }
.Lfunc_end0:
.L_simem_size_0:
called_computation_lowered:
.L_overlay_start_0:
0x88: {  	s2 =	sld [smem:$0x3FD9]  }
0x89: {  	s3 =	sld [smem:$0x3FFE];
	_ =	sdelay $0x1  }
0x8a: {  	s1 =	srdreg.scid  }
0x8b: {  	s0 =	sand.u32 $0x1, s1  }
0x8c: {  	s17 =	sshll.u32 s0, $0xA;
	s2 =	sadd.s32 s3, s2  }
0x8d: {  	s2 =	sadd.s32 s2, s17  }
0x8e: {  	[smem:$0x3FC5] =	sst s2  }
0x8f: {  	_ = 	snop  }
0x90: {  	s2 =	sld [smem:$0x3FC9]  }
0x91: {  	s18 =	sld [smem:$0x3FC8]  }
0x92: {  	s4 =	sld [smem:$0x3FC7];
	(tm) =	ssettm $0x1  }
0x93: {  	s5 =	sld [smem:$0x3FFB];
	_ =	sdelay $0x3  }
0x94: {  	_ =	strace s5  }
0x95: {  	s5 =	sld [smem:$0x3FFC];
	_ =	sdelay $0x3  }
0x96: {  	_ =	strace s5  }
0x97: {  	s5 =	sld [smem:$0x3FFD];
	_ =	sdelay $0x3  }
0x98: {  	_ =	strace s5  }
0x99: {  	_ =	strace $0x8FFFFFFF  }
0x9a: {  	s19 =	sld [smem:$0x3FDB];
	_ =	sdelay $0x1  }
0x9b: {  	s6 =	simm.s32 $_scs_section_size  }
0x9c: {  	s7 =	simm.s32 $_size__tile_overlayer_lowered;
	s8 =	simm.s32 $_tile_overlayer_lowered  }
0x9d: {  	s22 =	simm.s32 $0x1BFF;
	s21 =	sshll.u32 s8, $0x1;
	s5 =	sadd.s32 s6, s19  }
0x9e: {  	s9 =	simm.s32 $0x0;
	s20 =	sshll.u32 s7, $0x1;
	s7 =	sadd.s32 s21, s5  }
0x9f: {  	[timem:s9], [sflag:s22] =	dma.local [hbm:s7], s20  }
0xa0: {  	_ =	swait.ge [sflag:s22], s20  }
0xa1: {  	s6 =	ssub.s32 $0x0, s20;
	[sflag:s22] =	ssyncset.done $0x0  }
0xa2: {  	[sflag:s22] =	ssyncadd.s32 s6;
	_ =	sdelay $0x1  }
0xa3: {  	s23 =	simm.s32 $0x1B8B  }
0xa4: {  	_ =	swait.ge [sflag:s23], $0x1  }
0xa5: {  	[sflag:s23] =	ssyncset.done $0x0  }
0xa6: {  	s25 =	simm.s32 $0x1B8E;
	s24 =	sld [smem:$0x3FFE];
	[sflag:s23] =	ssyncadd.s32 $0xFFFFFFFF  }
0xa7: {  	s26 =	simm.s32 $execute0_lowered;
	[smem:$0x3FD2] =	sst s25  }
0xa8: {  	s7 =	sshll.u32 s26, $0x1;
	_ =	strace $0x80000046;
	[dreg:$0x1] =	wrdreg $0xFFFFFFFF  }
0xa9: {  	s28 =	simm.s32 $_size_execute0_lowered;
	s5 =	sadd.s32 s5, s7;
	[dreg:$0x0] =	wrdreg $0x0  }
0xaa: {  	s7 =	sshll.u32 s28, $0x1;
	[dreg:$0x2] =	wrdreg s5  }
0xab: {  	[dreg:$0x3] =	wrdreg s7  }
0xac: {  	[dreg:$0x4] =	wrdreg $0xC0  }
0xad: {  	_ =	task [dreg:s9], $0x5FFFF  }
0xae: {  	[dreg:$0x1] =	wrdreg $0xFFFFFFFF  }
0xaf: {  	[dreg:$0x0] =	wrdreg $0x60  }
0xb0: {  	[dreg:$0x2] =	wrdreg s2  }
0xb1: {  	[dreg:$0x3] =	wrdreg s18  }
0xb2: {  	[dreg:$0x4] =	wrdreg s4  }
0xb3: {  	[dreg:$0x5] =	wrdreg s24  }
0xb4: {  	[dreg:$0x6] =	wrdreg $0x1F7000  }
0xb5: {  	[dreg:$0x7] =	wrdreg $0x9  }
0xb6: {  	_ =	task.clear_ibuf [dreg:s9], $0x8FFFF;
	_ =	strace $0x90000046  }
0xb7: {  	s29 =	simm.s32 $0x9;
	_ =	strace $0x80000048  }
0xb8: {  	_ =	swait.ge [sflag:s29], $0x1  }
0xb9: {  	[sflag:s29] =	ssyncadd.s32 $0xFFFFFFFF  }
0xba: {  	_ =	strace $0x90000048  }
0xbb: {  	_ =	sfence  }
0xbc: {  	s30 =	sld [smem:$0x0];
	_ =	sdelay $0x2  }
0xbd: {  	s31 =	sshll.u32 s1, $0xD;
	s1 =	sshrl.u32 s1, $0x2  }
0xbe: {  	s3 =	sand.u32 $0x4000, s31;
	s1 =	sadd.s32 s1, s30  }
0xbf: {  	s0 =	sor.u32 s3, s0;
	s1 =	sshll.u32 s1, $0x11  }
0xc0: {  	s0 =	sor.u32 s1, s0  }
0xc1: {  	s0 =	sadd.s32 $0x8F2B, s0  }
0xc2: {  	[sflag:s0] =	ssyncadd.remote.s32 $0x1  }
0xc3: {  	_ =	sfence.sel $0xFFFF  }
0xc4: {  	[dreg:$0x0] =	wrdreg $0xFFFFFFFF;
	(pc) =	sbr.abs _section_cstart, $3  }
0xc5: {  	[dreg:$0x1] =	wrdreg $0xFFFFFFFF  }
0xc6: {  	_ =	task.clear_ibuf [dreg:s9], $0x2FFFF;
	_ =	strace $0x9FFFFFFF  }
0xc7: {  	(tm) =	ssettm $0x7FFFFFFF  }
tec
execute0_lowered:
.L_overlay_start_1:
0x0: {  	(tag) =	ssettag $0x1  }
0x1: {  	s0 =	rddreg [dreg:$0x0]  }
0x2: {  	s2 =	rddreg [dreg:$0x2]  }
0x3: {  	s1 =	srdreg.scid;
	s15 =	rddreg [dreg:$0x3]  }
0x4: {  	s25 =	stileid.u32;
	s18 =	rddreg [dreg:$0x4];
	s21 =	simm.s32 $0x0  }
0x5: {  	s19 =	simm.s32 $0x4000;
	s20 =	simm.s32 $0x1C700;
	s28 =	simm.s32 $0x3  }
0x6: {  	s29 =	simm.s32 $0x1F810;
	s30 =	simm.s32 $0x6;
	s31 =	simm.s32 $0x0  }
0x7: {  	s1 =	sand.u32 $0x1, s1;
	s4 =	sshll.u32 s25, $0x1;
	[smem:$0x7FF] =	sst s21  }
0x8: {  	s5 =	sshll.u32 s25, $0x8;
	s23 =	sadd.s32 $0x1000, s0;
	s12 =	sadd.s32 $0x2000, s0  }
0x9: {  	s14 =	sadd.s32 $0x3000, s0;
	s26 =	sshll.u32 s25, $0x4;
	s21 =	simm.s32 $0x1D700  }
0xa: {  	p0 =	sne.s32 s25, $0x0;
	s25 =	simm.s32 $0x1;
	s3 =	sshll.u32 s1, $0x5  }
0xb: {  	_ =	strace $0x80000047;
	s6 =	sand.u32 $0x300, s5;
	s22 =	ssub.s32 $0x2, s1  }
0xc: {  	s1 =	sshll.u32 s1, $0x4;
	s4 =	sor.u32 s4, s3;
	s10 =	sshrl.u32 s22, $0x1  }
0xd: {  	s13 =	sor.u32 $0x80, s6;
	s3 =	smov.u32 s18;
	s4 =	sshrl.u32 s4, $0x3  }
0xe: {  	s15 =	sadd.s32 s15, s1;
	s16 =	ssub.s32 s22, s10;
	s8 =	smul.u32 $0xC3800, s4  }
0xf: {  	s22 =	simm.s32 $0x1E700;
	s9 =	sshll.u32 s4, $0x11;
	s16 =	smax.u32 s16, $0x1  }
0x10: {  	s7 =	sor.u32 s6, s9;
	s9 =	sor.u32 s13, s9;
	s5 =	sor.u32 s6, s8  }
0x11: {  	s11 =	sshrl.u32 s7, $0x3;
	s17 =	sshrl.u32 s9, $0x3;
	s13 =	sor.u32 s13, s8  }
0x12: {  	s5 =	sshrl.u32 s5, $0x3;
	s6 =	sadd.s32 s11, s23;
	s7 =	sadd.s32 s11, s12  }
0x13: {  	s8 =	sadd.s32 s11, s14;
	s9 =	sadd.s32 s0, s17;
	s24 =	sshrl.u32 s13, $0x3  }
0x14: {  	s10 =	sadd.s32 s17, s23;
	s13 =	sadd.s32 s17, s14;
	s14 =	sadd.s32 s26, s18  }
0x15: {  	s18 =	simm.s32 $0x400;
	s23 =	simm.s32 $0x5;
	s26 =	simm.s32 $0x2  }
0x16: {  	s4 =	sadd.s32 s2, s5;
	s5 =	sadd.s32 s0, s11;
	s11 =	sadd.s32 s17, s12  }
0x17: {  	s12 =	sadd.s32 s2, s24;
	s17 =	simm.s32 $0x80;
	s24 =	simm.s32 $0x4  }
.LBB2_1:
0x18: {  	[tilespmem:s19], [sflag:$0x4] =	stream.strided.gather [hbm4b:s4+s17], $0x18700, s18, s17, $0x38;
	[tilespmem:$0x1F910] =	vst v63  }
0x19: {  	_ = 	snop  }
0x1a: {  	[tilespmem:s20], [sflag:$0x1] =	stream.strided.gather [hbm4b:s5+s17], $0x1000, s18, s17, $0x38;
	[tilespmem:$0x1F910] =	vst v63  }
0x1b: {  	_ = 	snop  }
0x1c: {  	[tilespmem:s21], [sflag:$0x2] =	stream.strided.gather [hbm4b:s6+s17], $0x1000, s18, s17, $0x38;
	[tilespmem:$0x1F910] =	vst v63  }
0x1d: {  	_ = 	snop  }
0x1e: {  	[tilespmem:s22], [sflag:$0x3] =	stream.strided.gather [hbm4b:s7+s17], $0x1000, s18, s17, $0x38;
	[tilespmem:$0x1F910] =	vst v63  }
0x1f: {  	s0 =	rddreg [dreg:$0x1];
	s1 =	simm.s32 $0x0  }
0x20: {  	[tilespmem:s1], [sflag:$0x5] =	stream.linear.gather [hbm4b:s0+s1], $0x4000, $0x38;
	[tilespmem:$0x1F910] =	vst v63  }
0x21: {  	_ =	swait.ge [sflag:s23], $0x4000  }
0x22: {  	[sflag:s23] =	ssyncset.done $0x0  }
0x23: {  	[sflag:s23] =	ssyncadd.s32 $0xFFFFC000  }
0x24: {  	_ =	swait.ge [sflag:s24], $0x18700  }
0x25: {  	[sflag:s24] =	ssyncset.done $0x0  }
0x26: {  	[sflag:s24] =	ssyncadd.s32 $0xFFFE7900  }
0x27: {  	_ =	swait.ge [sflag:s25], $0x1000  }
0x28: {  	[sflag:s25] =	ssyncset.done $0x0  }
0x29: {  	s2 =	simm.s32 $0x1C740;
	[sflag:s25] =	ssyncadd.s32 $0xFFFFF000  }
0x2a: {  	[tilespmem:s20], [sflag:$0x1] =	stream.strided.gather [hbm4b:s8+s17], $0x1000, s18, s17, $0x38;
	[tilespmem:$0x1F910] =	vst v63  }
0x2b: {  	v0 =	vld [tilespmem:s2+$0x0]  }
0x2c: {  	v1 =	vld [tilespmem:s2+$0x10]  }
0x2d: {  	v5 =	vld [tilespmem:s2+$0x20]  }
0x2e: {  	v8 =	vld [tilespmem:s2+$0xFFFFFFC0]  }
0x2f: {  	v9 =	vld [tilespmem:s2+$0xFFFFFFD0]  }
0x30: {  	v11 =	vld [tilespmem:s2+$0xFFFFFFE0]  }
0x31: {  	s1 =	simm.s32 $0x40;
	v12 =	vld [tilespmem:s2+$0xFFFFFFF0]  }
0x32: {  	v2 =	vld [tilespmem:s1+$0x0]  }
0x33: {  	v3 =	vld [tilespmem:s1+$0x10]  }
0x34: {  	v4 =	vld [tilespmem:s1+$0xFFFFFFC0]  }
0x35: {  	v6 =	vld [tilespmem:s1+$0xFFFFFFD0]  }
0x36: {  	v7 =	vld [tilespmem:s1+$0xFFFFFFE0]  }
0x37: {  	v10 =	vld [tilespmem:s1+$0xFFFFFFF0]  }
0x38: {  	v13 =	vld [tilespmem:s1+$0x20]  }
0x39: {  	v14 =	vld [tilespmem:s1+$0x30]  }
0x3a: {  	v17 =	vld [tilespmem:s2+$0x30]  }
0x3b: {  	v2 =	vld.idx.msk [tilespmem:v2+s19+$0x0], $0xffff  }
0x3c: {  	v19 =	vld.idx.msk [tilespmem:v3+s19+$0x0], $0xffff  }
0x3d: {  	v24 =	vld.idx.msk [tilespmem:v4+s19+$0x0], $0xffff  }
0x3e: {  	v22 =	vld.idx.msk [tilespmem:v6+s19+$0x0], $0xffff  }
0x3f: {  	v23 =	vld.idx.msk [tilespmem:v7+s19+$0x0], $0xffff  }
0x40: {  	v20 =	vld.idx.msk [tilespmem:v10+s19+$0x0], $0xffff  }
0x41: {  	v15 =	vimm.f32 $0.0e+00;
	v18 =	vld.idx.msk [tilespmem:v13+s19+$0x0], $0xffff;
	v13 =	vimm.f32 $0.0e+00  }
0x42: {  	s0 =	simm.s32 $0x0;
	s2 =	simm.s32 $0x1C7C0;
	v16 =	vld.idx.msk [tilespmem:v14+s19+$0x0], $0xffff;
	v14 =	vimm.f32 $0.0e+00;
	v10 =	vimm.f32 $0.0e+00;
	v21 =	vsub.f32 v0, v2  }
.LBB2_2:
0x43: {  	v0 =	vld [tilespmem:s2+$0x0];
	v2 =	vsub.f32 v8, v24;
	v3 =	vsub.f32 v1, v19  }
0x44: {  	v4 =	vsub.f32 v9, v22;
	v6 =	vsub.f32 v11, v23;
	v1 =	vld [tilespmem:s2+$0x10]  }
0x45: {  	v11 =	vsub.f32 v12, v20;
	v19 =	vmul.f32 v21, v21;
	v7 =	vld [tilespmem:s2+$0x20];
	v3 =	vmul.f32 v3, v3  }
0x46: {  	v2 =	vmul.f32 v2, v2;
	v4 =	vmul.f32 v4, v4;
	v5 =	vsub.f32 v5, v18;
	v8 =	vld [tilespmem:s2+$0xFFFFFFC0]  }
0x47: {  	v6 =	vmul.f32 v6, v6;
	v18 =	vmul.f32 v11, v11;
	v9 =	vld [tilespmem:s2+$0xFFFFFFD0];
	v16 =	vsub.f32 v17, v16  }
0x48: {  	v2 =	vadd.f32 v2, v13;
	v4 =	vadd.f32 v4, v15;
	v17 =	vmul.f32 v5, v5;
	v11 =	vld [tilespmem:s2+$0xFFFFFFE0]  }
0x49: {  	s1 =	sadd.s32 $0x80, s1;
	v6 =	vadd.f32 v6, v14;
	v10 =	vadd.f32 v18, v10;
	v12 =	vld [tilespmem:s2+$0xFFFFFFF0];
	v16 =	vmul.f32 v16, v16  }
0x4a: {  	v13 =	vadd.f32 v19, v2;
	v15 =	vadd.f32 v3, v4;
	v18 =	vld [tilespmem:s1+$0x0];
	v5 =	vmov v7  }
0x4b: {  	v14 =	vadd.f32 v17, v6;
	v2 =	vld [tilespmem:s1+$0x10];
	v10 =	vadd.f32 v16, v10  }
0x4c: {  	v3 =	vld [tilespmem:s1+$0xFFFFFFC0]  }
0x4d: {  	v4 =	vld [tilespmem:s1+$0xFFFFFFD0]  }
0x4e: {  	v6 =	vld [tilespmem:s1+$0xFFFFFFE0]  }
0x4f: {  	s0 =	sadd.s32 $0x8, s0;
	v7 =	vld [tilespmem:s1+$0xFFFFFFF0]  }
0x50: {  	p1 =	slt.u32 s0, $0xF8;
	v16 =	vld [tilespmem:s1+$0x20]  }
0x51: {  	v17 =	vld [tilespmem:s1+$0x30]  }
0x52: {  	v21 =	vld.idx.msk [tilespmem:v18+s19+$0x0], $0xffff  }
0x53: {  	v19 =	vld.idx.msk [tilespmem:v2+s19+$0x0], $0xffff  }
0x54: {  	v24 =	vld.idx.msk [tilespmem:v3+s19+$0x0], $0xffff  }
0x55: {  	v22 =	vld.idx.msk [tilespmem:v4+s19+$0x0], $0xffff  }
.Ltmp0:
0x56: {  	v23 =	vld.idx.msk [tilespmem:v6+s19+$0x0], $0xffff;
	(pc) =	sbr.rel @p1 .LBB2_2-.Ltmp0, $4  }
0x57: {  	v20 =	vld.idx.msk [tilespmem:v7+s19+$0x0], $0xffff  }
0x58: {  	v18 =	vld.idx.msk [tilespmem:v16+s19+$0x0], $0xffff  }
0x59: {  	v16 =	vld.idx.msk [tilespmem:v17+s19+$0x0], $0xffff  }
0x5a: {  	v21 =	vsub.f32 v0, v21;
	v17 =	vld [tilespmem:s2+$0x30];
	s2 =	sadd.s32 $0x80, s2  }
0x5b: {  	_ =	swait.ge [sflag:s26], $0x1000  }
0x5c: {  	[sflag:s26] =	ssyncset.done $0x0  }
0x5d: {  	s2 =	simm.s32 $0x1D770;
	[sflag:s26] =	ssyncadd.s32 $0xFFFFF000  }
0x5e: {  	[tilespmem:s21], [sflag:$0x2] =	stream.strided.gather [hbm4b:s9+s17], $0x1000, s18, s17, $0x38;
	[tilespmem:$0x1F910] =	vst v63  }
0x5f: {  	v25 =	vld [tilespmem:s2+$0xFFFFFFD0]  }
0x60: {  	v0 =	vld [tilespmem:s2+$0xFFFFFFE0]  }
0x61: {  	v2 =	vld [tilespmem:s2+$0xFFFFFFF0]  }
0x62: {  	v3 =	vld [tilespmem:s2+$0xFFFFFF90]  }
0x63: {  	v4 =	vld [tilespmem:s2+$0xFFFFFFA0]  }
0x64: {  	v6 =	vld [tilespmem:s2+$0xFFFFFFB0]  }
0x65: {  	s1 =	simm.s32 $0x1070;
	v7 =	vld [tilespmem:s2+$0xFFFFFFC0]  }
0x66: {  	v26 =	vld [tilespmem:s1+$0xFFFFFFD0]  }
0x67: {  	v27 =	vld [tilespmem:s1+$0xFFFFFFE0]  }
0x68: {  	v8 =	vsub.f32 v8, v24;
	v24 =	vld [tilespmem:s1+$0xFFFFFF90]  }
0x69: {  	v9 =	vsub.f32 v9, v22;
	v22 =	vld [tilespmem:s1+$0xFFFFFFA0]  }
0x6a: {  	v11 =	vsub.f32 v11, v23;
	v8 =	vmul.f32 v8, v8;
	v23 =	vld [tilespmem:s1+$0xFFFFFFB0]  }
0x6b: {  	v1 =	vsub.f32 v1, v19;
	v12 =	vsub.f32 v12, v20;
	v9 =	vmul.f32 v9, v9;
	v19 =	vld [tilespmem:s1+$0xFFFFFFC0]  }
0x6c: {  	v5 =	vsub.f32 v5, v18;
	v18 =	vmul.f32 v21, v21;
	v8 =	vadd.f32 v8, v13;
	v13 =	vld [tilespmem:s1+$0xFFFFFFF0]  }
0x6d: {  	v11 =	vmul.f32 v11, v11;
	v1 =	vmul.f32 v1, v1;
	v9 =	vadd.f32 v9, v15;
	v15 =	vld [tilespmem:s1+$0x0]  }
0x6e: {  	v12 =	vmul.f32 v12, v12;
	v16 =	vsub.f32 v17, v16;
	v8 =	vadd.f32 v18, v8;
	v18 =	vld [tilespmem:s2+$0x0]  }
0x6f: {  	v11 =	vadd.f32 v11, v14;
	v5 =	vmul.f32 v5, v5;
	v1 =	vadd.f32 v1, v9;
	v26 =	vld.idx.msk [tilespmem:v26+s19+$0x0], $0xffff  }
0x70: {  	v63 =	vadd.f32 v12, v10;
	v17 =	vld.idx.msk [tilespmem:v27+s19+$0x0], $0xffff  }
0x71: {  	v5 =	vadd.f32 v5, v11;
	v1 =	vadd.f32 v1, v8;
	v8 =	vmul.f32 v16, v16;
	v21 =	vld.idx.msk [tilespmem:v24+s19+$0x0], $0xffff  }
0x72: {  	v22 =	vld.idx.msk [tilespmem:v22+s19+$0x0], $0xffff  }
0x73: {  	v8 =	vadd.f32 v8, v63;
	v1 =	vadd.f32 v5, v1;
	v23 =	vld.idx.msk [tilespmem:v23+s19+$0x0], $0xffff  }
0x74: {  	v20 =	vld.idx.msk [tilespmem:v19+s19+$0x0], $0xffff  }
0x75: {  	v12 =	vimm.f32 $0.0e+00;
	v19 =	vld.idx.msk [tilespmem:v13+s19+$0x0], $0xffff;
	v14 =	vadd.f32 v8, v1  }
0x76: {  	s0 =	simm.s32 $0x0;
	s2 =	simm.s32 $0x1D7F0;
	v13 =	vimm.f32 $0.0e+00;
	v16 =	vld.idx.msk [tilespmem:v15+s19+$0x0], $0xffff;
	v15 =	vimm.f32 $0.0e+00;
	v24 =	vsub.f32 v25, v26  }
.LBB2_4:
0x77: {  	v1 =	vld [tilespmem:s2+$0xFFFFFFD0];
	v5 =	vsub.f32 v3, v21;
	v3 =	vsub.f32 v0, v17  }
0x78: {  	v4 =	vsub.f32 v4, v22;
	v6 =	vsub.f32 v6, v23;
	v0 =	vld [tilespmem:s2+$0xFFFFFFE0]  }
0x79: {  	v7 =	vsub.f32 v7, v20;
	v9 =	vmul.f32 v24, v24;
	v8 =	vld [tilespmem:s2+$0xFFFFFFF0];
	v10 =	vmul.f32 v3, v3  }
0x7a: {  	v5 =	vmul.f32 v5, v5;
	v11 =	vmul.f32 v4, v4;
	v2 =	vsub.f32 v2, v19;
	v3 =	vld [tilespmem:s2+$0xFFFFFF90]  }
0x7b: {  	v17 =	vmul.f32 v6, v6;
	v19 =	vmul.f32 v7, v7;
	v4 =	vld [tilespmem:s2+$0xFFFFFFA0];
	v16 =	vsub.f32 v18, v16  }
0x7c: {  	v5 =	vadd.f32 v5, v14;
	v11 =	vadd.f32 v11, v13;
	v18 =	vmul.f32 v2, v2;
	v6 =	vld [tilespmem:s2+$0xFFFFFFB0]  }
0x7d: {  	s1 =	sadd.s32 $0x80, s1;
	v15 =	vadd.f32 v17, v15;
	v12 =	vadd.f32 v19, v12;
	v7 =	vld [tilespmem:s2+$0xFFFFFFC0];
	v16 =	vmul.f32 v16, v16  }
0x7e: {  	v14 =	vadd.f32 v9, v5;
	v13 =	vadd.f32 v10, v11;
	v17 =	vld [tilespmem:s1+$0xFFFFFFD0];
	v2 =	vmov v8  }
0x7f: {  	v15 =	vadd.f32 v18, v15;
	v5 =	vld [tilespmem:s1+$0xFFFFFFE0];
	v12 =	vadd.f32 v16, v12  }
0x80: {  	v8 =	vld [tilespmem:s1+$0xFFFFFF90]  }
0x81: {  	v9 =	vld [tilespmem:s1+$0xFFFFFFA0]  }
0x82: {  	v10 =	vld [tilespmem:s1+$0xFFFFFFB0]  }
0x83: {  	s0 =	sadd.s32 $0x8, s0;
	v11 =	vld [tilespmem:s1+$0xFFFFFFC0]  }
0x84: {  	p1 =	slt.u32 s0, $0xF8;
	v16 =	vld [tilespmem:s1+$0xFFFFFFF0]  }
0x85: {  	v18 =	vld [tilespmem:s1+$0x0]  }
0x86: {  	v24 =	vld.idx.msk [tilespmem:v17+s19+$0x0], $0xffff  }
0x87: {  	v17 =	vld.idx.msk [tilespmem:v5+s19+$0x0], $0xffff  }
0x88: {  	v21 =	vld.idx.msk [tilespmem:v8+s19+$0x0], $0xffff  }
0x89: {  	v22 =	vld.idx.msk [tilespmem:v9+s19+$0x0], $0xffff  }
.Ltmp1:
0x8a: {  	v23 =	vld.idx.msk [tilespmem:v10+s19+$0x0], $0xffff;
	(pc) =	sbr.rel @p1 .LBB2_4-.Ltmp1, $4  }
0x8b: {  	v20 =	vld.idx.msk [tilespmem:v11+s19+$0x0], $0xffff  }
0x8c: {  	v19 =	vld.idx.msk [tilespmem:v16+s19+$0x0], $0xffff  }
0x8d: {  	v16 =	vld.idx.msk [tilespmem:v18+s19+$0x0], $0xffff  }
0x8e: {  	v24 =	vsub.f32 v1, v24;
	v18 =	vld [tilespmem:s2+$0x0];
	s2 =	sadd.s32 $0x80, s2  }
0x8f: {  	_ =	swait.ge [sflag:s28], $0x1000  }
0x90: {  	[sflag:s28] =	ssyncset.done $0x0  }
0x91: {  	s2 =	simm.s32 $0x1E770;
	[sflag:s28] =	ssyncadd.s32 $0xFFFFF000  }
0x92: {  	[tilespmem:s22], [sflag:$0x3] =	stream.strided.gather [hbm4b:s10+s17], $0x1000, s18, s17, $0x38;
	[tilespmem:$0x1F910] =	vst v63  }
0x93: {  	v25 =	vld [tilespmem:s2+$0xFFFFFFD0]  }
0x94: {  	v1 =	vld [tilespmem:s2+$0xFFFFFFE0]  }
0x95: {  	v5 =	vld [tilespmem:s2+$0xFFFFFFF0]  }
0x96: {  	v8 =	vld [tilespmem:s2+$0xFFFFFF90]  }
0x97: {  	v9 =	vld [tilespmem:s2+$0xFFFFFFA0]  }
0x98: {  	v10 =	vld [tilespmem:s2+$0xFFFFFFB0]  }
0x99: {  	s1 =	simm.s32 $0x2070;
	v11 =	vld [tilespmem:s2+$0xFFFFFFC0]  }
0x9a: {  	v26 =	vld [tilespmem:s1+$0xFFFFFFD0]  }
0x9b: {  	v27 =	vld [tilespmem:s1+$0xFFFFFFE0]  }
0x9c: {  	v3 =	vsub.f32 v3, v21;
	v21 =	vld [tilespmem:s1+$0xFFFFFF90]  }
0x9d: {  	v4 =	vsub.f32 v4, v22;
	v22 =	vld [tilespmem:s1+$0xFFFFFFA0]  }
0x9e: {  	v6 =	vsub.f32 v6, v23;
	v3 =	vmul.f32 v3, v3;
	v23 =	vld [tilespmem:s1+$0xFFFFFFB0]  }
0x9f: {  	v7 =	vsub.f32 v7, v20;
	v20 =	vld [tilespmem:s1+$0xFFFFFFC0]  }
0xa0: {  	v0 =	vsub.f32 v0, v17;
	v4 =	vmul.f32 v4, v4;
	v3 =	vadd.f32 v3, v14;
	v14 =	vld [tilespmem:s1+$0xFFFFFFF0]  }
0xa1: {  	v17 =	vmul.f32 v24, v24;
	v2 =	vsub.f32 v2, v19;
	v6 =	vmul.f32 v6, v6;
	v24 =	vld [tilespmem:s1+$0x0]  }
0xa2: {  	v0 =	vmul.f32 v0, v0;
	v4 =	vadd.f32 v4, v13;
	v13 =	vsub.f32 v18, v16;
	v18 =	vld [tilespmem:s2+$0x0]  }
0xa3: {  	v7 =	vmul.f32 v7, v7;
	v6 =	vadd.f32 v6, v15;
	v15 =	vld.idx.msk [tilespmem:v26+s19+$0x0], $0xffff  }
0xa4: {  	v2 =	vmul.f32 v2, v2;
	v3 =	vadd.f32 v17, v3;
	v0 =	vadd.f32 v0, v4;
	v17 =	vld.idx.msk [tilespmem:v27+s19+$0x0], $0xffff  }
0xa5: {  	v4 =	vadd.f32 v7, v12;
	v21 =	vld.idx.msk [tilespmem:v21+s19+$0x0], $0xffff  }
0xa6: {  	v2 =	vadd.f32 v2, v6;
	v0 =	vadd.f32 v0, v3;
	v3 =	vmul.f32 v13, v13;
	v22 =	vld.idx.msk [tilespmem:v22+s19+$0x0], $0xffff  }
0xa7: {  	v23 =	vld.idx.msk [tilespmem:v23+s19+$0x0], $0xffff  }
0xa8: {  	v3 =	vadd.f32 v3, v4;
	v0 =	vadd.f32 v2, v0;
	v20 =	vld.idx.msk [tilespmem:v20+s19+$0x0], $0xffff  }
0xa9: {  	v12 =	vimm.f32 $0.0e+00;
	v13 =	vimm.f32 $0.0e+00;
	v19 =	vld.idx.msk [tilespmem:v14+s19+$0x0], $0xffff  }
0xaa: {  	s0 =	simm.s32 $0x0;
	s2 =	simm.s32 $0x1E7F0;
	v14 =	vadd.f32 v3, v0;
	v16 =	vld.idx.msk [tilespmem:v24+s19+$0x0], $0xffff;
	v24 =	vsub.f32 v25, v15;
	v15 =	vimm.f32 $0.0e+00  }
.LBB2_6:
0xab: {  	v0 =	vld [tilespmem:s2+$0xFFFFFFD0];
	v2 =	vsub.f32 v8, v21;
	v3 =	vsub.f32 v1, v17  }
0xac: {  	v4 =	vsub.f32 v9, v22;
	v6 =	vsub.f32 v10, v23;
	v1 =	vld [tilespmem:s2+$0xFFFFFFE0]  }
0xad: {  	v10 =	vsub.f32 v11, v20;
	v17 =	vmul.f32 v24, v24;
	v7 =	vld [tilespmem:s2+$0xFFFFFFF0];
	v3 =	vmul.f32 v3, v3  }
0xae: {  	v2 =	vmul.f32 v2, v2;
	v4 =	vmul.f32 v4, v4;
	v5 =	vsub.f32 v5, v19;
	v8 =	vld [tilespmem:s2+$0xFFFFFF90]  }
0xaf: {  	v6 =	vmul.f32 v6, v6;
	v19 =	vmul.f32 v10, v10;
	v9 =	vld [tilespmem:s2+$0xFFFFFFA0];
	v16 =	vsub.f32 v18, v16  }
0xb0: {  	v2 =	vadd.f32 v2, v14;
	v4 =	vadd.f32 v4, v13;
	v18 =	vmul.f32 v5, v5;
	v10 =	vld [tilespmem:s2+$0xFFFFFFB0]  }
0xb1: {  	s1 =	sadd.s32 $0x80, s1;
	v6 =	vadd.f32 v6, v15;
	v12 =	vadd.f32 v19, v12;
	v11 =	vld [tilespmem:s2+$0xFFFFFFC0];
	v16 =	vmul.f32 v16, v16  }
0xb2: {  	v14 =	vadd.f32 v17, v2;
	v13 =	vadd.f32 v3, v4;
	v19 =	vld [tilespmem:s1+$0xFFFFFFD0];
	v5 =	vmov v7  }
0xb3: {  	v15 =	vadd.f32 v18, v6;
	v2 =	vld [tilespmem:s1+$0xFFFFFFE0];
	v12 =	vadd.f32 v16, v12  }
0xb4: {  	v3 =	vld [tilespmem:s1+$0xFFFFFF90]  }
0xb5: {  	v4 =	vld [tilespmem:s1+$0xFFFFFFA0]  }
0xb6: {  	v6 =	vld [tilespmem:s1+$0xFFFFFFB0]  }
0xb7: {  	s0 =	sadd.s32 $0x8, s0;
	v7 =	vld [tilespmem:s1+$0xFFFFFFC0]  }
0xb8: {  	p1 =	slt.u32 s0, $0xF8;
	v16 =	vld [tilespmem:s1+$0xFFFFFFF0]  }
0xb9: {  	v18 =	vld [tilespmem:s1+$0x0]  }
0xba: {  	v24 =	vld.idx.msk [tilespmem:v19+s19+$0x0], $0xffff  }
0xbb: {  	v17 =	vld.idx.msk [tilespmem:v2+s19+$0x0], $0xffff  }
0xbc: {  	v21 =	vld.idx.msk [tilespmem:v3+s19+$0x0], $0xffff  }
0xbd: {  	v22 =	vld.idx.msk [tilespmem:v4+s19+$0x0], $0xffff  }
.Ltmp2:
0xbe: {  	v23 =	vld.idx.msk [tilespmem:v6+s19+$0x0], $0xffff;
	(pc) =	sbr.rel @p1 .LBB2_6-.Ltmp2, $4  }
0xbf: {  	v20 =	vld.idx.msk [tilespmem:v7+s19+$0x0], $0xffff  }
0xc0: {  	v19 =	vld.idx.msk [tilespmem:v16+s19+$0x0], $0xffff  }
0xc1: {  	v16 =	vld.idx.msk [tilespmem:v18+s19+$0x0], $0xffff  }
0xc2: {  	v24 =	vsub.f32 v0, v24;
	v18 =	vld [tilespmem:s2+$0x0];
	s2 =	sadd.s32 $0x80, s2  }
0xc3: {  	_ =	swait.ge [sflag:s25], $0x1000  }
0xc4: {  	[sflag:s25] =	ssyncset.done $0x0  }
0xc5: {  	s2 =	simm.s32 $0x1C740;
	[sflag:s25] =	ssyncadd.s32 $0xFFFFF000  }
0xc6: {  	[tilespmem:s20], [sflag:$0x1] =	stream.strided.gather [hbm4b:s11+s17], $0x1000, s18, s17, $0x38;
	[tilespmem:$0x1F910] =	vst v63  }
0xc7: {  	v25 =	vld [tilespmem:s2+$0x0]  }
0xc8: {  	v0 =	vld [tilespmem:s2+$0x10]  }
0xc9: {  	v2 =	vld [tilespmem:s2+$0x20]  }
0xca: {  	v3 =	vld [tilespmem:s2+$0xFFFFFFC0]  }
0xcb: {  	v4 =	vld [tilespmem:s2+$0xFFFFFFD0]  }
0xcc: {  	v6 =	vld [tilespmem:s2+$0xFFFFFFE0]  }
0xcd: {  	s1 =	simm.s32 $0x3070;
	v7 =	vld [tilespmem:s2+$0xFFFFFFF0]  }
0xce: {  	v26 =	vld [tilespmem:s1+$0xFFFFFFD0]  }
0xcf: {  	v27 =	vld [tilespmem:s1+$0xFFFFFFE0]  }
0xd0: {  	v8 =	vsub.f32 v8, v21;
	v21 =	vld [tilespmem:s1+$0xFFFFFF90]  }
0xd1: {  	v9 =	vsub.f32 v9, v22;
	v22 =	vld [tilespmem:s1+$0xFFFFFFA0]  }
0xd2: {  	v10 =	vsub.f32 v10, v23;
	v8 =	vmul.f32 v8, v8;
	v23 =	vld [tilespmem:s1+$0xFFFFFFB0]  }
0xd3: {  	v11 =	vsub.f32 v11, v20;
	v20 =	vld [tilespmem:s1+$0xFFFFFFC0]  }
0xd4: {  	v1 =	vsub.f32 v1, v17;
	v9 =	vmul.f32 v9, v9;
	v8 =	vadd.f32 v8, v14;
	v14 =	vld [tilespmem:s1+$0xFFFFFFF0]  }
0xd5: {  	v17 =	vmul.f32 v24, v24;
	v5 =	vsub.f32 v5, v19;
	v10 =	vmul.f32 v10, v10;
	v24 =	vld [tilespmem:s1+$0x0]  }
0xd6: {  	v1 =	vmul.f32 v1, v1;
	v9 =	vadd.f32 v9, v13;
	v13 =	vsub.f32 v18, v16;
	v18 =	vld [tilespmem:s2+$0x30]  }
0xd7: {  	v11 =	vmul.f32 v11, v11;
	v10 =	vadd.f32 v10, v15;
	v15 =	vld.idx.msk [tilespmem:v26+s19+$0x0], $0xffff  }
0xd8: {  	v5 =	vmul.f32 v5, v5;
	v8 =	vadd.f32 v17, v8;
	v1 =	vadd.f32 v1, v9;
	v17 =	vld.idx.msk [tilespmem:v27+s19+$0x0], $0xffff  }
0xd9: {  	v63 =	vadd.f32 v11, v12;
	v21 =	vld.idx.msk [tilespmem:v21+s19+$0x0], $0xffff  }
0xda: {  	v5 =	vadd.f32 v5, v10;
	v1 =	vadd.f32 v1, v8;
	v8 =	vmul.f32 v13, v13;
	v22 =	vld.idx.msk [tilespmem:v22+s19+$0x0], $0xffff  }
0xdb: {  	v23 =	vld.idx.msk [tilespmem:v23+s19+$0x0], $0xffff  }
0xdc: {  	v8 =	vadd.f32 v8, v63;
	v1 =	vadd.f32 v5, v1;
	v20 =	vld.idx.msk [tilespmem:v20+s19+$0x0], $0xffff  }
0xdd: {  	v12 =	vimm.f32 $0.0e+00;
	v13 =	vimm.f32 $0.0e+00;
	v19 =	vld.idx.msk [tilespmem:v14+s19+$0x0], $0xffff  }
0xde: {  	s0 =	simm.s32 $0x0;
	s2 =	simm.s32 $0x1C7C0;
	v14 =	vadd.f32 v8, v1;
	v16 =	vld.idx.msk [tilespmem:v24+s19+$0x0], $0xffff;
	v24 =	vsub.f32 v25, v15;
	v15 =	vimm.f32 $0.0e+00  }
.LBB2_8:
0xdf: {  	v1 =	vld [tilespmem:s2+$0x0];
	v5 =	vsub.f32 v3, v21;
	v3 =	vsub.f32 v0, v17  }
0xe0: {  	v4 =	vsub.f32 v4, v22;
	v6 =	vsub.f32 v6, v23;
	v0 =	vld [tilespmem:s2+$0x10]  }
0xe1: {  	v7 =	vsub.f32 v7, v20;
	v9 =	vmul.f32 v24, v24;
	v8 =	vld [tilespmem:s2+$0x20];
	v10 =	vmul.f32 v3, v3  }
0xe2: {  	v5 =	vmul.f32 v5, v5;
	v11 =	vmul.f32 v4, v4;
	v2 =	vsub.f32 v2, v19;
	v3 =	vld [tilespmem:s2+$0xFFFFFFC0]  }
0xe3: {  	v17 =	vmul.f32 v6, v6;
	v19 =	vmul.f32 v7, v7;
	v4 =	vld [tilespmem:s2+$0xFFFFFFD0];
	v16 =	vsub.f32 v18, v16  }
0xe4: {  	v5 =	vadd.f32 v5, v14;
	v11 =	vadd.f32 v11, v13;
	v18 =	vmul.f32 v2, v2;
	v6 =	vld [tilespmem:s2+$0xFFFFFFE0]  }
0xe5: {  	s1 =	sadd.s32 $0x80, s1;
	v15 =	vadd.f32 v17, v15;
	v12 =	vadd.f32 v19, v12;
	v7 =	vld [tilespmem:s2+$0xFFFFFFF0];
	v16 =	vmul.f32 v16, v16  }
0xe6: {  	v14 =	vadd.f32 v9, v5;
	v13 =	vadd.f32 v10, v11;
	v17 =	vld [tilespmem:s1+$0xFFFFFFD0];
	v2 =	vmov v8  }
0xe7: {  	v15 =	vadd.f32 v18, v15;
	v5 =	vld [tilespmem:s1+$0xFFFFFFE0];
	v12 =	vadd.f32 v16, v12  }
0xe8: {  	v8 =	vld [tilespmem:s1+$0xFFFFFF90]  }
0xe9: {  	v9 =	vld [tilespmem:s1+$0xFFFFFFA0]  }
0xea: {  	v10 =	vld [tilespmem:s1+$0xFFFFFFB0]  }
0xeb: {  	s0 =	sadd.s32 $0x8, s0;
	v11 =	vld [tilespmem:s1+$0xFFFFFFC0]  }
0xec: {  	p1 =	slt.u32 s0, $0xF8;
	v16 =	vld [tilespmem:s1+$0xFFFFFFF0]  }
0xed: {  	v18 =	vld [tilespmem:s1+$0x0]  }
0xee: {  	v24 =	vld.idx.msk [tilespmem:v17+s19+$0x0], $0xffff  }
0xef: {  	v17 =	vld.idx.msk [tilespmem:v5+s19+$0x0], $0xffff  }
0xf0: {  	v21 =	vld.idx.msk [tilespmem:v8+s19+$0x0], $0xffff  }
0xf1: {  	v22 =	vld.idx.msk [tilespmem:v9+s19+$0x0], $0xffff  }
.Ltmp3:
0xf2: {  	v23 =	vld.idx.msk [tilespmem:v10+s19+$0x0], $0xffff;
	(pc) =	sbr.rel @p1 .LBB2_8-.Ltmp3, $4  }
0xf3: {  	v20 =	vld.idx.msk [tilespmem:v11+s19+$0x0], $0xffff  }
0xf4: {  	v19 =	vld.idx.msk [tilespmem:v16+s19+$0x0], $0xffff  }
0xf5: {  	v16 =	vld.idx.msk [tilespmem:v18+s19+$0x0], $0xffff  }
0xf6: {  	v24 =	vsub.f32 v1, v24;
	v18 =	vld [tilespmem:s2+$0x30];
	s2 =	sadd.s32 $0x80, s2  }
0xf7: {  	[tilespmem:s19], [sflag:$0x4] =	stream.strided.gather [hbm4b:s12+s17], $0x18700, s18, s17, $0x38;
	[tilespmem:$0x1F910] =	vst v63  }
0xf8: {  	_ =	swait.ge [sflag:s24], $0x18700  }
0xf9: {  	[sflag:s24] =	ssyncset.done $0x0  }
0xfa: {  	[sflag:s24] =	ssyncadd.s32 $0xFFFE7900  }
0xfb: {  	_ =	swait.ge [sflag:s26], $0x1000  }
0xfc: {  	[sflag:s26] =	ssyncset.done $0x0  }
0xfd: {  	s2 =	simm.s32 $0x1D770;
	[sflag:s26] =	ssyncadd.s32 $0xFFFFF000  }
0xfe: {  	[tilespmem:s21], [sflag:$0x2] =	stream.strided.gather [hbm4b:s13+s17], $0x1000, s18, s17, $0x38;
	[tilespmem:$0x1F910] =	vst v63  }
0xff: {  	v25 =	vld [tilespmem:s2+$0xFFFFFFD0]  }
0x100: {  	v1 =	vld [tilespmem:s2+$0xFFFFFFE0]  }
0x101: {  	v5 =	vld [tilespmem:s2+$0xFFFFFFF0]  }
0x102: {  	v8 =	vld [tilespmem:s2+$0xFFFFFF90]  }
0x103: {  	v9 =	vld [tilespmem:s2+$0xFFFFFFA0]  }
0x104: {  	v10 =	vld [tilespmem:s2+$0xFFFFFFB0]  }
0x105: {  	s1 =	simm.s32 $0x40;
	v11 =	vld [tilespmem:s2+$0xFFFFFFC0]  }
0x106: {  	v26 =	vld [tilespmem:s1+$0x0]  }
0x107: {  	v27 =	vld [tilespmem:s1+$0x10]  }
0x108: {  	v3 =	vsub.f32 v3, v21;
	v21 =	vld [tilespmem:s1+$0xFFFFFFC0]  }
0x109: {  	v4 =	vsub.f32 v4, v22;
	v22 =	vld [tilespmem:s1+$0xFFFFFFD0]  }
0x10a: {  	v6 =	vsub.f32 v6, v23;
	v3 =	vmul.f32 v3, v3;
	v23 =	vld [tilespmem:s1+$0xFFFFFFE0]  }
0x10b: {  	v0 =	vsub.f32 v0, v17;
	v7 =	vsub.f32 v7, v20;
	v4 =	vmul.f32 v4, v4;
	v20 =	vld [tilespmem:s1+$0xFFFFFFF0]  }
0x10c: {  	v17 =	vmul.f32 v24, v24;
	v6 =	vmul.f32 v6, v6;
	v3 =	vadd.f32 v3, v14;
	v14 =	vld [tilespmem:s1+$0x20]  }
0x10d: {  	v2 =	vsub.f32 v2, v19;
	v0 =	vmul.f32 v0, v0;
	v4 =	vadd.f32 v4, v13;
	v13 =	vld [tilespmem:s1+$0x30]  }
0x10e: {  	v7 =	vmul.f32 v7, v7;
	v16 =	vsub.f32 v18, v16;
	v6 =	vadd.f32 v6, v15;
	v18 =	vld [tilespmem:s2+$0x0]  }
0x10f: {  	v2 =	vmul.f32 v2, v2;
	v3 =	vadd.f32 v17, v3;
	v0 =	vadd.f32 v0, v4;
	v15 =	vld.idx.msk [tilespmem:v26+s19+$0x0], $0xffff  }
0x110: {  	v4 =	vadd.f32 v7, v12;
	v17 =	vld.idx.msk [tilespmem:v27+s19+$0x0], $0xffff  }
0x111: {  	v2 =	vadd.f32 v2, v6;
	v0 =	vadd.f32 v0, v3;
	v3 =	vmul.f32 v16, v16;
	v21 =	vld.idx.msk [tilespmem:v21+s19+$0x0], $0xffff  }
0x112: {  	v22 =	vld.idx.msk [tilespmem:v22+s19+$0x0], $0xffff  }
0x113: {  	v3 =	vadd.f32 v3, v4;
	v0 =	vadd.f32 v2, v0;
	v23 =	vld.idx.msk [tilespmem:v23+s19+$0x0], $0xffff  }
0x114: {  	v20 =	vld.idx.msk [tilespmem:v20+s19+$0x0], $0xffff  }
0x115: {  	v7 =	vimm.f32 $0.0e+00;
	v19 =	vld.idx.msk [tilespmem:v14+s19+$0x0], $0xffff;
	v14 =	vadd.f32 v3, v0  }
0x116: {  	s0 =	simm.s32 $0x0;
	s2 =	simm.s32 $0x1D7F0;
	v16 =	vld.idx.msk [tilespmem:v13+s19+$0x0], $0xffff;
	v3 =	vimm.f32 $0.0e+00;
	v24 =	vsub.f32 v25, v15;
	v15 =	vimm.f32 $0.0e+00  }
.LBB2_10:
0x117: {  	v0 =	vld [tilespmem:s2+$0xFFFFFFD0];
	v2 =	vsub.f32 v8, v21;
	v4 =	vsub.f32 v1, v17  }
0x118: {  	v6 =	vsub.f32 v9, v22;
	v10 =	vsub.f32 v10, v23;
	v1 =	vld [tilespmem:s2+$0xFFFFFFE0]  }
0x119: {  	v11 =	vsub.f32 v11, v20;
	v13 =	vmul.f32 v24, v24;
	v12 =	vld [tilespmem:s2+$0xFFFFFFF0];
	v4 =	vmul.f32 v4, v4  }
0x11a: {  	v2 =	vmul.f32 v2, v2;
	v6 =	vmul.f32 v6, v6;
	v5 =	vsub.f32 v5, v19;
	v8 =	vld [tilespmem:s2+$0xFFFFFF90]  }
0x11b: {  	v17 =	vmul.f32 v10, v10;
	v19 =	vmul.f32 v11, v11;
	v9 =	vld [tilespmem:s2+$0xFFFFFFA0];
	v16 =	vsub.f32 v18, v16  }
0x11c: {  	v2 =	vadd.f32 v2, v14;
	v6 =	vadd.f32 v6, v7;
	v18 =	vmul.f32 v5, v5;
	v10 =	vld [tilespmem:s2+$0xFFFFFFB0]  }
0x11d: {  	s1 =	sadd.s32 $0x80, s1;
	v15 =	vadd.f32 v17, v15;
	v3 =	vadd.f32 v19, v3;
	v11 =	vld [tilespmem:s2+$0xFFFFFFC0];
	v16 =	vmul.f32 v16, v16  }
0x11e: {  	v14 =	vadd.f32 v13, v2;
	v7 =	vadd.f32 v4, v6;
	v17 =	vld [tilespmem:s1+$0x0];
	v5 =	vmov v12  }
0x11f: {  	v15 =	vadd.f32 v18, v15;
	v2 =	vld [tilespmem:s1+$0x10];
	v3 =	vadd.f32 v16, v3  }
0x120: {  	v4 =	vld [tilespmem:s1+$0xFFFFFFC0]  }
0x121: {  	v6 =	vld [tilespmem:s1+$0xFFFFFFD0]  }
0x122: {  	v12 =	vld [tilespmem:s1+$0xFFFFFFE0]  }
0x123: {  	s0 =	sadd.s32 $0x8, s0;
	v13 =	vld [tilespmem:s1+$0xFFFFFFF0]  }
0x124: {  	p1 =	slt.u32 s0, $0xF8;
	v16 =	vld [tilespmem:s1+$0x20]  }
0x125: {  	v18 =	vld [tilespmem:s1+$0x30]  }
0x126: {  	v24 =	vld.idx.msk [tilespmem:v17+s19+$0x0], $0xffff  }
0x127: {  	v17 =	vld.idx.msk [tilespmem:v2+s19+$0x0], $0xffff  }
0x128: {  	v21 =	vld.idx.msk [tilespmem:v4+s19+$0x0], $0xffff  }
0x129: {  	v22 =	vld.idx.msk [tilespmem:v6+s19+$0x0], $0xffff  }
.Ltmp4:
0x12a: {  	v23 =	vld.idx.msk [tilespmem:v12+s19+$0x0], $0xffff;
	(pc) =	sbr.rel @p1 .LBB2_10-.Ltmp4, $4  }
0x12b: {  	v20 =	vld.idx.msk [tilespmem:v13+s19+$0x0], $0xffff  }
0x12c: {  	v19 =	vld.idx.msk [tilespmem:v16+s19+$0x0], $0xffff  }
0x12d: {  	v16 =	vld.idx.msk [tilespmem:v18+s19+$0x0], $0xffff  }
0x12e: {  	v24 =	vsub.f32 v0, v24;
	v18 =	vld [tilespmem:s2+$0x0];
	s2 =	sadd.s32 $0x80, s2  }
0x12f: {  	_ =	swait.ge [sflag:s28], $0x1000  }
0x130: {  	[sflag:s28] =	ssyncset.done $0x0  }
0x131: {  	s2 =	simm.s32 $0x1E770;
	[sflag:s28] =	ssyncadd.s32 $0xFFFFF000  }
0x132: {  	v25 =	vld [tilespmem:s2+$0xFFFFFFD0]  }
0x133: {  	v0 =	vld [tilespmem:s2+$0xFFFFFFE0]  }
0x134: {  	v2 =	vld [tilespmem:s2+$0xFFFFFFF0]  }
0x135: {  	v4 =	vld [tilespmem:s2+$0xFFFFFF90]  }
0x136: {  	v6 =	vld [tilespmem:s2+$0xFFFFFFA0]  }
0x137: {  	v12 =	vld [tilespmem:s2+$0xFFFFFFB0]  }
0x138: {  	s1 =	simm.s32 $0x1070;
	v13 =	vld [tilespmem:s2+$0xFFFFFFC0]  }
0x139: {  	v26 =	vld [tilespmem:s1+$0xFFFFFFD0]  }
0x13a: {  	v27 =	vld [tilespmem:s1+$0xFFFFFFE0]  }
0x13b: {  	v8 =	vsub.f32 v8, v21;
	v21 =	vld [tilespmem:s1+$0xFFFFFF90]  }
0x13c: {  	v9 =	vsub.f32 v9, v22;
	v22 =	vld [tilespmem:s1+$0xFFFFFFA0]  }
0x13d: {  	v10 =	vsub.f32 v10, v23;
	v8 =	vmul.f32 v8, v8;
	v23 =	vld [tilespmem:s1+$0xFFFFFFB0]  }
0x13e: {  	v11 =	vsub.f32 v11, v20;
	v9 =	vmul.f32 v9, v9;
	v20 =	vld [tilespmem:s1+$0xFFFFFFC0]  }
0x13f: {  	v1 =	vsub.f32 v1, v17;
	v8 =	vadd.f32 v8, v14;
	v14 =	vld [tilespmem:s1+$0xFFFFFFF0]  }
0x140: {  	v17 =	vmul.f32 v24, v24;
	v10 =	vmul.f32 v10, v10;
	v7 =	vadd.f32 v9, v7;
	v9 =	vld [tilespmem:s1+$0x0]  }
0x141: {  	v5 =	vsub.f32 v5, v19;
	v1 =	vmul.f32 v1, v1;
	v16 =	vsub.f32 v18, v16;
	v18 =	vld [tilespmem:s2+$0x0]  }
0x142: {  	v11 =	vmul.f32 v11, v11;
	v10 =	vadd.f32 v10, v15;
	v15 =	vld.idx.msk [tilespmem:v26+s19+$0x0], $0xffff  }
0x143: {  	v5 =	vmul.f32 v5, v5;
	v8 =	vadd.f32 v17, v8;
	v1 =	vadd.f32 v1, v7;
	v17 =	vld.idx.msk [tilespmem:v27+s19+$0x0], $0xffff  }
0x144: {  	v3 =	vadd.f32 v11, v3;
	v21 =	vld.idx.msk [tilespmem:v21+s19+$0x0], $0xffff  }
0x145: {  	v5 =	vadd.f32 v5, v10;
	v7 =	vmul.f32 v16, v16;
	v1 =	vadd.f32 v1, v8;
	v22 =	vld.idx.msk [tilespmem:v22+s19+$0x0], $0xffff  }
0x146: {  	v23 =	vld.idx.msk [tilespmem:v23+s19+$0x0], $0xffff  }
0x147: {  	v3 =	vadd.f32 v7, v3;
	v1 =	vadd.f32 v5, v1;
	v20 =	vld.idx.msk [tilespmem:v20+s19+$0x0], $0xffff  }
0x148: {  	v11 =	vimm.f32 $0.0e+00;
	v10 =	vimm.f32 $0.0e+00;
	v19 =	vld.idx.msk [tilespmem:v14+s19+$0x0], $0xffff  }
0x149: {  	s0 =	simm.s32 $0x0;
	s2 =	simm.s32 $0x1E7F0;
	v14 =	vadd.f32 v3, v1;
	v16 =	vld.idx.msk [tilespmem:v9+s19+$0x0], $0xffff;
	v24 =	vsub.f32 v25, v15;
	v15 =	vimm.f32 $0.0e+00  }
.LBB2_12:
0x14a: {  	v1 =	vld [tilespmem:s2+$0xFFFFFFD0];
	v3 =	vsub.f32 v4, v21;
	v4 =	vsub.f32 v0, v17  }
0x14b: {  	v5 =	vsub.f32 v6, v22;
	v7 =	vsub.f32 v12, v23;
	v0 =	vld [tilespmem:s2+$0xFFFFFFE0]  }
0x14c: {  	v9 =	vsub.f32 v13, v20;
	v17 =	vmul.f32 v24, v24;
	v8 =	vld [tilespmem:s2+$0xFFFFFFF0];
	v20 =	vmul.f32 v4, v4  }
0x14d: {  	v3 =	vmul.f32 v3, v3;
	v5 =	vmul.f32 v5, v5;
	v2 =	vsub.f32 v2, v19;
	v4 =	vld [tilespmem:s2+$0xFFFFFF90]  }
0x14e: {  	v7 =	vmul.f32 v7, v7;
	v9 =	vmul.f32 v9, v9;
	v6 =	vld [tilespmem:s2+$0xFFFFFFA0];
	v16 =	vsub.f32 v18, v16  }
0x14f: {  	v3 =	vadd.f32 v3, v14;
	v5 =	vadd.f32 v5, v11;
	v18 =	vmul.f32 v2, v2;
	v12 =	vld [tilespmem:s2+$0xFFFFFFB0]  }
0x150: {  	s1 =	sadd.s32 $0x80, s1;
	v7 =	vadd.f32 v7, v15;
	v9 =	vadd.f32 v9, v10;
	v13 =	vld [tilespmem:s2+$0xFFFFFFC0];
	v10 =	vmul.f32 v16, v16  }
0x151: {  	v14 =	vadd.f32 v17, v3;
	v11 =	vadd.f32 v20, v5;
	v16 =	vld [tilespmem:s1+$0xFFFFFFD0];
	v2 =	vmov v8  }
0x152: {  	v15 =	vadd.f32 v18, v7;
	v3 =	vld [tilespmem:s1+$0xFFFFFFE0];
	v10 =	vadd.f32 v10, v9  }
0x153: {  	v5 =	vld [tilespmem:s1+$0xFFFFFF90]  }
0x154: {  	v7 =	vld [tilespmem:s1+$0xFFFFFFA0]  }
0x155: {  	v8 =	vld [tilespmem:s1+$0xFFFFFFB0]  }
0x156: {  	s0 =	sadd.s32 $0x8, s0;
	v9 =	vld [tilespmem:s1+$0xFFFFFFC0]  }
0x157: {  	p1 =	slt.u32 s0, $0xF8;
	v18 =	vld [tilespmem:s1+$0xFFFFFFF0]  }
0x158: {  	v24 =	vld [tilespmem:s1+$0x0]  }
0x159: {  	v25 =	vld.idx.msk [tilespmem:v16+s19+$0x0], $0xffff  }
0x15a: {  	v17 =	vld.idx.msk [tilespmem:v3+s19+$0x0], $0xffff  }
0x15b: {  	v21 =	vld.idx.msk [tilespmem:v5+s19+$0x0], $0xffff  }
0x15c: {  	v22 =	vld.idx.msk [tilespmem:v7+s19+$0x0], $0xffff  }
.Ltmp5:
0x15d: {  	v23 =	vld.idx.msk [tilespmem:v8+s19+$0x0], $0xffff;
	(pc) =	sbr.rel @p1 .LBB2_12-.Ltmp5, $4  }
0x15e: {  	v20 =	vld.idx.msk [tilespmem:v9+s19+$0x0], $0xffff  }
0x15f: {  	v19 =	vld.idx.msk [tilespmem:v18+s19+$0x0], $0xffff  }
0x160: {  	v16 =	vld.idx.msk [tilespmem:v24+s19+$0x0], $0xffff  }
0x161: {  	v24 =	vsub.f32 v1, v25;
	v18 =	vld [tilespmem:s2+$0x0];
	s2 =	sadd.s32 $0x80, s2  }
0x162: {  	_ =	swait.ge [sflag:s25], $0x1000  }
0x163: {  	[sflag:s25] =	ssyncset.done $0x0  }
0x164: {  	s2 =	simm.s32 $0x1C740;
	[sflag:s25] =	ssyncadd.s32 $0xFFFFF000  }
0x165: {  	v25 =	vld [tilespmem:s2+$0x0]  }
0x166: {  	v1 =	vld [tilespmem:s2+$0x10]  }
0x167: {  	v3 =	vld [tilespmem:s2+$0x20]  }
0x168: {  	v5 =	vld [tilespmem:s2+$0xFFFFFFC0]  }
0x169: {  	v7 =	vld [tilespmem:s2+$0xFFFFFFD0]  }
0x16a: {  	v8 =	vld [tilespmem:s2+$0xFFFFFFE0]  }
0x16b: {  	s1 =	simm.s32 $0x2070;
	v9 =	vld [tilespmem:s2+$0xFFFFFFF0]  }
0x16c: {  	v26 =	vld [tilespmem:s1+$0xFFFFFFD0]  }
0x16d: {  	v27 =	vld [tilespmem:s1+$0xFFFFFFE0]  }
0x16e: {  	v4 =	vsub.f32 v4, v21;
	v21 =	vld [tilespmem:s1+$0xFFFFFF90]  }
0x16f: {  	v6 =	vsub.f32 v6, v22;
	v22 =	vld [tilespmem:s1+$0xFFFFFFA0]  }
0x170: {  	v12 =	vsub.f32 v12, v23;
	v4 =	vmul.f32 v4, v4;
	v23 =	vld [tilespmem:s1+$0xFFFFFFB0]  }
0x171: {  	v13 =	vsub.f32 v13, v20;
	v6 =	vmul.f32 v6, v6;
	v20 =	vld [tilespmem:s1+$0xFFFFFFC0]  }
0x172: {  	v0 =	vsub.f32 v0, v17;
	v4 =	vadd.f32 v4, v14;
	v14 =	vld [tilespmem:s1+$0xFFFFFFF0]  }
0x173: {  	v17 =	vmul.f32 v24, v24;
	v12 =	vmul.f32 v12, v12;
	v6 =	vadd.f32 v6, v11;
	v11 =	vld [tilespmem:s1+$0x0]  }
0x174: {  	v2 =	vsub.f32 v2, v19;
	v0 =	vmul.f32 v0, v0;
	v16 =	vsub.f32 v18, v16;
	v18 =	vld [tilespmem:s2+$0x30]  }
0x175: {  	v13 =	vmul.f32 v13, v13;
	v12 =	vadd.f32 v12, v15;
	v15 =	vld.idx.msk [tilespmem:v26+s19+$0x0], $0xffff  }
0x176: {  	v2 =	vmul.f32 v2, v2;
	v4 =	vadd.f32 v17, v4;
	v0 =	vadd.f32 v0, v6;
	v17 =	vld.idx.msk [tilespmem:v27+s19+$0x0], $0xffff  }
0x177: {  	v6 =	vadd.f32 v13, v10;
	v21 =	vld.idx.msk [tilespmem:v21+s19+$0x0], $0xffff  }
0x178: {  	v2 =	vadd.f32 v2, v12;
	v0 =	vadd.f32 v0, v4;
	v4 =	vmul.f32 v16, v16;
	v22 =	vld.idx.msk [tilespmem:v22+s19+$0x0], $0xffff  }
0x179: {  	v23 =	vld.idx.msk [tilespmem:v23+s19+$0x0], $0xffff  }
0x17a: {  	v4 =	vadd.f32 v4, v6;
	v0 =	vadd.f32 v2, v0;
	v20 =	vld.idx.msk [tilespmem:v20+s19+$0x0], $0xffff  }
0x17b: {  	v13 =	vimm.f32 $0.0e+00;
	v12 =	vimm.f32 $0.0e+00;
	v19 =	vld.idx.msk [tilespmem:v14+s19+$0x0], $0xffff  }
0x17c: {  	s0 =	simm.s32 $0x0;
	s2 =	simm.s32 $0x1C7C0;
	v14 =	vadd.f32 v4, v0;
	v16 =	vld.idx.msk [tilespmem:v11+s19+$0x0], $0xffff;
	v24 =	vsub.f32 v25, v15;
	v15 =	vimm.f32 $0.0e+00  }
.LBB2_14:
0x17d: {  	v0 =	vld [tilespmem:s2+$0x0];
	v2 =	vsub.f32 v5, v21;
	v4 =	vsub.f32 v1, v17  }
0x17e: {  	v6 =	vsub.f32 v7, v22;
	v8 =	vsub.f32 v8, v23;
	v1 =	vld [tilespmem:s2+$0x10]  }
0x17f: {  	v9 =	vsub.f32 v9, v20;
	v11 =	vmul.f32 v24, v24;
	v10 =	vld [tilespmem:s2+$0x20];
	v4 =	vmul.f32 v4, v4  }
0x180: {  	v2 =	vmul.f32 v2, v2;
	v6 =	vmul.f32 v6, v6;
	v3 =	vsub.f32 v3, v19;
	v5 =	vld [tilespmem:s2+$0xFFFFFFC0]  }
0x181: {  	v17 =	vmul.f32 v8, v8;
	v19 =	vmul.f32 v9, v9;
	v7 =	vld [tilespmem:s2+$0xFFFFFFD0];
	v16 =	vsub.f32 v18, v16  }
0x182: {  	v2 =	vadd.f32 v2, v14;
	v6 =	vadd.f32 v6, v13;
	v18 =	vmul.f32 v3, v3;
	v8 =	vld [tilespmem:s2+$0xFFFFFFE0]  }
0x183: {  	s1 =	sadd.s32 $0x80, s1;
	v15 =	vadd.f32 v17, v15;
	v12 =	vadd.f32 v19, v12;
	v9 =	vld [tilespmem:s2+$0xFFFFFFF0];
	v16 =	vmul.f32 v16, v16  }
0x184: {  	v14 =	vadd.f32 v11, v2;
	v13 =	vadd.f32 v4, v6;
	v17 =	vld [tilespmem:s1+$0xFFFFFFD0];
	v3 =	vmov v10  }
0x185: {  	v15 =	vadd.f32 v18, v15;
	v2 =	vld [tilespmem:s1+$0xFFFFFFE0];
	v12 =	vadd.f32 v16, v12  }
0x186: {  	v4 =	vld [tilespmem:s1+$0xFFFFFF90]  }
0x187: {  	v6 =	vld [tilespmem:s1+$0xFFFFFFA0]  }
0x188: {  	v10 =	vld [tilespmem:s1+$0xFFFFFFB0]  }
0x189: {  	s0 =	sadd.s32 $0x8, s0;
	v11 =	vld [tilespmem:s1+$0xFFFFFFC0]  }
0x18a: {  	p1 =	slt.u32 s0, $0xF8;
	v16 =	vld [tilespmem:s1+$0xFFFFFFF0]  }
0x18b: {  	v18 =	vld [tilespmem:s1+$0x0]  }
0x18c: {  	v24 =	vld.idx.msk [tilespmem:v17+s19+$0x0], $0xffff  }
0x18d: {  	v17 =	vld.idx.msk [tilespmem:v2+s19+$0x0], $0xffff  }
0x18e: {  	v21 =	vld.idx.msk [tilespmem:v4+s19+$0x0], $0xffff  }
0x18f: {  	v22 =	vld.idx.msk [tilespmem:v6+s19+$0x0], $0xffff  }
.Ltmp6:
0x190: {  	v23 =	vld.idx.msk [tilespmem:v10+s19+$0x0], $0xffff;
	(pc) =	sbr.rel @p1 .LBB2_14-.Ltmp6, $4  }
0x191: {  	v20 =	vld.idx.msk [tilespmem:v11+s19+$0x0], $0xffff  }
0x192: {  	v19 =	vld.idx.msk [tilespmem:v16+s19+$0x0], $0xffff  }
0x193: {  	v16 =	vld.idx.msk [tilespmem:v18+s19+$0x0], $0xffff  }
0x194: {  	v24 =	vsub.f32 v0, v24;
	v18 =	vld [tilespmem:s2+$0x30];
	s2 =	sadd.s32 $0x80, s2  }
0x195: {  	_ =	swait.ge [sflag:s26], $0x1000  }
0x196: {  	[sflag:s26] =	ssyncset.done $0x0  }
0x197: {  	s2 =	simm.s32 $0x1D770;
	[sflag:s26] =	ssyncadd.s32 $0xFFFFF000  }
0x198: {  	v25 =	vld [tilespmem:s2+$0xFFFFFFD0]  }
0x199: {  	v0 =	vld [tilespmem:s2+$0xFFFFFFE0]  }
0x19a: {  	v2 =	vld [tilespmem:s2+$0xFFFFFFF0]  }
0x19b: {  	v4 =	vld [tilespmem:s2+$0xFFFFFF90]  }
0x19c: {  	v6 =	vld [tilespmem:s2+$0xFFFFFFA0]  }
0x19d: {  	v10 =	vld [tilespmem:s2+$0xFFFFFFB0]  }
0x19e: {  	s1 =	simm.s32 $0x3070;
	v11 =	vld [tilespmem:s2+$0xFFFFFFC0]  }
0x19f: {  	v26 =	vld [tilespmem:s1+$0xFFFFFFD0]  }
0x1a0: {  	v27 =	vld [tilespmem:s1+$0xFFFFFFE0]  }
0x1a1: {  	v61 =	vld [tilespmem:s1+$0xFFFFFF90]  }
0x1a2: {  	v7 =	vsub.f32 v7, v22;
	v62 =	vld [tilespmem:s1+$0xFFFFFFA0]  }
0x1a3: {  	v5 =	vsub.f32 v5, v21;
	v63 =	vld [tilespmem:s1+$0xFFFFFFB0]  }
0x1a4: {  	v8 =	vsub.f32 v8, v23;
	v1 =	vsub.f32 v1, v17;
	v7 =	vmul.f32 v7, v7;
	v17 =	vld [tilespmem:s1+$0xFFFFFFC0]  }
0x1a5: {  	v9 =	vsub.f32 v9, v20;
	v5 =	vmul.f32 v5, v5;
	v3 =	vsub.f32 v3, v19;
	v19 =	vld [tilespmem:s1+$0xFFFFFFF0]  }
0x1a6: {  	v8 =	vmul.f32 v8, v8;
	v1 =	vmul.f32 v1, v1;
	v7 =	vadd.f32 v7, v13;
	v13 =	vld [tilespmem:s1+$0x0]  }
0x1a7: {  	v5 =	vadd.f32 v5, v14;
	v14 =	vmul.f32 v24, v24;
	v16 =	vsub.f32 v18, v16;
	v18 =	vld.idx.msk [tilespmem:v26+s19+$0x0], $0xffff  }
0x1a8: {  	v8 =	vadd.f32 v8, v15;
	v15 =	vmul.f32 v9, v9;
	v9 =	vld.idx.msk [tilespmem:v27+s19+$0x0], $0xffff  }
0x1a9: {  	v3 =	vmul.f32 v3, v3;
	v5 =	vadd.f32 v14, v5;
	v1 =	vadd.f32 v1, v7;
	v14 =	vld.idx.msk [tilespmem:v61+s19+$0x0], $0xffff  }
0x1aa: {  	v7 =	vadd.f32 v15, v12;
	v15 =	vld.idx.msk [tilespmem:v62+s19+$0x0], $0xffff  }
0x1ab: {  	v3 =	vadd.f32 v3, v8;
	v1 =	vadd.f32 v1, v5;
	v5 =	vmul.f32 v16, v16;
	v16 =	vld.idx.msk [tilespmem:v63+s19+$0x0], $0xffff  }
0x1ac: {  	v17 =	vld.idx.msk [tilespmem:v17+s19+$0x0], $0xffff  }
0x1ad: {  	v5 =	vadd.f32 v5, v7;
	v1 =	vadd.f32 v3, v1;
	v12 =	vld.idx.msk [tilespmem:v19+s19+$0x0], $0xffff  }
0x1ae: {  	v3 =	vimm.f32 $0.0e+00;
	v7 =	vimm.f32 $0.0e+00;
	v8 =	vld.idx.msk [tilespmem:v13+s19+$0x0], $0xffff  }
0x1af: {  	s0 =	simm.s32 $0x0;
	v1 =	vadd.f32 v5, v1;
	v13 =	vld [tilespmem:s2+$0x0];
	s2 =	simm.s32 $0x1D7F0;
	v5 =	vimm.f32 $0.0e+00;
	v18 =	vsub.f32 v25, v18  }
.LBB2_16:
0x1b0: {  	v19 =	vld [tilespmem:s2+$0xFFFFFFD0];
	v14 =	vsub.f32 v4, v14;
	v4 =	vsub.f32 v0, v9  }
0x1b1: {  	v6 =	vsub.f32 v6, v15;
	v9 =	vsub.f32 v10, v16;
	v0 =	vld [tilespmem:s2+$0xFFFFFFE0]  }
0x1b2: {  	v10 =	vsub.f32 v11, v17;
	v16 =	vmul.f32 v18, v18;
	v15 =	vld [tilespmem:s2+$0xFFFFFFF0];
	v17 =	vmul.f32 v4, v4  }
0x1b3: {  	v11 =	vmul.f32 v14, v14;
	v14 =	vmul.f32 v6, v6;
	v2 =	vsub.f32 v2, v12;
	v4 =	vld [tilespmem:s2+$0xFFFFFF90]  }
0x1b4: {  	v9 =	vmul.f32 v9, v9;
	v12 =	vmul.f32 v10, v10;
	v6 =	vld [tilespmem:s2+$0xFFFFFFA0];
	v8 =	vsub.f32 v13, v8  }
0x1b5: {  	v1 =	vadd.f32 v11, v1;
	v3 =	vadd.f32 v14, v3;
	v13 =	vmul.f32 v2, v2;
	v10 =	vld [tilespmem:s2+$0xFFFFFFB0]  }
0x1b6: {  	s1 =	sadd.s32 $0x80, s1;
	v7 =	vadd.f32 v9, v7;
	v5 =	vadd.f32 v12, v5;
	v11 =	vld [tilespmem:s2+$0xFFFFFFC0];
	v8 =	vmul.f32 v8, v8  }
0x1b7: {  	v1 =	vadd.f32 v16, v1;
	v3 =	vadd.f32 v17, v3;
	v9 =	vld [tilespmem:s1+$0xFFFFFFD0];
	v2 =	vmov v15  }
0x1b8: {  	v7 =	vadd.f32 v13, v7;
	v12 =	vld [tilespmem:s1+$0xFFFFFFE0];
	v5 =	vadd.f32 v8, v5  }
0x1b9: {  	v8 =	vld [tilespmem:s1+$0xFFFFFF90]  }
0x1ba: {  	v13 =	vld [tilespmem:s1+$0xFFFFFFA0]  }
0x1bb: {  	v16 =	vld [tilespmem:s1+$0xFFFFFFB0]  }
0x1bc: {  	s0 =	sadd.s32 $0x8, s0;
	v17 =	vld [tilespmem:s1+$0xFFFFFFC0]  }
0x1bd: {  	p1 =	slt.u32 s0, $0xF8;
	v18 =	vld [tilespmem:s1+$0xFFFFFFF0]  }
0x1be: {  	v20 =	vld [tilespmem:s1+$0x0]  }
0x1bf: {  	v21 =	vld.idx.msk [tilespmem:v9+s19+$0x0], $0xffff  }
0x1c0: {  	v9 =	vld.idx.msk [tilespmem:v12+s19+$0x0], $0xffff  }
0x1c1: {  	v14 =	vld.idx.msk [tilespmem:v8+s19+$0x0], $0xffff  }
0x1c2: {  	v15 =	vld.idx.msk [tilespmem:v13+s19+$0x0], $0xffff  }
.Ltmp7:
0x1c3: {  	v16 =	vld.idx.msk [tilespmem:v16+s19+$0x0], $0xffff;
	(pc) =	sbr.rel @p1 .LBB2_16-.Ltmp7, $4  }
0x1c4: {  	v17 =	vld.idx.msk [tilespmem:v17+s19+$0x0], $0xffff  }
0x1c5: {  	v12 =	vld.idx.msk [tilespmem:v18+s19+$0x0], $0xffff  }
0x1c6: {  	v8 =	vld.idx.msk [tilespmem:v20+s19+$0x0], $0xffff  }
0x1c7: {  	v18 =	vsub.f32 v19, v21;
	v13 =	vld [tilespmem:s2+$0x0];
	s2 =	sadd.s32 $0x80, s2  }
0x1c8: {  	v4 =	vsub.f32 v4, v14;
	v6 =	vsub.f32 v6, v15  }
0x1c9: {  	v0 =	vsub.f32 v0, v9;
	v56 =	vsub.f32 v10, v16  }
0x1ca: {  	v57 =	vsub.f32 v11, v17;
	v4 =	vmul.f32 v4, v4;
	v6 =	vmul.f32 v6, v6  }
0x1cb: {  	v58 =	vmul.f32 v18, v18;
	v2 =	vsub.f32 v2, v12;
	v9 =	vmul.f32 v56, v56  }
0x1cc: {  	v0 =	vmul.f32 v0, v0;
	v1 =	vadd.f32 v4, v1;
	v3 =	vadd.f32 v6, v3  }
0x1cd: {  	v59 =	vmul.f32 v57, v57;
	v60 =	vsub.f32 v13, v8;
	v7 =	vadd.f32 v9, v7  }
0x1ce: {  	v2 =	vmul.f32 v2, v2;
	v1 =	vadd.f32 v58, v1;
	v0 =	vadd.f32 v0, v3  }
0x1cf: {  	v61 =	vadd.f32 v59, v5  }
0x1d0: {  	v62 =	vmul.f32 v60, v60;
	v2 =	vadd.f32 v2, v7;
	v0 =	vadd.f32 v0, v1;
	_ =	sdelay $0x1  }
0x1d1: {  	v63 =	vadd.f32 v62, v61;
	v0 =	vadd.f32 v2, v0;
	_ =	sdelay $0x1  }
0x1d2: {  	v0 =	vadd.f32 v63, v0;
	_ =	sdelay $0x1  }
0x1d3: {  	[tilespmem:$0x1F810] =	vst v0  }
0x1d4: {  	[spmem:s14] =	stream.linear.scatter [tilespmem:s29], [sflag:$0x6], $0x10, $0x38;
	[tilespmem:$0x1F910] =	vst v63  }
0x1d5: {  	_ =	swait.ge [sflag:s30], $0x10  }
0x1d6: {  	[sflag:s30] =	ssyncset.done $0x0  }
0x1d7: {  	[sflag:s30] =	ssyncadd.s32 $0xFFFFFFF0  }
0x1d8: {  	s0 =	simm.s32 @!p0 $0x1F710;
	[bflag:$0x0] =	sbarrier.arrive $0xFFFF  }
0x1d9: {  	[tilespmem:s0], [sflag:$0x6] =	stream.linear.gather @!p0 [spmem:s3], $0x100, $0x38;
	[tilespmem:$0x1F910] =	vst v63  }
0x1da: {  	s0 =	simm.s32 @!p0 $0x6  }
0x1db: {  	_ =	swait.ge @!p0 [sflag:s0], $0x100  }
0x1dc: {  	[sflag:s0] =	ssyncset.done @!p0 $0x0  }
0x1dd: {  	[sflag:s0] =	ssyncadd.s32 @!p0 $0xFFFFFF00  }
0x1de: {  	v0 =	vld @!p0 [tilespmem:$0x1F710];
	_ =	sdelay $0x1  }
0x1df: {  	v1 =	vld @!p0 [tilespmem:$0x1F720];
	_ =	sdelay $0x1  }
0x1e0: {  	v2 =	vld @!p0 [tilespmem:$0x1F730]  }
0x1e1: {  	v0 =	vadd.f32 @!p0 $0.0e+00, v0  }
0x1e2: {  	v3 =	vld @!p0 [tilespmem:$0x1F740]  }
0x1e3: {  	v0 =	vadd.f32 @!p0 v1, v0  }
0x1e4: {  	v1 =	vld @!p0 [tilespmem:$0x1F750]  }
0x1e5: {  	v0 =	vadd.f32 @!p0 v2, v0  }
0x1e6: {  	v2 =	vld @!p0 [tilespmem:$0x1F760]  }
0x1e7: {  	v0 =	vadd.f32 @!p0 v3, v0  }
0x1e8: {  	v3 =	vld @!p0 [tilespmem:$0x1F770]  }
0x1e9: {  	v0 =	vadd.f32 @!p0 v1, v0  }
0x1ea: {  	v1 =	vld @!p0 [tilespmem:$0x1F780]  }
0x1eb: {  	v0 =	vadd.f32 @!p0 v2, v0  }
0x1ec: {  	v2 =	vld @!p0 [tilespmem:$0x1F790]  }
0x1ed: {  	v0 =	vadd.f32 @!p0 v3, v0  }
0x1ee: {  	v3 =	vld @!p0 [tilespmem:$0x1F7A0]  }
0x1ef: {  	v0 =	vadd.f32 @!p0 v1, v0  }
0x1f0: {  	v1 =	vld @!p0 [tilespmem:$0x1F7B0]  }
0x1f1: {  	v0 =	vadd.f32 @!p0 v2, v0  }
0x1f2: {  	v2 =	vld @!p0 [tilespmem:$0x1F7C0]  }
0x1f3: {  	v0 =	vadd.f32 @!p0 v3, v0  }
0x1f4: {  	v3 =	vld @!p0 [tilespmem:$0x1F7D0]  }
0x1f5: {  	v0 =	vadd.f32 @!p0 v1, v0  }
0x1f6: {  	v1 =	vld @!p0 [tilespmem:$0x1F7E0]  }
0x1f7: {  	v0 =	vadd.f32 @!p0 v2, v0  }
0x1f8: {  	v2 =	vld @!p0 [tilespmem:$0x1F7F0]  }
0x1f9: {  	v0 =	vadd.f32 @!p0 v3, v0  }
0x1fa: {  	v3 =	vld @!p0 [tilespmem:$0x1F800]  }
0x1fb: {  	v0 =	vadd.f32 @!p0 v1, v0;
	_ =	sdelay $0x1  }
0x1fc: {  	v0 =	vadd.f32 @!p0 v2, v0;
	_ =	sdelay $0x1  }
0x1fd: {  	v0 =	vadd.f32 @!p0 v3, v0;
	_ =	sdelay $0x1  }
0x1fe: {  	s31 =	sadd.s32 $0x1, s31;
	v0 =	vmul.f32 @!p0 $9.536743160e-07, v0  }
0x1ff: {  	p1 =	sne.s32 s31, s16  }
.Ltmp8:
0x200: {  	s1 =	simm.s32 @!p0 $0x0;
	s2 =	simm.s32 @!p0 $0x1F890;
	[tilespmem:$0x1F890] =	vst @!p0 v0;
	(pc) =	sbr.rel @p1 .LBB2_1-.Ltmp8, $4  }
0x201: {  	[hbm4b:s15+s1] =	stream.linear.scatter @!p0 [tilespmem:s2], [sflag:$0x6], $0x80, $0x38;
	[tilespmem:$0x1F910] =	vst v63  }
0x202: {  	_ =	swait.ge @!p0 [sflag:s0], $0x80  }
0x203: {  	[sflag:s0] =	ssyncset.done @!p0 $0x0  }
0x204: {  	[sflag:s0] =	ssyncadd.s32 @!p0 $0xFFFFFF80  }
0x205: {  	_ =	sfence.sel $0x180000  }
0x206: {  	[bflag:$0x0] =	sbarrier.arrive $0xFFFF  }
0x207: {  	_ =	strace $0x90000047  }
0x208: {  	[bflag:$0x2] =	sbarrier.arrive $0xFFFF  }
0x209: {  	s0 =	rddreg [dreg:$0x5]  }
0x20a: {  	s0 =	sadd.s32 @!p0 $0x100000, s0  }
0x20b: {  	[sflag:s0] =	ssyncadd.tile.s32 @!p0 $0x1;
	_ =	shalt  }
.Lfunc_end2:
_tile_overlayer_lowered:
.L_overlay_start_2:
0x20c: {  	(tag) =	ssettag $0x2  }
0x20d: {  	s0 =	rddreg [dreg:$0x0];
	s2 =	stileid.u32  }
0x20e: {  	s1 =	rddreg [dreg:$0x1];
	p0 =	sne.s32 s2, $0x0  }
0x20f: {  	s3 =	rddreg [dreg:$0x2];
	[bflag:$0x3] =	sbarrier.arrive $0xFFFF;
	s2 =	simm.s32 @!p0 $0x1C06  }
0x210: {  	[timem:s3], [sflag:s2] =	dma.local @!p0 [hbm:s0], s1  }
0x211: {  	s0 =	simm.s32 @!p0 $0x6  }
0x212: {  	_ =	swait.ge @!p0 [sflag:s0], s1  }
0x213: {  	s1 =	ssub.s32 @!p0 $0x0, s1;
	[sflag:s0] =	ssyncset.done @!p0 $0x0  }
0x214: {  	[sflag:s0] =	ssyncadd.s32 @!p0 s1  }
0x215: {  	[bflag:$0x3] =	sbarrier.arrive $0xFFFF  }
0x216: {  	_ =	shalt  }

</sc_bundles>
